<compile_context>
chip_gen: v7x
topology: tpu7x:2x2x1
jax: 0.10.2.dev20260603
libtpu: 0.0.44.dev20260713+nightly
codegen_flags: <defaults>
</compile_context>

<pallas_src>
import functools

import jax
import jax.numpy as jnp
from jax import lax
from jax.experimental import pallas as pl
from jax.experimental.pallas import tpu as pltpu
import jax.experimental.pallas.tpu_sc as plsc

N = 10000
D = 128
NPAD = 10240
NC = 2
NS = 16
NW = NC * NS
CHUNK = 64
ROWS_PER_TILE = NPAD // NS


def _zero_f32_ref(ref, nwords):
    z = jnp.zeros((16,), jnp.float32)

    def body(i, _):
        ref[pl.ds(i * 16, 16)] = z
        return 0

    lax.fori_loop(0, nwords // 16, body, 0)


def _make_deg_kernel(nch):
    mesh = plsc.VectorSubcoreMesh(core_axis_name="c", subcore_axis_name="s")

    @functools.partial(
        pl.kernel,
        out_type=jax.ShapeDtypeStruct((NC, NPAD), jnp.float32),
        mesh=mesh,
        scratch_types=[
            pltpu.VMEM((nch, CHUNK), jnp.int32),
            pltpu.VMEM((CHUNK,), jnp.float32),
            pltpu.VMEM((ROWS_PER_TILE,), jnp.float32),
            pltpu.VMEM_SHARED((NPAD,), jnp.float32),
            [pltpu.SemaphoreType.DMA] * 4,
        ],
    )
    def deg_kernel(col_hbm, deg_out, colidx_v, ones_v, zbuf_v, deg_sh, dsems):
        c = lax.axis_index("c")
        s = lax.axis_index("s")
        wid = c * NS + s

        one = jnp.ones((16,), jnp.float32)
        for i in range(CHUNK // 16):
            ones_v[pl.ds(i * 16, 16)] = one
        _zero_f32_ref(zbuf_v, ROWS_PER_TILE)
        pltpu.sync_copy(zbuf_v, deg_sh.at[pl.ds(s * ROWS_PER_TILE, ROWS_PER_TILE)])
        plsc.subcore_barrier()

        pltpu.sync_copy(col_hbm.at[wid], colidx_v)

        def body(j, _):
            for m in range(4):
                @pl.when(j % 4 == m)
                def _(m=m):
                    @pl.when(j >= 4)
                    def _():
                        pltpu.make_async_copy(
                            ones_v, deg_sh.at[colidx_v.at[j - 4]], dsems[m]
                        ).wait()

                    pltpu.async_copy(
                        ones_v, deg_sh.at[colidx_v.at[j]], dsems[m], add=True
                    )

            return 0

        lax.fori_loop(0, nch, body, 0)
        for k in range(max(0, nch - 4), nch):
            pltpu.make_async_copy(
                ones_v, deg_sh.at[colidx_v.at[k]], dsems[k % 4]
            ).wait()
        plsc.subcore_barrier()
        pltpu.sync_copy(
            deg_sh.at[pl.ds(s * ROWS_PER_TILE, ROWS_PER_TILE)],
            deg_out.at[c, pl.ds(s * ROWS_PER_TILE, ROWS_PER_TILE)],
        )

    return deg_kernel


def _make_agg_kernel(nch):
    mesh = plsc.VectorSubcoreMesh(core_axis_name="c", subcore_axis_name="s")

    @functools.partial(
        pl.kernel,
        out_type=jax.ShapeDtypeStruct((NC, NPAD, D), jnp.float32),
        mesh=mesh,
        scratch_types=[
            pltpu.VMEM((8, 2, CHUNK), jnp.int32),
            pltpu.VMEM((4, CHUNK, D), jnp.float32),
            pltpu.VMEM_SHARED((NPAD, D), jnp.float32),
            [pltpu.SemaphoreType.DMA] * 8,
            [pltpu.SemaphoreType.DMA] * 4,
            [pltpu.SemaphoreType.DMA] * 4,
        ],
    )
    def agg_kernel(ei_hbm, y_hbm, acc_out,
                   idx_v, rows_v, acc_sh, isems, rsems, wsems):
        c = lax.axis_index("c")
        s = lax.axis_index("s")
        wid = c * NS + s

        z = jnp.zeros((16,), jnp.float32)

        def zb(i, _):
            r = i // (D // 16)
            q = (i % (D // 16)) * 16
            rows_v[0, r, pl.ds(q, 16)] = z
            return 0

        lax.fori_loop(0, CHUNK * (D // 16), zb, 0)
        for zi in range(ROWS_PER_TILE // CHUNK):
            pltpu.sync_copy(
                rows_v.at[0],
                acc_sh.at[pl.ds(s * ROWS_PER_TILE + zi * CHUNK, CHUNK)],
            )
        plsc.subcore_barrier()

        def fire_idx(k, q):
            pltpu.async_copy(
                ei_hbm.at[wid, pl.ds(k, 1)], idx_v.at[pl.ds(q, 1)], isems[q]
            )

        def wait_idx(k, q):
            pltpu.make_async_copy(
                ei_hbm.at[wid, pl.ds(k, 1)], idx_v.at[pl.ds(q, 1)], isems[q]
            ).wait()

        def fire_gather(q, b):
            pltpu.async_copy(y_hbm.at[idx_v.at[q, 0]], rows_v.at[b], rsems[b])

        def wait_gather(q, b):
            pltpu.make_async_copy(
                y_hbm.at[idx_v.at[q, 0]], rows_v.at[b], rsems[b]
            ).wait()

        def fire_scatter(q, b):
            pltpu.async_copy(
                rows_v.at[b], acc_sh.at[idx_v.at[q, 1]], wsems[b], add=True
            )

        def wait_scatter(q, b):
            pltpu.make_async_copy(
                rows_v.at[b], acc_sh.at[idx_v.at[q, 1]], wsems[b]
            ).wait()

        for k in range(min(5, nch)):
            fire_idx(k, k)
        wait_idx(0, 0)
        fire_gather(0, 0)

        def step(j, m):
            b = m % 4

            @pl.when(j + 1 < nch)
            def _():
                wait_idx(j + 1, (m + 1) % 8)

                @pl.when(j >= 3)
                def _():
                    wait_scatter((m + 5) % 8, (b + 1) % 4)

                fire_gather((m + 1) % 8, (b + 1) % 4)

            wait_gather(m, b)
            fire_scatter(m, b)

            @pl.when(j + 5 < nch)
            def _():
                fire_idx(j + 5, (m + 5) % 8)

        def body(j, _):
            for m in range(8):
                @pl.when(j % 8 == m)
                def _(m=m):
                    step(j, m)

            return 0

        lax.fori_loop(0, nch, body, 0)

        for k in range(max(0, nch - 4), nch):
            wait_scatter(k % 8, k % 4)
        plsc.subcore_barrier()
        pltpu.sync_copy(
            acc_sh.at[pl.ds(s * ROWS_PER_TILE, ROWS_PER_TILE)],
            acc_out.at[c, pl.ds(s * ROWS_PER_TILE, ROWS_PER_TILE)],
        )

    return agg_kernel


def _y_body(x_ref, w_ref, deg_ref, y_ref):
    xl = lax.dot_general(
        x_ref[...], w_ref[...], (((1,), (1,)), ((), ())),
        preferred_element_type=jnp.float32,
    )
    deg = deg_ref[0, :] + deg_ref[1, :] + 1.0
    y_ref[...] = xl * lax.rsqrt(deg)[:, None]


def _tc_y(x_pad, W, deg2):
    blk = 2048
    grid = NPAD // blk
    return pl.pallas_call(
        _y_body,
        grid=(grid,),
        in_specs=[
            pl.BlockSpec((blk, D), lambda i: (i, 0)),
            pl.BlockSpec((D, D), lambda i: (0, 0)),
            pl.BlockSpec((NC, blk), lambda i: (0, i)),
        ],
        out_specs=pl.BlockSpec((blk, D), lambda i: (i, 0)),
        out_shape=jax.ShapeDtypeStruct((NPAD, D), jnp.float32),
    )(x_pad, W, deg2)


def _final_body(acc_ref, y_ref, deg_ref, b_ref, o_ref):
    deg = deg_ref[:, 0] + deg_ref[:, 1] + 1.0
    dinv = lax.rsqrt(deg)[:, None]
    o_ref[...] = dinv * (acc_ref[0] + acc_ref[1] + y_ref[...]) + b_ref[...]


def _tc_final(acc2, y, deg2t, b2):
    blk = 2000
    grid = N // blk
    return pl.pallas_call(
        _final_body,
        grid=(grid,),
        in_specs=[
            pl.BlockSpec((NC, blk, D), lambda i: (0, i, 0)),
            pl.BlockSpec((blk, D), lambda i: (i, 0)),
            pl.BlockSpec((blk, NC), lambda i: (i, 0)),
            pl.BlockSpec((1, D), lambda i: (0, 0)),
        ],
        out_specs=pl.BlockSpec((blk, D), lambda i: (i, 0)),
        out_shape=jax.ShapeDtypeStruct((N, D), jnp.float32),
    )(acc2, y, deg2t, b2)


@jax.jit
def kernel(x, edge_index, W, b):
    E = edge_index.shape[1]
    per_w = -(-E // (NW * CHUNK)) * CHUNK
    nch = per_w // CHUNK
    epad = per_w * NW

    pad = jnp.full((epad - E,), N, jnp.int32)
    row3 = jnp.concatenate([edge_index[0], pad]).reshape(NW, nch, 1, CHUNK)
    col3 = jnp.concatenate([edge_index[1], pad]).reshape(NW, nch, 1, CHUNK)
    ei3 = jnp.concatenate([row3, col3], axis=2)
    x_pad = jnp.pad(x, ((0, NPAD - N), (0, 0)))

    deg2 = _make_deg_kernel(nch)(col3.reshape(NW, nch, CHUNK))
    y = _tc_y(x_pad, W, deg2)
    acc2 = _make_agg_kernel(nch)(ei3, y)
    return _tc_final(acc2, y, deg2.T, b.reshape(1, D))

# --- scband reference (transcript-rebuilt; emitter-appended) ---
"""Pipeline reference for scband-gcnencoder-87316685127964 (READ-ONLY COPY).

The authoritative reference and input builder live on the scoring server;
editing this copy changes nothing except your own understanding.
"""

import jax, jax.numpy as jnp
import numpy as np

N = 10000
E = 320000
DIN = 128
DOUT = 128


def setup_inputs(seed: int = 0) -> dict:
    key = jax.random.key(seed)
    k1, k2, k3 = jax.random.split(key, 3)
    x = jax.random.normal(k1, (N, DIN), dtype=jnp.float32)
    edge_index = jax.random.randint(k2, (2, E), 0, N, dtype=jnp.int32)
    # GCNConv lin weight: Linear(in_channels, out_channels, bias=False), init N(0, 0.0005)
    W = jax.random.normal(k3, (DOUT, DIN), dtype=jnp.float32) * 0.0005
    # GCNConv bias initialized to zeros
    b = jnp.zeros((DOUT,), dtype=jnp.float32)
    return {"x": x, "edge_index": edge_index, "W": W, "b": b}


def gcn_conv(x, W, b, edge_index):
    # Faithful PyG GCNConv: x @ W.T, add self-loops, symmetric gcn_norm, scatter-add aggregate, + bias
    n = x.shape[0]
    x_lin = x @ W.T
    loops = jnp.arange(n, dtype=edge_index.dtype)
    ei = jnp.concatenate([edge_index, jnp.stack([loops, loops], axis=0)], axis=1)
    row, col = ei[0], ei[1]
    ew = jnp.ones((ei.shape[1],), dtype=x.dtype)
    deg = jax.ops.segment_sum(ew, col, num_segments=n)
    safe_deg = jnp.where(deg > 0, deg, 1.0)
    dinv = jnp.where(deg > 0, 1.0 / jnp.sqrt(safe_deg), 0.0)
    norm = dinv[row] * dinv[col]
    msgs = norm[:, None] * jnp.take(x_lin, row, axis=0)
    out = jnp.zeros((n, x_lin.shape[1]), dtype=x.dtype).at[col].add(msgs)
    return out + b


def reference(x, edge_index, W, b):
    # GCNEncoder with num_layers=1: single GCNConv, no norm/relu/dropout
    return gcn_conv(x, W, b, edge_index)

if __name__ == "__main__":
    import jax
    _d = setup_inputs()
    print(jax.jit(kernel)(*tuple(_d.values())))

</pallas_src>

<mosaic_0001>
#map = affine_map<(d0, d1) -> (0, 0, 0)>
#map1 = affine_map<(d0, d1) -> (0, 0)>
module attributes {stable_mosaic.version = 14 : i64} {
  func.func @deg_kernel(%arg0: i32, %arg1: i32, %arg2: memref<32x157x64xi32, #tpu.memory_space<hbm>>, %arg3: memref<2x10240xf32, #tpu.memory_space<hbm>>, %arg4: memref<157x64xi32, #tpu.memory_space<vmem>>, %arg5: memref<64xf32, #tpu.memory_space<vmem>>, %arg6: memref<640xf32, #tpu.memory_space<vmem>>, %arg7: memref<10240xf32, #tpu.memory_space<vmem_shared>>, %arg8: memref<!tpu.dma_semaphore, #tpu.memory_space<semaphore_mem>>, %arg9: memref<!tpu.dma_semaphore, #tpu.memory_space<semaphore_mem>>, %arg10: memref<!tpu.dma_semaphore, #tpu.memory_space<semaphore_mem>>, %arg11: memref<!tpu.dma_semaphore, #tpu.memory_space<semaphore_mem>>) attributes {dimension_semantics = [#tpu.dimension_semantics<core_parallel>, #tpu.dimension_semantics<subcore_parallel>], iteration_bounds = array<i64: 2, 16>, scalar_prefetch = 0 : i64, scratch_operands = 8 : i64, tpu.core_type = #tpu.core_type<sc_vector_subcore>, window_params = [{transform_indices = #map}, {transform_indices = #map1}]} {
    %mul3A = arith.constant 16 : i32
    %mul3A_0 = arith.muli %arg0, %mul3A : i32
    %add3A = arith.addi %mul3A_0, %arg1 : i32
    %broadcast_in_dim3A = arith.constant 1.000000e+00 : f32
    %broadcast_in_dim3A_1 = vector.broadcast %broadcast_in_dim3A : f32 to vector<16xf32>
    %swap3A = arith.constant 0 : index
    %swap3A_2 = tpu.vector_load %arg5[%swap3A] {strides = array<i32>} : memref<64xf32, #tpu.memory_space<vmem>>, vector<16xf32>,
    %swap3A_3 = vector.shape_cast %swap3A_2 : vector<16xf32> to vector<16xf32>
    %swap3A_4 = vector.shape_cast %broadcast_in_dim3A_1 : vector<16xf32> to vector<16xf32>
    tpu.vector_store %arg5[%swap3A], %swap3A_4 {strides = array<i32>} : memref<64xf32, #tpu.memory_space<vmem>>, vector<16xf32>,
    %swap3A_5 = arith.constant 16 : index
    %swap3A_6 = tpu.vector_load %arg5[%swap3A_5] {strides = array<i32>} : memref<64xf32, #tpu.memory_space<vmem>>, vector<16xf32>,
    %swap3A_7 = vector.shape_cast %swap3A_6 : vector<16xf32> to vector<16xf32>
    %swap3A_8 = vector.shape_cast %broadcast_in_dim3A_1 : vector<16xf32> to vector<16xf32>
    tpu.vector_store %arg5[%swap3A_5], %swap3A_8 {strides = array<i32>} : memref<64xf32, #tpu.memory_space<vmem>>, vector<16xf32>,
    %swap3A_9 = arith.constant 32 : index
    %swap3A_10 = tpu.vector_load %arg5[%swap3A_9] {strides = array<i32>} : memref<64xf32, #tpu.memory_space<vmem>>, vector<16xf32>,
    %swap3A_11 = vector.shape_cast %swap3A_10 : vector<16xf32> to vector<16xf32>
    %swap3A_12 = vector.shape_cast %broadcast_in_dim3A_1 : vector<16xf32> to vector<16xf32>
    tpu.vector_store %arg5[%swap3A_9], %swap3A_12 {strides = array<i32>} : memref<64xf32, #tpu.memory_space<vmem>>, vector<16xf32>,
    %swap3A_13 = arith.constant 48 : index
    %swap3A_14 = tpu.vector_load %arg5[%swap3A_13] {strides = array<i32>} : memref<64xf32, #tpu.memory_space<vmem>>, vector<16xf32>,
    %swap3A_15 = vector.shape_cast %swap3A_14 : vector<16xf32> to vector<16xf32>
    %swap3A_16 = vector.shape_cast %broadcast_in_dim3A_1 : vector<16xf32> to vector<16xf32>
    tpu.vector_store %arg5[%swap3A_13], %swap3A_16 {strides = array<i32>} : memref<64xf32, #tpu.memory_space<vmem>>, vector<16xf32>,
    %broadcast_in_dim3A_17 = arith.constant 0.000000e+00 : f32
    %broadcast_in_dim3A_18 = vector.broadcast %broadcast_in_dim3A_17 : f32 to vector<16xf32>
    %scan3A = arith.constant 0 : i32
    %scan3A_19 = arith.constant 0 : i32
    %scan3A_20 = arith.constant 40 : i32
    %scan3A_21 = arith.addi %scan3A_19, %scan3A_20 : i32
    %scan3A_22 = arith.constant 1 : i32
    %scan3A_23 = scf.for %scan3A_62 = %scan3A_19 to %scan3A_21 step %scan3A_22 iter_args(%scan3A_63 = %scan3A) -> (i32)  : i32 {
      %mul3A_64 = arith.constant 16 : i32
      %mul3A_65 = arith.muli %scan3A_62, %mul3A_64 : i32
      %swap3A_66 = arith.index_cast %mul3A_65 : i32 to index
      %swap3A_67 = tpu.vector_load %arg6[%swap3A_66] {strides = array<i32>} : memref<640xf32, #tpu.memory_space<vmem>>, vector<16xf32>,
      %swap3A_68 = vector.shape_cast %swap3A_67 : vector<16xf32> to vector<16xf32>
      %swap3A_69 = vector.shape_cast %broadcast_in_dim3A_18 : vector<16xf32> to vector<16xf32>
      tpu.vector_store %arg6[%swap3A_66], %swap3A_69 {strides = array<i32>} : memref<640xf32, #tpu.memory_space<vmem>>, vector<16xf32>,
      %scan3A_70 = arith.constant 0 : i32
      scf.yield %scan3A_70 : i32
    }
    %scan3A_24 = arith.constant 40 : i32
    %mul3A_25 = arith.constant 640 : i32
    %mul3A_26 = arith.muli %arg1, %mul3A_25 : i32
    "tpu.region"() ({
      %run_scoped3A = tpu.sem_alloc : memref<!tpu.dma_semaphore, #tpu.memory_space<semaphore_mem>>
      %dma_start3A = tpu.memref_slice %arg7[%mul3A_26] : memref<10240xf32, #tpu.memory_space<vmem_shared>> -> memref<640xf32, #tpu.memory_space<vmem_shared>>
      %dma_start3A_62 = tpu.memref_slice %arg7[%mul3A_26] : memref<10240xf32, #tpu.memory_space<vmem_shared>> -> memref<640xf32, #tpu.memory_space<vmem_shared>>
      tpu.enqueue_dma source(%arg6 : memref<640xf32, #tpu.memory_space<vmem>>) target(%dma_start3A_62 : memref<640xf32, #tpu.memory_space<vmem_shared>>) target_semaphore(%run_scoped3A : memref<!tpu.dma_semaphore, #tpu.memory_space<semaphore_mem>>)
      %dma_wait3A_63 = tpu.memref_slice %arg7[%mul3A_26] : memref<10240xf32, #tpu.memory_space<vmem_shared>> -> memref<640xf32, #tpu.memory_space<vmem_shared>>
      %dma_wait3A_64 = tpu.memref_slice %arg7[%mul3A_26] : memref<10240xf32, #tpu.memory_space<vmem_shared>> -> memref<640xf32, #tpu.memory_space<vmem_shared>>
      tpu.wait_dma2 semaphore(%run_scoped3A : memref<!tpu.dma_semaphore, #tpu.memory_space<semaphore_mem>>) src(%arg6 : memref<640xf32, #tpu.memory_space<vmem>>) dst(%dma_wait3A_64 : memref<640xf32, #tpu.memory_space<vmem_shared>>)
      tpu.yield
    }) : () -> ()
    %barrier3A = arith.constant 0 : index
    tpu.barrier barrier_id(%barrier3A)
    "tpu.region"() ({
      %run_scoped3A = tpu.sem_alloc : memref<!tpu.dma_semaphore, #tpu.memory_space<semaphore_mem>>
      %dma_start3A = arith.constant 0 : i32
      %dma_start3A_62 = arith.constant 0 : i32
      %dma_start3A_63 = tpu.memref_slice %arg2[%add3A, %dma_start3A, %dma_start3A_62] : memref<32x157x64xi32, #tpu.memory_space<hbm>> -> memref<1x157x64xi32, #tpu.memory_space<hbm>>
      %dma_start3A_64 = tpu.memref_squeeze %dma_start3A_63 : memref<1x157x64xi32, #tpu.memory_space<hbm>> -> memref<157x64xi32, #tpu.memory_space<hbm>>
      %dma_start3A_65 = arith.constant 0 : i32
      %dma_start3A_66 = arith.constant 0 : i32
      %dma_start3A_67 = tpu.memref_slice %arg2[%add3A, %dma_start3A_65, %dma_start3A_66] : memref<32x157x64xi32, #tpu.memory_space<hbm>> -> memref<1x157x64xi32, #tpu.memory_space<hbm>>
      %dma_start3A_68 = tpu.memref_squeeze %dma_start3A_67 : memref<1x157x64xi32, #tpu.memory_space<hbm>> -> memref<157x64xi32, #tpu.memory_space<hbm>>
      tpu.enqueue_dma source(%dma_start3A_68 : memref<157x64xi32, #tpu.memory_space<hbm>>) target(%arg4 : memref<157x64xi32, #tpu.memory_space<vmem>>) target_semaphore(%run_scoped3A : memref<!tpu.dma_semaphore, #tpu.memory_space<semaphore_mem>>)
      %dma_wait3A_69 = arith.constant 0 : i32
      %dma_wait3A_70 = arith.constant 0 : i32
      %dma_wait3A_71 = tpu.memref_slice %arg2[%add3A, %dma_wait3A_69, %dma_wait3A_70] : memref<32x157x64xi32, #tpu.memory_space<hbm>> -> memref<1x157x64xi32, #tpu.memory_space<hbm>>
      %dma_wait3A_72 = tpu.memref_squeeze %dma_wait3A_71 : memref<1x157x64xi32, #tpu.memory_space<hbm>> -> memref<157x64xi32, #tpu.memory_space<hbm>>
      %dma_wait3A_73 = arith.constant 0 : i32
      %dma_wait3A_74 = arith.constant 0 : i32
      %dma_wait3A_75 = tpu.memref_slice %arg2[%add3A, %dma_wait3A_73, %dma_wait3A_74] : memref<32x157x64xi32, #tpu.memory_space<hbm>> -> memref<1x157x64xi32, #tpu.memory_space<hbm>>
      %dma_wait3A_76 = tpu.memref_squeeze %dma_wait3A_75 : memref<1x157x64xi32, #tpu.memory_space<hbm>> -> memref<157x64xi32, #tpu.memory_space<hbm>>
      tpu.wait_dma2 semaphore(%run_scoped3A : memref<!tpu.dma_semaphore, #tpu.memory_space<semaphore_mem>>) src(%dma_wait3A_76 : memref<157x64xi32, #tpu.memory_space<hbm>>) dst(%arg4 : memref<157x64xi32, #tpu.memory_space<vmem>>)
      tpu.yield
    }) : () -> ()
    %scan3A_27 = arith.constant 0 : i32
    %scan3A_28 = arith.constant 0 : i32
    %scan3A_29 = arith.constant 157 : i32
    %scan3A_30 = arith.addi %scan3A_28, %scan3A_29 : i32
    %scan3A_31 = arith.constant 1 : i32
    %scan3A_32 = scf.for %scan3A_62 = %scan3A_28 to %scan3A_30 step %scan3A_31 iter_args(%scan3A_63 = %scan3A_27) -> (i32)  : i32 {
      %jit3A = arith.constant 4 : i32
      %eq3A = arith.constant 0 : i32
      %eq3A_64 = arith.cmpi eq, %jit3A, %eq3A : i32
      %jit3A_65 = arith.constant 1 : i32
      %select_n3A = arith.select %eq3A_64, %jit3A_65, %jit3A : i32
      %rem3A = arith.remsi %scan3A_62, %select_n3A : i32
      %ne3A = arith.constant 0 : i32
      %ne3A_66 = arith.cmpi ne, %rem3A, %ne3A : i32
      %lt3A = arith.constant 0 : i32
      %lt3A_67 = arith.cmpi slt, %rem3A, %lt3A : i32
      %lt3A_68 = arith.constant 0 : i32
      %lt3A_69 = arith.cmpi slt, %select_n3A, %lt3A_68 : i32
      %ne3A_70 = arith.xori %lt3A_67, %lt3A_69 : i1
      %and3A = arith.andi %ne3A_70, %ne3A_66 : i1
      %add3A_71 = arith.addi %rem3A, %select_n3A : i32
      %select_n3A_72 = arith.select %and3A, %add3A_71, %rem3A : i32
      %eq3A_73 = arith.constant 0 : i32
      %eq3A_74 = arith.cmpi eq, %select_n3A_72, %eq3A_73 : i32
      %convert_element_type3A = arith.extui %eq3A_74 : i1 to i32
      %cond3A = arith.constant 0 : i32
      %cond3A_75 = arith.cmpi ne, %convert_element_type3A, %cond3A : i32
      scf.if %cond3A_75 {
        %ge3A = arith.constant 4 : i32
        %ge3A_140 = arith.cmpi sge, %scan3A_62, %ge3A : i32
        %convert_element_type3A_141 = arith.extui %ge3A_140 : i1 to i32
        %cond3A_142 = arith.constant 0 : i32
        %cond3A_143 = arith.cmpi ne, %convert_element_type3A_141, %cond3A_142 : i32
        scf.if %cond3A_143 {
          %sub3A = arith.constant 4 : i32
          %sub3A_148 = arith.subi %scan3A_62, %sub3A : i32
          %dma_wait3A_149 = arith.constant 0 : i32
          %dma_wait3A_150 = tpu.memref_slice %arg4[%sub3A_148, %dma_wait3A_149] : memref<157x64xi32, #tpu.memory_space<vmem>> -> memref<1x64xi32, #tpu.memory_space<vmem>>
          %dma_wait3A_151 = tpu.memref_squeeze %dma_wait3A_150 : memref<1x64xi32, #tpu.memory_space<vmem>> -> memref<64xi32, #tpu.memory_space<vmem>>
          %dma_wait3A_152 = arith.constant 0 : i32
          %dma_wait3A_153 = tpu.memref_slice %arg7[%dma_wait3A_152] : memref<10240xf32, #tpu.memory_space<vmem_shared>> -> memref<10240xf32, #tpu.memory_space<vmem_shared>>
          tpu.wait_indirect_dma semaphore(%arg8 : memref<!tpu.dma_semaphore, #tpu.memory_space<semaphore_mem>>) src(%arg5 : memref<64xf32, #tpu.memory_space<vmem>>) dst(%dma_wait3A_153 : memref<10240xf32, #tpu.memory_space<vmem_shared>>)
        } else {
        }
        %dma_start3A = arith.constant 0 : i32
        %dma_start3A_144 = tpu.memref_slice %arg4[%scan3A_62, %dma_start3A] : memref<157x64xi32, #tpu.memory_space<vmem>> -> memref<1x64xi32, #tpu.memory_space<vmem>>
        %dma_start3A_145 = tpu.memref_squeeze %dma_start3A_144 : memref<1x64xi32, #tpu.memory_space<vmem>> -> memref<64xi32, #tpu.memory_space<vmem>>
        %dma_start3A_146 = arith.constant 0 : i32
        %dma_start3A_147 = tpu.memref_slice %arg7[%dma_start3A_146] : memref<10240xf32, #tpu.memory_space<vmem_shared>> -> memref<10240xf32, #tpu.memory_space<vmem_shared>>
        tpu.enqueue_indirect_dma source(%arg5 : memref<64xf32, #tpu.memory_space<vmem>>) target(%dma_start3A_147 : memref<10240xf32, #tpu.memory_space<vmem_shared>>) offsets(%dma_start3A_145 : memref<64xi32, #tpu.memory_space<vmem>>) semaphore(%arg8 : memref<!tpu.dma_semaphore, #tpu.memory_space<semaphore_mem>>) {add = true}
      } else {
      }
      %jit3A_76 = arith.constant 4 : i32
      %eq3A_77 = arith.constant 0 : i32
      %eq3A_78 = arith.cmpi eq, %jit3A_76, %eq3A_77 : i32
      %jit3A_79 = arith.constant 1 : i32
      %select_n3A_80 = arith.select %eq3A_78, %jit3A_79, %jit3A_76 : i32
      %rem3A_81 = arith.remsi %scan3A_62, %select_n3A_80 : i32
      %ne3A_82 = arith.constant 0 : i32
      %ne3A_83 = arith.cmpi ne, %rem3A_81, %ne3A_82 : i32
      %lt3A_84 = arith.constant 0 : i32
      %lt3A_85 = arith.cmpi slt, %rem3A_81, %lt3A_84 : i32
      %lt3A_86 = arith.constant 0 : i32
      %lt3A_87 = arith.cmpi slt, %select_n3A_80, %lt3A_86 : i32
      %ne3A_88 = arith.xori %lt3A_85, %lt3A_87 : i1
      %and3A_89 = arith.andi %ne3A_88, %ne3A_83 : i1
      %add3A_90 = arith.addi %rem3A_81, %select_n3A_80 : i32
      %select_n3A_91 = arith.select %and3A_89, %add3A_90, %rem3A_81 : i32
      %eq3A_92 = arith.constant 1 : i32
      %eq3A_93 = arith.cmpi eq, %select_n3A_91, %eq3A_92 : i32
      %convert_element_type3A_94 = arith.extui %eq3A_93 : i1 to i32
      %cond3A_95 = arith.constant 0 : i32
      %cond3A_96 = arith.cmpi ne, %convert_element_type3A_94, %cond3A_95 : i32
      scf.if %cond3A_96 {
        %ge3A = arith.constant 4 : i32
        %ge3A_140 = arith.cmpi sge, %scan3A_62, %ge3A : i32
        %convert_element_type3A_141 = arith.extui %ge3A_140 : i1 to i32
        %cond3A_142 = arith.constant 0 : i32
        %cond3A_143 = arith.cmpi ne, %convert_element_type3A_141, %cond3A_142 : i32
        scf.if %cond3A_143 {
          %sub3A = arith.constant 4 : i32
          %sub3A_148 = arith.subi %scan3A_62, %sub3A : i32
          %dma_wait3A_149 = arith.constant 0 : i32
          %dma_wait3A_150 = tpu.memref_slice %arg4[%sub3A_148, %dma_wait3A_149] : memref<157x64xi32, #tpu.memory_space<vmem>> -> memref<1x64xi32, #tpu.memory_space<vmem>>
          %dma_wait3A_151 = tpu.memref_squeeze %dma_wait3A_150 : memref<1x64xi32, #tpu.memory_space<vmem>> -> memref<64xi32, #tpu.memory_space<vmem>>
          %dma_wait3A_152 = arith.constant 0 : i32
          %dma_wait3A_153 = tpu.memref_slice %arg7[%dma_wait3A_152] : memref<10240xf32, #tpu.memory_space<vmem_shared>> -> memref<10240xf32, #tpu.memory_space<vmem_shared>>
          tpu.wait_indirect_dma semaphore(%arg9 : memref<!tpu.dma_semaphore, #tpu.memory_space<semaphore_mem>>) src(%arg5 : memref<64xf32, #tpu.memory_space<vmem>>) dst(%dma_wait3A_153 : memref<10240xf32, #tpu.memory_space<vmem_shared>>)
        } else {
        }
        %dma_start3A = arith.constant 0 : i32
        %dma_start3A_144 = tpu.memref_slice %arg4[%scan3A_62, %dma_start3A] : memref<157x64xi32, #tpu.memory_space<vmem>> -> memref<1x64xi32, #tpu.memory_space<vmem>>
        %dma_start3A_145 = tpu.memref_squeeze %dma_start3A_144 : memref<1x64xi32, #tpu.memory_space<vmem>> -> memref<64xi32, #tpu.memory_space<vmem>>
        %dma_start3A_146 = arith.constant 0 : i32
        %dma_start3A_147 = tpu.memref_slice %arg7[%dma_start3A_146] : memref<10240xf32, #tpu.memory_space<vmem_shared>> -> memref<10240xf32, #tpu.memory_space<vmem_shared>>
        tpu.enqueue_indirect_dma source(%arg5 : memref<64xf32, #tpu.memory_space<vmem>>) target(%dma_start3A_147 : memref<10240xf32, #tpu.memory_space<vmem_shared>>) offsets(%dma_start3A_145 : memref<64xi32, #tpu.memory_space<vmem>>) semaphore(%arg9 : memref<!tpu.dma_semaphore, #tpu.memory_space<semaphore_mem>>) {add = true}
      } else {
      }
      %jit3A_97 = arith.constant 4 : i32
      %eq3A_98 = arith.constant 0 : i32
      %eq3A_99 = arith.cmpi eq, %jit3A_97, %eq3A_98 : i32
      %jit3A_100 = arith.constant 1 : i32
      %select_n3A_101 = arith.select %eq3A_99, %jit3A_100, %jit3A_97 : i32
      %rem3A_102 = arith.remsi %scan3A_62, %select_n3A_101 : i32
      %ne3A_103 = arith.constant 0 : i32
      %ne3A_104 = arith.cmpi ne, %rem3A_102, %ne3A_103 : i32
      %lt3A_105 = arith.constant 0 : i32
      %lt3A_106 = arith.cmpi slt, %rem3A_102, %lt3A_105 : i32
      %lt3A_107 = arith.constant 0 : i32
      %lt3A_108 = arith.cmpi slt, %select_n3A_101, %lt3A_107 : i32
      %ne3A_109 = arith.xori %lt3A_106, %lt3A_108 : i1
      %and3A_110 = arith.andi %ne3A_109, %ne3A_104 : i1
      %add3A_111 = arith.addi %rem3A_102, %select_n3A_101 : i32
      %select_n3A_112 = arith.select %and3A_110, %add3A_111, %rem3A_102 : i32
      %eq3A_113 = arith.constant 2 : i32
      %eq3A_114 = arith.cmpi eq, %select_n3A_112, %eq3A_113 : i32
      %convert_element_type3A_115 = arith.extui %eq3A_114 : i1 to i32
      %cond3A_116 = arith.constant 0 : i32
      %cond3A_117 = arith.cmpi ne, %convert_element_type3A_115, %cond3A_116 : i32
      scf.if %cond3A_117 {
        %ge3A = arith.constant 4 : i32
        %ge3A_140 = arith.cmpi sge, %scan3A_62, %ge3A : i32
        %convert_element_type3A_141 = arith.extui %ge3A_140 : i1 to i32
        %cond3A_142 = arith.constant 0 : i32
        %cond3A_143 = arith.cmpi ne, %convert_element_type3A_141, %cond3A_142 : i32
        scf.if %cond3A_143 {
          %sub3A = arith.constant 4 : i32
          %sub3A_148 = arith.subi %scan3A_62, %sub3A : i32
          %dma_wait3A_149 = arith.constant 0 : i32
          %dma_wait3A_150 = tpu.memref_slice %arg4[%sub3A_148, %dma_wait3A_149] : memref<157x64xi32, #tpu.memory_space<vmem>> -> memref<1x64xi32, #tpu.memory_space<vmem>>
          %dma_wait3A_151 = tpu.memref_squeeze %dma_wait3A_150 : memref<1x64xi32, #tpu.memory_space<vmem>> -> memref<64xi32, #tpu.memory_space<vmem>>
          %dma_wait3A_152 = arith.constant 0 : i32
          %dma_wait3A_153 = tpu.memref_slice %arg7[%dma_wait3A_152] : memref<10240xf32, #tpu.memory_space<vmem_shared>> -> memref<10240xf32, #tpu.memory_space<vmem_shared>>
          tpu.wait_indirect_dma semaphore(%arg10 : memref<!tpu.dma_semaphore, #tpu.memory_space<semaphore_mem>>) src(%arg5 : memref<64xf32, #tpu.memory_space<vmem>>) dst(%dma_wait3A_153 : memref<10240xf32, #tpu.memory_space<vmem_shared>>)
        } else {
        }
        %dma_start3A = arith.constant 0 : i32
        %dma_start3A_144 = tpu.memref_slice %arg4[%scan3A_62, %dma_start3A] : memref<157x64xi32, #tpu.memory_space<vmem>> -> memref<1x64xi32, #tpu.memory_space<vmem>>
        %dma_start3A_145 = tpu.memref_squeeze %dma_start3A_144 : memref<1x64xi32, #tpu.memory_space<vmem>> -> memref<64xi32, #tpu.memory_space<vmem>>
        %dma_start3A_146 = arith.constant 0 : i32
        %dma_start3A_147 = tpu.memref_slice %arg7[%dma_start3A_146] : memref<10240xf32, #tpu.memory_space<vmem_shared>> -> memref<10240xf32, #tpu.memory_space<vmem_shared>>
        tpu.enqueue_indirect_dma source(%arg5 : memref<64xf32, #tpu.memory_space<vmem>>) target(%dma_start3A_147 : memref<10240xf32, #tpu.memory_space<vmem_shared>>) offsets(%dma_start3A_145 : memref<64xi32, #tpu.memory_space<vmem>>) semaphore(%arg10 : memref<!tpu.dma_semaphore, #tpu.memory_space<semaphore_mem>>) {add = true}
      } else {
      }
      %jit3A_118 = arith.constant 4 : i32
      %eq3A_119 = arith.constant 0 : i32
      %eq3A_120 = arith.cmpi eq, %jit3A_118, %eq3A_119 : i32
      %jit3A_121 = arith.constant 1 : i32
      %select_n3A_122 = arith.select %eq3A_120, %jit3A_121, %jit3A_118 : i32
      %rem3A_123 = arith.remsi %scan3A_62, %select_n3A_122 : i32
      %ne3A_124 = arith.constant 0 : i32
      %ne3A_125 = arith.cmpi ne, %rem3A_123, %ne3A_124 : i32
      %lt3A_126 = arith.constant 0 : i32
      %lt3A_127 = arith.cmpi slt, %rem3A_123, %lt3A_126 : i32
      %lt3A_128 = arith.constant 0 : i32
      %lt3A_129 = arith.cmpi slt, %select_n3A_122, %lt3A_128 : i32
      %ne3A_130 = arith.xori %lt3A_127, %lt3A_129 : i1
      %and3A_131 = arith.andi %ne3A_130, %ne3A_125 : i1
      %add3A_132 = arith.addi %rem3A_123, %select_n3A_122 : i32
      %select_n3A_133 = arith.select %and3A_131, %add3A_132, %rem3A_123 : i32
      %eq3A_134 = arith.constant 3 : i32
      %eq3A_135 = arith.cmpi eq, %select_n3A_133, %eq3A_134 : i32
      %convert_element_type3A_136 = arith.extui %eq3A_135 : i1 to i32
      %cond3A_137 = arith.constant 0 : i32
      %cond3A_138 = arith.cmpi ne, %convert_element_type3A_136, %cond3A_137 : i32
      scf.if %cond3A_138 {
        %ge3A = arith.constant 4 : i32
        %ge3A_140 = arith.cmpi sge, %scan3A_62, %ge3A : i32
        %convert_element_type3A_141 = arith.extui %ge3A_140 : i1 to i32
        %cond3A_142 = arith.constant 0 : i32
        %cond3A_143 = arith.cmpi ne, %convert_element_type3A_141, %cond3A_142 : i32
        scf.if %cond3A_143 {
          %sub3A = arith.constant 4 : i32
          %sub3A_148 = arith.subi %scan3A_62, %sub3A : i32
          %dma_wait3A_149 = arith.constant 0 : i32
          %dma_wait3A_150 = tpu.memref_slice %arg4[%sub3A_148, %dma_wait3A_149] : memref<157x64xi32, #tpu.memory_space<vmem>> -> memref<1x64xi32, #tpu.memory_space<vmem>>
          %dma_wait3A_151 = tpu.memref_squeeze %dma_wait3A_150 : memref<1x64xi32, #tpu.memory_space<vmem>> -> memref<64xi32, #tpu.memory_space<vmem>>
          %dma_wait3A_152 = arith.constant 0 : i32
          %dma_wait3A_153 = tpu.memref_slice %arg7[%dma_wait3A_152] : memref<10240xf32, #tpu.memory_space<vmem_shared>> -> memref<10240xf32, #tpu.memory_space<vmem_shared>>
          tpu.wait_indirect_dma semaphore(%arg11 : memref<!tpu.dma_semaphore, #tpu.memory_space<semaphore_mem>>) src(%arg5 : memref<64xf32, #tpu.memory_space<vmem>>) dst(%dma_wait3A_153 : memref<10240xf32, #tpu.memory_space<vmem_shared>>)
        } else {
        }
        %dma_start3A = arith.constant 0 : i32
        %dma_start3A_144 = tpu.memref_slice %arg4[%scan3A_62, %dma_start3A] : memref<157x64xi32, #tpu.memory_space<vmem>> -> memref<1x64xi32, #tpu.memory_space<vmem>>
        %dma_start3A_145 = tpu.memref_squeeze %dma_start3A_144 : memref<1x64xi32, #tpu.memory_space<vmem>> -> memref<64xi32, #tpu.memory_space<vmem>>
        %dma_start3A_146 = arith.constant 0 : i32
        %dma_start3A_147 = tpu.memref_slice %arg7[%dma_start3A_146] : memref<10240xf32, #tpu.memory_space<vmem_shared>> -> memref<10240xf32, #tpu.memory_space<vmem_shared>>
        tpu.enqueue_indirect_dma source(%arg5 : memref<64xf32, #tpu.memory_space<vmem>>) target(%dma_start3A_147 : memref<10240xf32, #tpu.memory_space<vmem_shared>>) offsets(%dma_start3A_145 : memref<64xi32, #tpu.memory_space<vmem>>) semaphore(%arg11 : memref<!tpu.dma_semaphore, #tpu.memory_space<semaphore_mem>>) {add = true}
      } else {
      }
      %scan3A_139 = arith.constant 0 : i32
      scf.yield %scan3A_139 : i32
    }
    %scan3A_33 = arith.constant 157 : i32
    %dma_wait3A = arith.constant 153 : i32
    %dma_wait3A_34 = arith.constant 0 : i32
    %dma_wait3A_35 = tpu.memref_slice %arg4[%dma_wait3A, %dma_wait3A_34] : memref<157x64xi32, #tpu.memory_space<vmem>> -> memref<1x64xi32, #tpu.memory_space<vmem>>
    %dma_wait3A_36 = tpu.memref_squeeze %dma_wait3A_35 : memref<1x64xi32, #tpu.memory_space<vmem>> -> memref<64xi32, #tpu.memory_space<vmem>>
    %dma_wait3A_37 = arith.constant 0 : i32
    %dma_wait3A_38 = tpu.memref_slice %arg7[%dma_wait3A_37] : memref<10240xf32, #tpu.memory_space<vmem_shared>> -> memref<10240xf32, #tpu.memory_space<vmem_shared>>
    tpu.wait_indirect_dma semaphore(%arg9 : memref<!tpu.dma_semaphore, #tpu.memory_space<semaphore_mem>>) src(%arg5 : memref<64xf32, #tpu.memory_space<vmem>>) dst(%dma_wait3A_38 : memref<10240xf32, #tpu.memory_space<vmem_shared>>)
    %dma_wait3A_39 = arith.constant 154 : i32
    %dma_wait3A_40 = arith.constant 0 : i32
    %dma_wait3A_41 = tpu.memref_slice %arg4[%dma_wait3A_39, %dma_wait3A_40] : memref<157x64xi32, #tpu.memory_space<vmem>> -> memref<1x64xi32, #tpu.memory_space<vmem>>
    %dma_wait3A_42 = tpu.memref_squeeze %dma_wait3A_41 : memref<1x64xi32, #tpu.memory_space<vmem>> -> memref<64xi32, #tpu.memory_space<vmem>>
    %dma_wait3A_43 = arith.constant 0 : i32
    %dma_wait3A_44 = tpu.memref_slice %arg7[%dma_wait3A_43] : memref<10240xf32, #tpu.memory_space<vmem_shared>> -> memref<10240xf32, #tpu.memory_space<vmem_shared>>
    tpu.wait_indirect_dma semaphore(%arg10 : memref<!tpu.dma_semaphore, #tpu.memory_space<semaphore_mem>>) src(%arg5 : memref<64xf32, #tpu.memory_space<vmem>>) dst(%dma_wait3A_44 : memref<10240xf32, #tpu.memory_space<vmem_shared>>)
    %dma_wait3A_45 = arith.constant 155 : i32
    %dma_wait3A_46 = arith.constant 0 : i32
    %dma_wait3A_47 = tpu.memref_slice %arg4[%dma_wait3A_45, %dma_wait3A_46] : memref<157x64xi32, #tpu.memory_space<vmem>> -> memref<1x64xi32, #tpu.memory_space<vmem>>
    %dma_wait3A_48 = tpu.memref_squeeze %dma_wait3A_47 : memref<1x64xi32, #tpu.memory_space<vmem>> -> memref<64xi32, #tpu.memory_space<vmem>>
    %dma_wait3A_49 = arith.constant 0 : i32
    %dma_wait3A_50 = tpu.memref_slice %arg7[%dma_wait3A_49] : memref<10240xf32, #tpu.memory_space<vmem_shared>> -> memref<10240xf32, #tpu.memory_space<vmem_shared>>
    tpu.wait_indirect_dma semaphore(%arg11 : memref<!tpu.dma_semaphore, #tpu.memory_space<semaphore_mem>>) src(%arg5 : memref<64xf32, #tpu.memory_space<vmem>>) dst(%dma_wait3A_50 : memref<10240xf32, #tpu.memory_space<vmem_shared>>)
    %dma_wait3A_51 = arith.constant 156 : i32
    %dma_wait3A_52 = arith.constant 0 : i32
    %dma_wait3A_53 = tpu.memref_slice %arg4[%dma_wait3A_51, %dma_wait3A_52] : memref<157x64xi32, #tpu.memory_space<vmem>> -> memref<1x64xi32, #tpu.memory_space<vmem>>
    %dma_wait3A_54 = tpu.memref_squeeze %dma_wait3A_53 : memref<1x64xi32, #tpu.memory_space<vmem>> -> memref<64xi32, #tpu.memory_space<vmem>>
    %dma_wait3A_55 = arith.constant 0 : i32
    %dma_wait3A_56 = tpu.memref_slice %arg7[%dma_wait3A_55] : memref<10240xf32, #tpu.memory_space<vmem_shared>> -> memref<10240xf32, #tpu.memory_space<vmem_shared>>
    tpu.wait_indirect_dma semaphore(%arg8 : memref<!tpu.dma_semaphore, #tpu.memory_space<semaphore_mem>>) src(%arg5 : memref<64xf32, #tpu.memory_space<vmem>>) dst(%dma_wait3A_56 : memref<10240xf32, #tpu.memory_space<vmem_shared>>)
    %barrier3A_57 = arith.constant 0 : index
    tpu.barrier barrier_id(%barrier3A_57)
    %mul3A_58 = arith.constant 640 : i32
    %mul3A_59 = arith.muli %arg1, %mul3A_58 : i32
    %mul3A_60 = arith.constant 640 : i32
    %mul3A_61 = arith.muli %arg1, %mul3A_60 : i32
    "tpu.region"() ({
      %run_scoped3A = tpu.sem_alloc : memref<!tpu.dma_semaphore, #tpu.memory_space<semaphore_mem>>
      %dma_start3A = tpu.memref_slice %arg3[%arg0, %mul3A_61] : memref<2x10240xf32, #tpu.memory_space<hbm>> -> memref<1x640xf32, #tpu.memory_space<hbm>>
      %dma_start3A_62 = tpu.memref_squeeze %dma_start3A : memref<1x640xf32, #tpu.memory_space<hbm>> -> memref<640xf32, #tpu.memory_space<hbm>>
      %dma_start3A_63 = tpu.memref_slice %arg7[%mul3A_59] : memref<10240xf32, #tpu.memory_space<vmem_shared>> -> memref<640xf32, #tpu.memory_space<vmem_shared>>
      tpu.enqueue_dma source(%dma_start3A_63 : memref<640xf32, #tpu.memory_space<vmem_shared>>) target(%dma_start3A_62 : memref<640xf32, #tpu.memory_space<hbm>>) target_semaphore(%run_scoped3A : memref<!tpu.dma_semaphore, #tpu.memory_space<semaphore_mem>>)
      %dma_wait3A_64 = tpu.memref_slice %arg3[%arg0, %mul3A_61] : memref<2x10240xf32, #tpu.memory_space<hbm>> -> memref<1x640xf32, #tpu.memory_space<hbm>>
      %dma_wait3A_65 = tpu.memref_squeeze %dma_wait3A_64 : memref<1x640xf32, #tpu.memory_space<hbm>> -> memref<640xf32, #tpu.memory_space<hbm>>
      %dma_wait3A_66 = tpu.memref_slice %arg7[%mul3A_59] : memref<10240xf32, #tpu.memory_space<vmem_shared>> -> memref<640xf32, #tpu.memory_space<vmem_shared>>
      tpu.wait_dma2 semaphore(%run_scoped3A : memref<!tpu.dma_semaphore, #tpu.memory_space<semaphore_mem>>) src(%dma_wait3A_66 : memref<640xf32, #tpu.memory_space<vmem_shared>>) dst(%dma_wait3A_65 : memref<640xf32, #tpu.memory_space<hbm>>)
      tpu.yield
    }) : () -> ()
    return
  }
}

#map = affine_map<(d0, d1) -> (0, 0, 0, 0)>
#map1 = affine_map<(d0, d1) -> (0, 0)>
#map2 = affine_map<(d0, d1) -> (0, 0, 0)>
module attributes {stable_mosaic.version = 14 : i64} {
  func.func @agg_kernel(%arg0: i32, %arg1: i32, %arg2: memref<32x157x2x64xi32, #tpu.memory_space<hbm>>, %arg3: memref<10240x128xf32, #tpu.memory_space<hbm>>, %arg4: memref<2x10240x128xf32, #tpu.memory_space<hbm>>, %arg5: memref<8x2x64xi32, #tpu.memory_space<vmem>>, %arg6: memref<4x64x128xf32, #tpu.memory_space<vmem>>, %arg7: memref<10240x128xf32, #tpu.memory_space<vmem_shared>>, %arg8: memref<!tpu.dma_semaphore, #tpu.memory_space<semaphore_mem>>, %arg9: memref<!tpu.dma_semaphore, #tpu.memory_space<semaphore_mem>>, %arg10: memref<!tpu.dma_semaphore, #tpu.memory_space<semaphore_mem>>, %arg11: memref<!tpu.dma_semaphore, #tpu.memory_space<semaphore_mem>>, %arg12: memref<!tpu.dma_semaphore, #tpu.memory_space<semaphore_mem>>, %arg13: memref<!tpu.dma_semaphore, #tpu.memory_space<semaphore_mem>>, %arg14: memref<!tpu.dma_semaphore, #tpu.memory_space<semaphore_mem>>, %arg15: memref<!tpu.dma_semaphore, #tpu.memory_space<semaphore_mem>>, %arg16: memref<!tpu.dma_semaphore, #tpu.memory_space<semaphore_mem>>, %arg17: memref<!tpu.dma_semaphore, #tpu.memory_space<semaphore_mem>>, %arg18: memref<!tpu.dma_semaphore, #tpu.memory_space<semaphore_mem>>, %arg19: memref<!tpu.dma_semaphore, #tpu.memory_space<semaphore_mem>>, %arg20: memref<!tpu.dma_semaphore, #tpu.memory_space<semaphore_mem>>, %arg21: memref<!tpu.dma_semaphore, #tpu.memory_space<semaphore_mem>>, %arg22: memref<!tpu.dma_semaphore, #tpu.memory_space<semaphore_mem>>, %arg23: memref<!tpu.dma_semaphore, #tpu.memory_space<semaphore_mem>>) attributes {dimension_semantics = [#tpu.dimension_semantics<core_parallel>, #tpu.dimension_semantics<subcore_parallel>], iteration_bounds = array<i64: 2, 16>, scalar_prefetch = 0 : i64, scratch_operands = 19 : i64, tpu.core_type = #tpu.core_type<sc_vector_subcore>, window_params = [{transform_indices = #map}, {transform_indices = #map1}, {transform_indices = #map2}]} {
    %mul3A = arith.constant 16 : i32
    %mul3A_0 = arith.muli %arg0, %mul3A : i32
    %add3A = arith.addi %mul3A_0, %arg1 : i32
    %broadcast_in_dim3A = arith.constant 0.000000e+00 : f32
    %broadcast_in_dim3A_1 = vector.broadcast %broadcast_in_dim3A : f32 to vector<16xf32>
    %scan3A = arith.constant 0 : i32
    %scan3A_2 = arith.constant 0 : i32
    %scan3A_3 = arith.constant 512 : i32
    %scan3A_4 = arith.addi %scan3A_2, %scan3A_3 : i32
    %scan3A_5 = arith.constant 1 : i32
    %scan3A_6 = scf.for %scan3A_240 = %scan3A_2 to %scan3A_4 step %scan3A_5 iter_args(%scan3A_241 = %scan3A) -> (i32)  : i32 {
      %jit3A = arith.constant 8 : i32
      %div3A = arith.divsi %scan3A_240, %jit3A : i32
      %sign3A = arith.constant 0 : i32
      %sign3A_242 = arith.cmpi sgt, %scan3A_240, %sign3A : i32
      %sign3A_243 = arith.extui %sign3A_242 : i1 to i32
      %sign3A_244 = arith.constant 0 : i32
      %sign3A_245 = arith.cmpi slt, %scan3A_240, %sign3A_244 : i32
      %sign3A_246 = arith.extui %sign3A_245 : i1 to i32
      %sign3A_247 = arith.subi %sign3A_243, %sign3A_246 : i32
      %sign3A_248 = arith.constant 0 : i32
      %sign3A_249 = arith.cmpi sgt, %jit3A, %sign3A_248 : i32
      %sign3A_250 = arith.extui %sign3A_249 : i1 to i32
      %sign3A_251 = arith.constant 0 : i32
      %sign3A_252 = arith.cmpi slt, %jit3A, %sign3A_251 : i32
      %sign3A_253 = arith.extui %sign3A_252 : i1 to i32
      %sign3A_254 = arith.subi %sign3A_250, %sign3A_253 : i32
      %ne3A = arith.cmpi ne, %sign3A_247, %sign3A_254 : i32
      %rem3A = arith.remsi %scan3A_240, %jit3A : i32
      %ne3A_255 = arith.constant 0 : i32
      %ne3A_256 = arith.cmpi ne, %rem3A, %ne3A_255 : i32
      %and3A = arith.andi %ne3A, %ne3A_256 : i1
      %sub3A = arith.constant 1 : i32
      %sub3A_257 = arith.subi %div3A, %sub3A : i32
      %select_n3A = arith.select %and3A, %sub3A_257, %div3A : i32
      %jit3A_258 = arith.constant 8 : i32
      %eq3A = arith.constant 0 : i32
      %eq3A_259 = arith.cmpi eq, %jit3A_258, %eq3A : i32
      %jit3A_260 = arith.constant 1 : i32
      %select_n3A_261 = arith.select %eq3A_259, %jit3A_260, %jit3A_258 : i32
      %rem3A_262 = arith.remsi %scan3A_240, %select_n3A_261 : i32
      %ne3A_263 = arith.constant 0 : i32
      %ne3A_264 = arith.cmpi ne, %rem3A_262, %ne3A_263 : i32
      %lt3A = arith.constant 0 : i32
      %lt3A_265 = arith.cmpi slt, %rem3A_262, %lt3A : i32
      %lt3A_266 = arith.constant 0 : i32
      %lt3A_267 = arith.cmpi slt, %select_n3A_261, %lt3A_266 : i32
      %ne3A_268 = arith.xori %lt3A_265, %lt3A_267 : i1
      %and3A_269 = arith.andi %ne3A_268, %ne3A_264 : i1
      %add3A_270 = arith.addi %rem3A_262, %select_n3A_261 : i32
      %select_n3A_271 = arith.select %and3A_269, %add3A_270, %rem3A_262 : i32
      %mul3A_272 = arith.constant 16 : i32
      %mul3A_273 = arith.muli %select_n3A_271, %mul3A_272 : i32
      %swap3A = arith.constant 0 : i32
      %swap3A_274 = arith.index_cast %swap3A : i32 to index
      %swap3A_275 = arith.index_cast %select_n3A : i32 to index
      %swap3A_276 = arith.index_cast %mul3A_273 : i32 to index
      %swap3A_277 = tpu.vector_load %arg6[%swap3A_274, %swap3A_275, %swap3A_276] {strides = array<i32>} : memref<4x64x128xf32, #tpu.memory_space<vmem>>, vector<1x1x16xf32>,
      %swap3A_278 = vector.shape_cast %swap3A_277 : vector<1x1x16xf32> to vector<16xf32>
      %swap3A_279 = vector.shape_cast %broadcast_in_dim3A_1 : vector<16xf32> to vector<1x1x16xf32>
      tpu.vector_store %arg6[%swap3A_274, %swap3A_275, %swap3A_276], %swap3A_279 {strides = array<i32>} : memref<4x64x128xf32, #tpu.memory_space<vmem>>, vector<1x1x16xf32>,
      %scan3A_280 = arith.constant 0 : i32
      scf.yield %scan3A_280 : i32
    }
    %scan3A_7 = arith.constant 512 : i32
    %mul3A_8 = arith.constant 640 : i32
    %mul3A_9 = arith.muli %arg1, %mul3A_8 : i32
    %add3A_10 = arith.constant 0 : i32
    %add3A_11 = arith.addi %mul3A_9, %add3A_10 : i32
    %run_scoped3A = arith.constant 0 : i32
    "tpu.region"() ({
      %run_scoped3A_240 = tpu.sem_alloc : memref<!tpu.dma_semaphore, #tpu.memory_space<semaphore_mem>>
      %dma_start3A_241 = arith.constant 0 : i32
      %dma_start3A_242 = arith.constant 0 : i32
      %dma_start3A_243 = tpu.memref_slice %arg6[%run_scoped3A, %dma_start3A_241, %dma_start3A_242] : memref<4x64x128xf32, #tpu.memory_space<vmem>> -> memref<1x64x128xf32, #tpu.memory_space<vmem>>
      %dma_start3A_244 = tpu.memref_squeeze %dma_start3A_243 : memref<1x64x128xf32, #tpu.memory_space<vmem>> -> memref<64x128xf32, #tpu.memory_space<vmem>>
      %dma_start3A_245 = arith.constant 0 : i32
      %dma_start3A_246 = tpu.memref_slice %arg7[%add3A_11, %dma_start3A_245] : memref<10240x128xf32, #tpu.memory_space<vmem_shared>> -> memref<64x128xf32, #tpu.memory_space<vmem_shared>>
      %dma_start3A_247 = arith.constant 0 : i32
      %dma_start3A_248 = tpu.memref_slice %arg7[%add3A_11, %dma_start3A_247] : memref<10240x128xf32, #tpu.memory_space<vmem_shared>> -> memref<64x128xf32, #tpu.memory_space<vmem_shared>>
      %dma_start3A_249 = arith.constant 0 : i32
      %dma_start3A_250 = arith.constant 0 : i32
      %dma_start3A_251 = tpu.memref_slice %arg6[%run_scoped3A, %dma_start3A_249, %dma_start3A_250] : memref<4x64x128xf32, #tpu.memory_space<vmem>> -> memref<1x64x128xf32, #tpu.memory_space<vmem>>
      %dma_start3A_252 = tpu.memref_squeeze %dma_start3A_251 : memref<1x64x128xf32, #tpu.memory_space<vmem>> -> memref<64x128xf32, #tpu.memory_space<vmem>>
      tpu.enqueue_dma source(%dma_start3A_252 : memref<64x128xf32, #tpu.memory_space<vmem>>) target(%dma_start3A_248 : memref<64x128xf32, #tpu.memory_space<vmem_shared>>) target_semaphore(%run_scoped3A_240 : memref<!tpu.dma_semaphore, #tpu.memory_space<semaphore_mem>>)
      %dma_wait3A_253 = arith.constant 0 : i32
      %dma_wait3A_254 = arith.constant 0 : i32
      %dma_wait3A_255 = tpu.memref_slice %arg6[%run_scoped3A, %dma_wait3A_253, %dma_wait3A_254] : memref<4x64x128xf32, #tpu.memory_space<vmem>> -> memref<1x64x128xf32, #tpu.memory_space<vmem>>
      %dma_wait3A_256 = tpu.memref_squeeze %dma_wait3A_255 : memref<1x64x128xf32, #tpu.memory_space<vmem>> -> memref<64x128xf32, #tpu.memory_space<vmem>>
      %dma_wait3A_257 = arith.constant 0 : i32
      %dma_wait3A_258 = tpu.memref_slice %arg7[%add3A_11, %dma_wait3A_257] : memref<10240x128xf32, #tpu.memory_space<vmem_shared>> -> memref<64x128xf32, #tpu.memory_space<vmem_shared>>
      %dma_wait3A_259 = arith.constant 0 : i32
      %dma_wait3A_260 = tpu.memref_slice %arg7[%add3A_11, %dma_wait3A_259] : memref<10240x128xf32, #tpu.memory_space<vmem_shared>> -> memref<64x128xf32, #tpu.memory_space<vmem_shared>>
      %dma_wait3A_261 = arith.constant 0 : i32
      %dma_wait3A_262 = arith.constant 0 : i32
      %dma_wait3A_263 = tpu.memref_slice %arg6[%run_scoped3A, %dma_wait3A_261, %dma_wait3A_262] : memref<4x64x128xf32, #tpu.memory_space<vmem>> -> memref<1x64x128xf32, #tpu.memory_space<vmem>>
      %dma_wait3A_264 = tpu.memref_squeeze %dma_wait3A_263 : memref<1x64x128xf32, #tpu.memory_space<vmem>> -> memref<64x128xf32, #tpu.memory_space<vmem>>
      tpu.wait_dma2 semaphore(%run_scoped3A_240 : memref<!tpu.dma_semaphore, #tpu.memory_space<semaphore_mem>>) src(%dma_wait3A_264 : memref<64x128xf32, #tpu.memory_space<vmem>>) dst(%dma_wait3A_260 : memref<64x128xf32, #tpu.memory_space<vmem_shared>>)
      tpu.yield
    }) : () -> ()
    %mul3A_12 = arith.constant 640 : i32
    %mul3A_13 = arith.muli %arg1, %mul3A_12 : i32
    %add3A_14 = arith.constant 64 : i32
    %add3A_15 = arith.addi %mul3A_13, %add3A_14 : i32
    %run_scoped3A_16 = arith.constant 0 : i32
    "tpu.region"() ({
      %run_scoped3A_240 = tpu.sem_alloc : memref<!tpu.dma_semaphore, #tpu.memory_space<semaphore_mem>>
      %dma_start3A_241 = arith.constant 0 : i32
      %dma_start3A_242 = arith.constant 0 : i32
      %dma_start3A_243 = tpu.memref_slice %arg6[%run_scoped3A_16, %dma_start3A_241, %dma_start3A_242] : memref<4x64x128xf32, #tpu.memory_space<vmem>> -> memref<1x64x128xf32, #tpu.memory_space<vmem>>
      %dma_start3A_244 = tpu.memref_squeeze %dma_start3A_243 : memref<1x64x128xf32, #tpu.memory_space<vmem>> -> memref<64x128xf32, #tpu.memory_space<vmem>>
      %dma_start3A_245 = arith.constant 0 : i32
      %dma_start3A_246 = tpu.memref_slice %arg7[%add3A_15, %dma_start3A_245] : memref<10240x128xf32, #tpu.memory_space<vmem_shared>> -> memref<64x128xf32, #tpu.memory_space<vmem_shared>>
      %dma_start3A_247 = arith.constant 0 : i32
      %dma_start3A_248 = tpu.memref_slice %arg7[%add3A_15, %dma_start3A_247] : memref<10240x128xf32, #tpu.memory_space<vmem_shared>> -> memref<64x128xf32, #tpu.memory_space<vmem_shared>>
      %dma_start3A_249 = arith.constant 0 : i32
      %dma_start3A_250 = arith.constant 0 : i32
      %dma_start3A_251 = tpu.memref_slice %arg6[%run_scoped3A_16, %dma_start3A_249, %dma_start3A_250] : memref<4x64x128xf32, #tpu.memory_space<vmem>> -> memref<1x64x128xf32, #tpu.memory_space<vmem>>
      %dma_start3A_252 = tpu.memref_squeeze %dma_start3A_251 : memref<1x64x128xf32, #tpu.memory_space<vmem>> -> memref<64x128xf32, #tpu.memory_space<vmem>>
      tpu.enqueue_dma source(%dma_start3A_252 : memref<64x128xf32, #tpu.memory_space<vmem>>) target(%dma_start3A_248 : memref<64x128xf32, #tpu.memory_space<vmem_shared>>) target_semaphore(%run_scoped3A_240 : memref<!tpu.dma_semaphore, #tpu.memory_space<semaphore_mem>>)
      %dma_wait3A_253 = arith.constant 0 : i32
      %dma_wait3A_254 = arith.constant 0 : i32
      %dma_wait3A_255 = tpu.memref_slice %arg6[%run_scoped3A_16, %dma_wait3A_253, %dma_wait3A_254] : memref<4x64x128xf32, #tpu.memory_space<vmem>> -> memref<1x64x128xf32, #tpu.memory_space<vmem>>
      %dma_wait3A_256 = tpu.memref_squeeze %dma_wait3A_255 : memref<1x64x128xf32, #tpu.memory_space<vmem>> -> memref<64x128xf32, #tpu.memory_space<vmem>>
      %dma_wait3A_257 = arith.constant 0 : i32
      %dma_wait3A_258 = tpu.memref_slice %arg7[%add3A_15, %dma_wait3A_257] : memref<10240x128xf32, #tpu.memory_space<vmem_shared>> -> memref<64x128xf32, #tpu.memory_space<vmem_shared>>
      %dma_wait3A_259 = arith.constant 0 : i32
      %dma_wait3A_260 = tpu.memref_slice %arg7[%add3A_15, %dma_wait3A_259] : memref<10240x128xf32, #tpu.memory_space<vmem_shared>> -> memref<64x128xf32, #tpu.memory_space<vmem_shared>>
      %dma_wait3A_261 = arith.constant 0 : i32
      %dma_wait3A_262 = arith.constant 0 : i32
      %dma_wait3A_263 = tpu.memref_slice %arg6[%run_scoped3A_16, %dma_wait3A_261, %dma_wait3A_262] : memref<4x64x128xf32, #tpu.memory_space<vmem>> -> memref<1x64x128xf32, #tpu.memory_space<vmem>>
      %dma_wait3A_264 = tpu.memref_squeeze %dma_wait3A_263 : memref<1x64x128xf32, #tpu.memory_space<vmem>> -> memref<64x128xf32, #tpu.memory_space<vmem>>
      tpu.wait_dma2 semaphore(%run_scoped3A_240 : memref<!tpu.dma_semaphore, #tpu.memory_space<semaphore_mem>>) src(%dma_wait3A_264 : memref<64x128xf32, #tpu.memory_space<vmem>>) dst(%dma_wait3A_260 : memref<64x128xf32, #tpu.memory_space<vmem_shared>>)
      tpu.yield
    }) : () -> ()
    %mul3A_17 = arith.constant 640 : i32
    %mul3A_18 = arith.muli %arg1, %mul3A_17 : i32
    %add3A_19 = arith.constant 128 : i32
    %add3A_20 = arith.addi %mul3A_18, %add3A_19 : i32
    %run_scoped3A_21 = arith.constant 0 : i32
    "tpu.region"() ({
      %run_scoped3A_240 = tpu.sem_alloc : memref<!tpu.dma_semaphore, #tpu.memory_space<semaphore_mem>>
      %dma_start3A_241 = arith.constant 0 : i32
      %dma_start3A_242 = arith.constant 0 : i32
      %dma_start3A_243 = tpu.memref_slice %arg6[%run_scoped3A_21, %dma_start3A_241, %dma_start3A_242] : memref<4x64x128xf32, #tpu.memory_space<vmem>> -> memref<1x64x128xf32, #tpu.memory_space<vmem>>
      %dma_start3A_244 = tpu.memref_squeeze %dma_start3A_243 : memref<1x64x128xf32, #tpu.memory_space<vmem>> -> memref<64x128xf32, #tpu.memory_space<vmem>>
      %dma_start3A_245 = arith.constant 0 : i32
      %dma_start3A_246 = tpu.memref_slice %arg7[%add3A_20, %dma_start3A_245] : memref<10240x128xf32, #tpu.memory_space<vmem_shared>> -> memref<64x128xf32, #tpu.memory_space<vmem_shared>>
      %dma_start3A_247 = arith.constant 0 : i32
      %dma_start3A_248 = tpu.memref_slice %arg7[%add3A_20, %dma_start3A_247] : memref<10240x128xf32, #tpu.memory_space<vmem_shared>> -> memref<64x128xf32, #tpu.memory_space<vmem_shared>>
      %dma_start3A_249 = arith.constant 0 : i32
      %dma_start3A_250 = arith.constant 0 : i32
      %dma_start3A_251 = tpu.memref_slice %arg6[%run_scoped3A_21, %dma_start3A_249, %dma_start3A_250] : memref<4x64x128xf32, #tpu.memory_space<vmem>> -> memref<1x64x128xf32, #tpu.memory_space<vmem>>
      %dma_start3A_252 = tpu.memref_squeeze %dma_start3A_251 : memref<1x64x128xf32, #tpu.memory_space<vmem>> -> memref<64x128xf32, #tpu.memory_space<vmem>>
      tpu.enqueue_dma source(%dma_start3A_252 : memref<64x128xf32, #tpu.memory_space<vmem>>) target(%dma_start3A_248 : memref<64x128xf32, #tpu.memory_space<vmem_shared>>) target_semaphore(%run_scoped3A_240 : memref<!tpu.dma_semaphore, #tpu.memory_space<semaphore_mem>>)
      %dma_wait3A_253 = arith.constant 0 : i32
      %dma_wait3A_254 = arith.constant 0 : i32
      %dma_wait3A_255 = tpu.memref_slice %arg6[%run_scoped3A_21, %dma_wait3A_253, %dma_wait3A_254] : memref<4x64x128xf32, #tpu.memory_space<vmem>> -> memref<1x64x128xf32, #tpu.memory_space<vmem>>
      %dma_wait3A_256 = tpu.memref_squeeze %dma_wait3A_255 : memref<1x64x128xf32, #tpu.memory_space<vmem>> -> memref<64x128xf32, #tpu.memory_space<vmem>>
      %dma_wait3A_257 = arith.constant 0 : i32
      %dma_wait3A_258 = tpu.memref_slice %arg7[%add3A_20, %dma_wait3A_257] : memref<10240x128xf32, #tpu.memory_space<vmem_shared>> -> memref<64x128xf32, #tpu.memory_space<vmem_shared>>
      %dma_wait3A_259 = arith.constant 0 : i32
      %dma_wait3A_260 = tpu.memref_slice %arg7[%add3A_20, %dma_wait3A_259] : memref<10240x128xf32, #tpu.memory_space<vmem_shared>> -> memref<64x128xf32, #tpu.memory_space<vmem_shared>>
      %dma_wait3A_261 = arith.constant 0 : i32
      %dma_wait3A_262 = arith.constant 0 : i32
      %dma_wait3A_263 = tpu.memref_slice %arg6[%run_scoped3A_21, %dma_wait3A_261, %dma_wait3A_262] : memref<4x64x128xf32, #tpu.memory_space<vmem>> -> memref<1x64x128xf32, #tpu.memory_space<vmem>>
      %dma_wait3A_264 = tpu.memref_squeeze %dma_wait3A_263 : memref<1x64x128xf32, #tpu.memory_space<vmem>> -> memref<64x128xf32, #tpu.memory_space<vmem>>
      tpu.wait_dma2 semaphore(%run_scoped3A_240 : memref<!tpu.dma_semaphore, #tpu.memory_space<semaphore_mem>>) src(%dma_wait3A_264 : memref<64x128xf32, #tpu.memory_space<vmem>>) dst(%dma_wait3A_260 : memref<64x128xf32, #tpu.memory_space<vmem_shared>>)
      tpu.yield
    }) : () -> ()
    %mul3A_22 = arith.constant 640 : i32
    %mul3A_23 = arith.muli %arg1, %mul3A_22 : i32
    %add3A_24 = arith.constant 192 : i32
    %add3A_25 = arith.addi %mul3A_23, %add3A_24 : i32
    %run_scoped3A_26 = arith.constant 0 : i32
    "tpu.region"() ({
      %run_scoped3A_240 = tpu.sem_alloc : memref<!tpu.dma_semaphore, #tpu.memory_space<semaphore_mem>>
      %dma_start3A_241 = arith.constant 0 : i32
      %dma_start3A_242 = arith.constant 0 : i32
      %dma_start3A_243 = tpu.memref_slice %arg6[%run_scoped3A_26, %dma_start3A_241, %dma_start3A_242] : memref<4x64x128xf32, #tpu.memory_space<vmem>> -> memref<1x64x128xf32, #tpu.memory_space<vmem>>
      %dma_start3A_244 = tpu.memref_squeeze %dma_start3A_243 : memref<1x64x128xf32, #tpu.memory_space<vmem>> -> memref<64x128xf32, #tpu.memory_space<vmem>>
      %dma_start3A_245 = arith.constant 0 : i32
      %dma_start3A_246 = tpu.memref_slice %arg7[%add3A_25, %dma_start3A_245] : memref<10240x128xf32, #tpu.memory_space<vmem_shared>> -> memref<64x128xf32, #tpu.memory_space<vmem_shared>>
      %dma_start3A_247 = arith.constant 0 : i32
      %dma_start3A_248 = tpu.memref_slice %arg7[%add3A_25, %dma_start3A_247] : memref<10240x128xf32, #tpu.memory_space<vmem_shared>> -> memref<64x128xf32, #tpu.memory_space<vmem_shared>>
      %dma_start3A_249 = arith.constant 0 : i32
      %dma_start3A_250 = arith.constant 0 : i32
      %dma_start3A_251 = tpu.memref_slice %arg6[%run_scoped3A_26, %dma_start3A_249, %dma_start3A_250] : memref<4x64x128xf32, #tpu.memory_space<vmem>> -> memref<1x64x128xf32, #tpu.memory_space<vmem>>
      %dma_start3A_252 = tpu.memref_squeeze %dma_start3A_251 : memref<1x64x128xf32, #tpu.memory_space<vmem>> -> memref<64x128xf32, #tpu.memory_space<vmem>>
      tpu.enqueue_dma source(%dma_start3A_252 : memref<64x128xf32, #tpu.memory_space<vmem>>) target(%dma_start3A_248 : memref<64x128xf32, #tpu.memory_space<vmem_shared>>) target_semaphore(%run_scoped3A_240 : memref<!tpu.dma_semaphore, #tpu.memory_space<semaphore_mem>>)
      %dma_wait3A_253 = arith.constant 0 : i32
      %dma_wait3A_254 = arith.constant 0 : i32
      %dma_wait3A_255 = tpu.memref_slice %arg6[%run_scoped3A_26, %dma_wait3A_253, %dma_wait3A_254] : memref<4x64x128xf32, #tpu.memory_space<vmem>> -> memref<1x64x128xf32, #tpu.memory_space<vmem>>
      %dma_wait3A_256 = tpu.memref_squeeze %dma_wait3A_255 : memref<1x64x128xf32, #tpu.memory_space<vmem>> -> memref<64x128xf32, #tpu.memory_space<vmem>>
      %dma_wait3A_257 = arith.constant 0 : i32
      %dma_wait3A_258 = tpu.memref_slice %arg7[%add3A_25, %dma_wait3A_257] : memref<10240x128xf32, #tpu.memory_space<vmem_shared>> -> memref<64x128xf32, #tpu.memory_space<vmem_shared>>
      %dma_wait3A_259 = arith.constant 0 : i32
      %dma_wait3A_260 = tpu.memref_slice %arg7[%add3A_25, %dma_wait3A_259] : memref<10240x128xf32, #tpu.memory_space<vmem_shared>> -> memref<64x128xf32, #tpu.memory_space<vmem_shared>>
      %dma_wait3A_261 = arith.constant 0 : i32
      %dma_wait3A_262 = arith.constant 0 : i32
      %dma_wait3A_263 = tpu.memref_slice %arg6[%run_scoped3A_26, %dma_wait3A_261, %dma_wait3A_262] : memref<4x64x128xf32, #tpu.memory_space<vmem>> -> memref<1x64x128xf32, #tpu.memory_space<vmem>>
      %dma_wait3A_264 = tpu.memref_squeeze %dma_wait3A_263 : memref<1x64x128xf32, #tpu.memory_space<vmem>> -> memref<64x128xf32, #tpu.memory_space<vmem>>
      tpu.wait_dma2 semaphore(%run_scoped3A_240 : memref<!tpu.dma_semaphore, #tpu.memory_space<semaphore_mem>>) src(%dma_wait3A_264 : memref<64x128xf32, #tpu.memory_space<vmem>>) dst(%dma_wait3A_260 : memref<64x128xf32, #tpu.memory_space<vmem_shared>>)
      tpu.yield
    }) : () -> ()
    %mul3A_27 = arith.constant 640 : i32
    %mul3A_28 = arith.muli %arg1, %mul3A_27 : i32
    %add3A_29 = arith.constant 256 : i32
    %add3A_30 = arith.addi %mul3A_28, %add3A_29 : i32
    %run_scoped3A_31 = arith.constant 0 : i32
    "tpu.region"() ({
      %run_scoped3A_240 = tpu.sem_alloc : memref<!tpu.dma_semaphore, #tpu.memory_space<semaphore_mem>>
      %dma_start3A_241 = arith.constant 0 : i32
      %dma_start3A_242 = arith.constant 0 : i32
      %dma_start3A_243 = tpu.memref_slice %arg6[%run_scoped3A_31, %dma_start3A_241, %dma_start3A_242] : memref<4x64x128xf32, #tpu.memory_space<vmem>> -> memref<1x64x128xf32, #tpu.memory_space<vmem>>
      %dma_start3A_244 = tpu.memref_squeeze %dma_start3A_243 : memref<1x64x128xf32, #tpu.memory_space<vmem>> -> memref<64x128xf32, #tpu.memory_space<vmem>>
      %dma_start3A_245 = arith.constant 0 : i32
      %dma_start3A_246 = tpu.memref_slice %arg7[%add3A_30, %dma_start3A_245] : memref<10240x128xf32, #tpu.memory_space<vmem_shared>> -> memref<64x128xf32, #tpu.memory_space<vmem_shared>>
      %dma_start3A_247 = arith.constant 0 : i32
      %dma_start3A_248 = tpu.memref_slice %arg7[%add3A_30, %dma_start3A_247] : memref<10240x128xf32, #tpu.memory_space<vmem_shared>> -> memref<64x128xf32, #tpu.memory_space<vmem_shared>>
      %dma_start3A_249 = arith.constant 0 : i32
      %dma_start3A_250 = arith.constant 0 : i32
      %dma_start3A_251 = tpu.memref_slice %arg6[%run_scoped3A_31, %dma_start3A_249, %dma_start3A_250] : memref<4x64x128xf32, #tpu.memory_space<vmem>> -> memref<1x64x128xf32, #tpu.memory_space<vmem>>
      %dma_start3A_252 = tpu.memref_squeeze %dma_start3A_251 : memref<1x64x128xf32, #tpu.memory_space<vmem>> -> memref<64x128xf32, #tpu.memory_space<vmem>>
      tpu.enqueue_dma source(%dma_start3A_252 : memref<64x128xf32, #tpu.memory_space<vmem>>) target(%dma_start3A_248 : memref<64x128xf32, #tpu.memory_space<vmem_shared>>) target_semaphore(%run_scoped3A_240 : memref<!tpu.dma_semaphore, #tpu.memory_space<semaphore_mem>>)
      %dma_wait3A_253 = arith.constant 0 : i32
      %dma_wait3A_254 = arith.constant 0 : i32
      %dma_wait3A_255 = tpu.memref_slice %arg6[%run_scoped3A_31, %dma_wait3A_253, %dma_wait3A_254] : memref<4x64x128xf32, #tpu.memory_space<vmem>> -> memref<1x64x128xf32, #tpu.memory_space<vmem>>
      %dma_wait3A_256 = tpu.memref_squeeze %dma_wait3A_255 : memref<1x64x128xf32, #tpu.memory_space<vmem>> -> memref<64x128xf32, #tpu.memory_space<vmem>>
      %dma_wait3A_257 = arith.constant 0 : i32
      %dma_wait3A_258 = tpu.memref_slice %arg7[%add3A_30, %dma_wait3A_257] : memref<10240x128xf32, #tpu.memory_space<vmem_shared>> -> memref<64x128xf32, #tpu.memory_space<vmem_shared>>
      %dma_wait3A_259 = arith.constant 0 : i32
      %dma_wait3A_260 = tpu.memref_slice %arg7[%add3A_30, %dma_wait3A_259] : memref<10240x128xf32, #tpu.memory_space<vmem_shared>> -> memref<64x128xf32, #tpu.memory_space<vmem_shared>>
      %dma_wait3A_261 = arith.constant 0 : i32
      %dma_wait3A_262 = arith.constant 0 : i32
      %dma_wait3A_263 = tpu.memref_slice %arg6[%run_scoped3A_31, %dma_wait3A_261, %dma_wait3A_262] : memref<4x64x128xf32, #tpu.memory_space<vmem>> -> memref<1x64x128xf32, #tpu.memory_space<vmem>>
      %dma_wait3A_264 = tpu.memref_squeeze %dma_wait3A_263 : memref<1x64x128xf32, #tpu.memory_space<vmem>> -> memref<64x128xf32, #tpu.memory_space<vmem>>
      tpu.wait_dma2 semaphore(%run_scoped3A_240 : memref<!tpu.dma_semaphore, #tpu.memory_space<semaphore_mem>>) src(%dma_wait3A_264 : memref<64x128xf32, #tpu.memory_space<vmem>>) dst(%dma_wait3A_260 : memref<64x128xf32, #tpu.memory_space<vmem_shared>>)
      tpu.yield
    }) : () -> ()
    %mul3A_32 = arith.constant 640 : i32
    %mul3A_33 = arith.muli %arg1, %mul3A_32 : i32
    %add3A_34 = arith.constant 320 : i32
    %add3A_35 = arith.addi %mul3A_33, %add3A_34 : i32
    %run_scoped3A_36 = arith.constant 0 : i32
    "tpu.region"() ({
      %run_scoped3A_240 = tpu.sem_alloc : memref<!tpu.dma_semaphore, #tpu.memory_space<semaphore_mem>>
      %dma_start3A_241 = arith.constant 0 : i32
      %dma_start3A_242 = arith.constant 0 : i32
      %dma_start3A_243 = tpu.memref_slice %arg6[%run_scoped3A_36, %dma_start3A_241, %dma_start3A_242] : memref<4x64x128xf32, #tpu.memory_space<vmem>> -> memref<1x64x128xf32, #tpu.memory_space<vmem>>
      %dma_start3A_244 = tpu.memref_squeeze %dma_start3A_243 : memref<1x64x128xf32, #tpu.memory_space<vmem>> -> memref<64x128xf32, #tpu.memory_space<vmem>>
      %dma_start3A_245 = arith.constant 0 : i32
      %dma_start3A_246 = tpu.memref_slice %arg7[%add3A_35, %dma_start3A_245] : memref<10240x128xf32, #tpu.memory_space<vmem_shared>> -> memref<64x128xf32, #tpu.memory_space<vmem_shared>>
      %dma_start3A_247 = arith.constant 0 : i32
      %dma_start3A_248 = tpu.memref_slice %arg7[%add3A_35, %dma_start3A_247] : memref<10240x128xf32, #tpu.memory_space<vmem_shared>> -> memref<64x128xf32, #tpu.memory_space<vmem_shared>>
      %dma_start3A_249 = arith.constant 0 : i32
      %dma_start3A_250 = arith.constant 0 : i32
      %dma_start3A_251 = tpu.memref_slice %arg6[%run_scoped3A_36, %dma_start3A_249, %dma_start3A_250] : memref<4x64x128xf32, #tpu.memory_space<vmem>> -> memref<1x64x128xf32, #tpu.memory_space<vmem>>
      %dma_start3A_252 = tpu.memref_squeeze %dma_start3A_251 : memref<1x64x128xf32, #tpu.memory_space<vmem>> -> memref<64x128xf32, #tpu.memory_space<vmem>>
      tpu.enqueue_dma source(%dma_start3A_252 : memref<64x128xf32, #tpu.memory_space<vmem>>) target(%dma_start3A_248 : memref<64x128xf32, #tpu.memory_space<vmem_shared>>) target_semaphore(%run_scoped3A_240 : memref<!tpu.dma_semaphore, #tpu.memory_space<semaphore_mem>>)
      %dma_wait3A_253 = arith.constant 0 : i32
      %dma_wait3A_254 = arith.constant 0 : i32
      %dma_wait3A_255 = tpu.memref_slice %arg6[%run_scoped3A_36, %dma_wait3A_253, %dma_wait3A_254] : memref<4x64x128xf32, #tpu.memory_space<vmem>> -> memref<1x64x128xf32, #tpu.memory_space<vmem>>
      %dma_wait3A_256 = tpu.memref_squeeze %dma_wait3A_255 : memref<1x64x128xf32, #tpu.memory_space<vmem>> -> memref<64x128xf32, #tpu.memory_space<vmem>>
      %dma_wait3A_257 = arith.constant 0 : i32
      %dma_wait3A_258 = tpu.memref_slice %arg7[%add3A_35, %dma_wait3A_257] : memref<10240x128xf32, #tpu.memory_space<vmem_shared>> -> memref<64x128xf32, #tpu.memory_space<vmem_shared>>
      %dma_wait3A_259 = arith.constant 0 : i32
      %dma_wait3A_260 = tpu.memref_slice %arg7[%add3A_35, %dma_wait3A_259] : memref<10240x128xf32, #tpu.memory_space<vmem_shared>> -> memref<64x128xf32, #tpu.memory_space<vmem_shared>>
      %dma_wait3A_261 = arith.constant 0 : i32
      %dma_wait3A_262 = arith.constant 0 : i32
      %dma_wait3A_263 = tpu.memref_slice %arg6[%run_scoped3A_36, %dma_wait3A_261, %dma_wait3A_262] : memref<4x64x128xf32, #tpu.memory_space<vmem>> -> memref<1x64x128xf32, #tpu.memory_space<vmem>>
      %dma_wait3A_264 = tpu.memref_squeeze %dma_wait3A_263 : memref<1x64x128xf32, #tpu.memory_space<vmem>> -> memref<64x128xf32, #tpu.memory_space<vmem>>
      tpu.wait_dma2 semaphore(%run_scoped3A_240 : memref<!tpu.dma_semaphore, #tpu.memory_space<semaphore_mem>>) src(%dma_wait3A_264 : memref<64x128xf32, #tpu.memory_space<vmem>>) dst(%dma_wait3A_260 : memref<64x128xf32, #tpu.memory_space<vmem_shared>>)
      tpu.yield
    }) : () -> ()
    %mul3A_37 = arith.constant 640 : i32
    %mul3A_38 = arith.muli %arg1, %mul3A_37 : i32
    %add3A_39 = arith.constant 384 : i32
    %add3A_40 = arith.addi %mul3A_38, %add3A_39 : i32
    %run_scoped3A_41 = arith.constant 0 : i32
    "tpu.region"() ({
      %run_scoped3A_240 = tpu.sem_alloc : memref<!tpu.dma_semaphore, #tpu.memory_space<semaphore_mem>>
      %dma_start3A_241 = arith.constant 0 : i32
      %dma_start3A_242 = arith.constant 0 : i32
      %dma_start3A_243 = tpu.memref_slice %arg6[%run_scoped3A_41, %dma_start3A_241, %dma_start3A_242] : memref<4x64x128xf32, #tpu.memory_space<vmem>> -> memref<1x64x128xf32, #tpu.memory_space<vmem>>
      %dma_start3A_244 = tpu.memref_squeeze %dma_start3A_243 : memref<1x64x128xf32, #tpu.memory_space<vmem>> -> memref<64x128xf32, #tpu.memory_space<vmem>>
      %dma_start3A_245 = arith.constant 0 : i32
      %dma_start3A_246 = tpu.memref_slice %arg7[%add3A_40, %dma_start3A_245] : memref<10240x128xf32, #tpu.memory_space<vmem_shared>> -> memref<64x128xf32, #tpu.memory_space<vmem_shared>>
      %dma_start3A_247 = arith.constant 0 : i32
      %dma_start3A_248 = tpu.memref_slice %arg7[%add3A_40, %dma_start3A_247] : memref<10240x128xf32, #tpu.memory_space<vmem_shared>> -> memref<64x128xf32, #tpu.memory_space<vmem_shared>>
      %dma_start3A_249 = arith.constant 0 : i32
      %dma_start3A_250 = arith.constant 0 : i32
      %dma_start3A_251 = tpu.memref_slice %arg6[%run_scoped3A_41, %dma_start3A_249, %dma_start3A_250] : memref<4x64x128xf32, #tpu.memory_space<vmem>> -> memref<1x64x128xf32, #tpu.memory_space<vmem>>
      %dma_start3A_252 = tpu.memref_squeeze %dma_start3A_251 : memref<1x64x128xf32, #tpu.memory_space<vmem>> -> memref<64x128xf32, #tpu.memory_space<vmem>>
      tpu.enqueue_dma source(%dma_start3A_252 : memref<64x128xf32, #tpu.memory_space<vmem>>) target(%dma_start3A_248 : memref<64x128xf32, #tpu.memory_space<vmem_shared>>) target_semaphore(%run_scoped3A_240 : memref<!tpu.dma_semaphore, #tpu.memory_space<semaphore_mem>>)
      %dma_wait3A_253 = arith.constant 0 : i32
      %dma_wait3A_254 = arith.constant 0 : i32
      %dma_wait3A_255 = tpu.memref_slice %arg6[%run_scoped3A_41, %dma_wait3A_253, %dma_wait3A_254] : memref<4x64x128xf32, #tpu.memory_space<vmem>> -> memref<1x64x128xf32, #tpu.memory_space<vmem>>
      %dma_wait3A_256 = tpu.memref_squeeze %dma_wait3A_255 : memref<1x64x128xf32, #tpu.memory_space<vmem>> -> memref<64x128xf32, #tpu.memory_space<vmem>>
      %dma_wait3A_257 = arith.constant 0 : i32
      %dma_wait3A_258 = tpu.memref_slice %arg7[%add3A_40, %dma_wait3A_257] : memref<10240x128xf32, #tpu.memory_space<vmem_shared>> -> memref<64x128xf32, #tpu.memory_space<vmem_shared>>
      %dma_wait3A_259 = arith.constant 0 : i32
      %dma_wait3A_260 = tpu.memref_slice %arg7[%add3A_40, %dma_wait3A_259] : memref<10240x128xf32, #tpu.memory_space<vmem_shared>> -> memref<64x128xf32, #tpu.memory_space<vmem_shared>>
      %dma_wait3A_261 = arith.constant 0 : i32
      %dma_wait3A_262 = arith.constant 0 : i32
      %dma_wait3A_263 = tpu.memref_slice %arg6[%run_scoped3A_41, %dma_wait3A_261, %dma_wait3A_262] : memref<4x64x128xf32, #tpu.memory_space<vmem>> -> memref<1x64x128xf32, #tpu.memory_space<vmem>>
      %dma_wait3A_264 = tpu.memref_squeeze %dma_wait3A_263 : memref<1x64x128xf32, #tpu.memory_space<vmem>> -> memref<64x128xf32, #tpu.memory_space<vmem>>
      tpu.wait_dma2 semaphore(%run_scoped3A_240 : memref<!tpu.dma_semaphore, #tpu.memory_space<semaphore_mem>>) src(%dma_wait3A_264 : memref<64x128xf32, #tpu.memory_space<vmem>>) dst(%dma_wait3A_260 : memref<64x128xf32, #tpu.memory_space<vmem_shared>>)
      tpu.yield
    }) : () -> ()
    %mul3A_42 = arith.constant 640 : i32
    %mul3A_43 = arith.muli %arg1, %mul3A_42 : i32
    %add3A_44 = arith.constant 448 : i32
    %add3A_45 = arith.addi %mul3A_43, %add3A_44 : i32
    %run_scoped3A_46 = arith.constant 0 : i32
    "tpu.region"() ({
      %run_scoped3A_240 = tpu.sem_alloc : memref<!tpu.dma_semaphore, #tpu.memory_space<semaphore_mem>>
      %dma_start3A_241 = arith.constant 0 : i32
      %dma_start3A_242 = arith.constant 0 : i32
      %dma_start3A_243 = tpu.memref_slice %arg6[%run_scoped3A_46, %dma_start3A_241, %dma_start3A_242] : memref<4x64x128xf32, #tpu.memory_space<vmem>> -> memref<1x64x128xf32, #tpu.memory_space<vmem>>
      %dma_start3A_244 = tpu.memref_squeeze %dma_start3A_243 : memref<1x64x128xf32, #tpu.memory_space<vmem>> -> memref<64x128xf32, #tpu.memory_space<vmem>>
      %dma_start3A_245 = arith.constant 0 : i32
      %dma_start3A_246 = tpu.memref_slice %arg7[%add3A_45, %dma_start3A_245] : memref<10240x128xf32, #tpu.memory_space<vmem_shared>> -> memref<64x128xf32, #tpu.memory_space<vmem_shared>>
      %dma_start3A_247 = arith.constant 0 : i32
      %dma_start3A_248 = tpu.memref_slice %arg7[%add3A_45, %dma_start3A_247] : memref<10240x128xf32, #tpu.memory_space<vmem_shared>> -> memref<64x128xf32, #tpu.memory_space<vmem_shared>>
      %dma_start3A_249 = arith.constant 0 : i32
      %dma_start3A_250 = arith.constant 0 : i32
      %dma_start3A_251 = tpu.memref_slice %arg6[%run_scoped3A_46, %dma_start3A_249, %dma_start3A_250] : memref<4x64x128xf32, #tpu.memory_space<vmem>> -> memref<1x64x128xf32, #tpu.memory_space<vmem>>
      %dma_start3A_252 = tpu.memref_squeeze %dma_start3A_251 : memref<1x64x128xf32, #tpu.memory_space<vmem>> -> memref<64x128xf32, #tpu.memory_space<vmem>>
      tpu.enqueue_dma source(%dma_start3A_252 : memref<64x128xf32, #tpu.memory_space<vmem>>) target(%dma_start3A_248 : memref<64x128xf32, #tpu.memory_space<vmem_shared>>) target_semaphore(%run_scoped3A_240 : memref<!tpu.dma_semaphore, #tpu.memory_space<semaphore_mem>>)
      %dma_wait3A_253 = arith.constant 0 : i32
      %dma_wait3A_254 = arith.constant 0 : i32
      %dma_wait3A_255 = tpu.memref_slice %arg6[%run_scoped3A_46, %dma_wait3A_253, %dma_wait3A_254] : memref<4x64x128xf32, #tpu.memory_space<vmem>> -> memref<1x64x128xf32, #tpu.memory_space<vmem>>
      %dma_wait3A_256 = tpu.memref_squeeze %dma_wait3A_255 : memref<1x64x128xf32, #tpu.memory_space<vmem>> -> memref<64x128xf32, #tpu.memory_space<vmem>>
      %dma_wait3A_257 = arith.constant 0 : i32
      %dma_wait3A_258 = tpu.memref_slice %arg7[%add3A_45, %dma_wait3A_257] : memref<10240x128xf32, #tpu.memory_space<vmem_shared>> -> memref<64x128xf32, #tpu.memory_space<vmem_shared>>
      %dma_wait3A_259 = arith.constant 0 : i32
      %dma_wait3A_260 = tpu.memref_slice %arg7[%add3A_45, %dma_wait3A_259] : memref<10240x128xf32, #tpu.memory_space<vmem_shared>> -> memref<64x128xf32, #tpu.memory_space<vmem_shared>>
      %dma_wait3A_261 = arith.constant 0 : i32
      %dma_wait3A_262 = arith.constant 0 : i32
      %dma_wait3A_263 = tpu.memref_slice %arg6[%run_scoped3A_46, %dma_wait3A_261, %dma_wait3A_262] : memref<4x64x128xf32, #tpu.memory_space<vmem>> -> memref<1x64x128xf32, #tpu.memory_space<vmem>>
      %dma_wait3A_264 = tpu.memref_squeeze %dma_wait3A_263 : memref<1x64x128xf32, #tpu.memory_space<vmem>> -> memref<64x128xf32, #tpu.memory_space<vmem>>
      tpu.wait_dma2 semaphore(%run_scoped3A_240 : memref<!tpu.dma_semaphore, #tpu.memory_space<semaphore_mem>>) src(%dma_wait3A_264 : memref<64x128xf32, #tpu.memory_space<vmem>>) dst(%dma_wait3A_260 : memref<64x128xf32, #tpu.memory_space<vmem_shared>>)
      tpu.yield
    }) : () -> ()
    %mul3A_47 = arith.constant 640 : i32
    %mul3A_48 = arith.muli %arg1, %mul3A_47 : i32
    %add3A_49 = arith.constant 512 : i32
    %add3A_50 = arith.addi %mul3A_48, %add3A_49 : i32
    %run_scoped3A_51 = arith.constant 0 : i32
    "tpu.region"() ({
      %run_scoped3A_240 = tpu.sem_alloc : memref<!tpu.dma_semaphore, #tpu.memory_space<semaphore_mem>>
      %dma_start3A_241 = arith.constant 0 : i32
      %dma_start3A_242 = arith.constant 0 : i32
      %dma_start3A_243 = tpu.memref_slice %arg6[%run_scoped3A_51, %dma_start3A_241, %dma_start3A_242] : memref<4x64x128xf32, #tpu.memory_space<vmem>> -> memref<1x64x128xf32, #tpu.memory_space<vmem>>
      %dma_start3A_244 = tpu.memref_squeeze %dma_start3A_243 : memref<1x64x128xf32, #tpu.memory_space<vmem>> -> memref<64x128xf32, #tpu.memory_space<vmem>>
      %dma_start3A_245 = arith.constant 0 : i32
      %dma_start3A_246 = tpu.memref_slice %arg7[%add3A_50, %dma_start3A_245] : memref<10240x128xf32, #tpu.memory_space<vmem_shared>> -> memref<64x128xf32, #tpu.memory_space<vmem_shared>>
      %dma_start3A_247 = arith.constant 0 : i32
      %dma_start3A_248 = tpu.memref_slice %arg7[%add3A_50, %dma_start3A_247] : memref<10240x128xf32, #tpu.memory_space<vmem_shared>> -> memref<64x128xf32, #tpu.memory_space<vmem_shared>>
      %dma_start3A_249 = arith.constant 0 : i32
      %dma_start3A_250 = arith.constant 0 : i32
      %dma_start3A_251 = tpu.memref_slice %arg6[%run_scoped3A_51, %dma_start3A_249, %dma_start3A_250] : memref<4x64x128xf32, #tpu.memory_space<vmem>> -> memref<1x64x128xf32, #tpu.memory_space<vmem>>
      %dma_start3A_252 = tpu.memref_squeeze %dma_start3A_251 : memref<1x64x128xf32, #tpu.memory_space<vmem>> -> memref<64x128xf32, #tpu.memory_space<vmem>>
      tpu.enqueue_dma source(%dma_start3A_252 : memref<64x128xf32, #tpu.memory_space<vmem>>) target(%dma_start3A_248 : memref<64x128xf32, #tpu.memory_space<vmem_shared>>) target_semaphore(%run_scoped3A_240 : memref<!tpu.dma_semaphore, #tpu.memory_space<semaphore_mem>>)
      %dma_wait3A_253 = arith.constant 0 : i32
      %dma_wait3A_254 = arith.constant 0 : i32
      %dma_wait3A_255 = tpu.memref_slice %arg6[%run_scoped3A_51, %dma_wait3A_253, %dma_wait3A_254] : memref<4x64x128xf32, #tpu.memory_space<vmem>> -> memref<1x64x128xf32, #tpu.memory_space<vmem>>
      %dma_wait3A_256 = tpu.memref_squeeze %dma_wait3A_255 : memref<1x64x128xf32, #tpu.memory_space<vmem>> -> memref<64x128xf32, #tpu.memory_space<vmem>>
      %dma_wait3A_257 = arith.constant 0 : i32
      %dma_wait3A_258 = tpu.memref_slice %arg7[%add3A_50, %dma_wait3A_257] : memref<10240x128xf32, #tpu.memory_space<vmem_shared>> -> memref<64x128xf32, #tpu.memory_space<vmem_shared>>
      %dma_wait3A_259 = arith.constant 0 : i32
      %dma_wait3A_260 = tpu.memref_slice %arg7[%add3A_50, %dma_wait3A_259] : memref<10240x128xf32, #tpu.memory_space<vmem_shared>> -> memref<64x128xf32, #tpu.memory_space<vmem_shared>>
      %dma_wait3A_261 = arith.constant 0 : i32
      %dma_wait3A_262 = arith.constant 0 : i32
      %dma_wait3A_263 = tpu.memref_slice %arg6[%run_scoped3A_51, %dma_wait3A_261, %dma_wait3A_262] : memref<4x64x128xf32, #tpu.memory_space<vmem>> -> memref<1x64x128xf32, #tpu.memory_space<vmem>>
      %dma_wait3A_264 = tpu.memref_squeeze %dma_wait3A_263 : memref<1x64x128xf32, #tpu.memory_space<vmem>> -> memref<64x128xf32, #tpu.memory_space<vmem>>
      tpu.wait_dma2 semaphore(%run_scoped3A_240 : memref<!tpu.dma_semaphore, #tpu.memory_space<semaphore_mem>>) src(%dma_wait3A_264 : memref<64x128xf32, #tpu.memory_space<vmem>>) dst(%dma_wait3A_260 : memref<64x128xf32, #tpu.memory_space<vmem_shared>>)
      tpu.yield
    }) : () -> ()
    %mul3A_52 = arith.constant 640 : i32
    %mul3A_53 = arith.muli %arg1, %mul3A_52 : i32
    %add3A_54 = arith.constant 576 : i32
    %add3A_55 = arith.addi %mul3A_53, %add3A_54 : i32
    %run_scoped3A_56 = arith.constant 0 : i32
    "tpu.region"() ({
      %run_scoped3A_240 = tpu.sem_alloc : memref<!tpu.dma_semaphore, #tpu.memory_space<semaphore_mem>>
      %dma_start3A_241 = arith.constant 0 : i32
      %dma_start3A_242 = arith.constant 0 : i32
      %dma_start3A_243 = tpu.memref_slice %arg6[%run_scoped3A_56, %dma_start3A_241, %dma_start3A_242] : memref<4x64x128xf32, #tpu.memory_space<vmem>> -> memref<1x64x128xf32, #tpu.memory_space<vmem>>
      %dma_start3A_244 = tpu.memref_squeeze %dma_start3A_243 : memref<1x64x128xf32, #tpu.memory_space<vmem>> -> memref<64x128xf32, #tpu.memory_space<vmem>>
      %dma_start3A_245 = arith.constant 0 : i32
      %dma_start3A_246 = tpu.memref_slice %arg7[%add3A_55, %dma_start3A_245] : memref<10240x128xf32, #tpu.memory_space<vmem_shared>> -> memref<64x128xf32, #tpu.memory_space<vmem_shared>>
      %dma_start3A_247 = arith.constant 0 : i32
      %dma_start3A_248 = tpu.memref_slice %arg7[%add3A_55, %dma_start3A_247] : memref<10240x128xf32, #tpu.memory_space<vmem_shared>> -> memref<64x128xf32, #tpu.memory_space<vmem_shared>>
      %dma_start3A_249 = arith.constant 0 : i32
      %dma_start3A_250 = arith.constant 0 : i32
      %dma_start3A_251 = tpu.memref_slice %arg6[%run_scoped3A_56, %dma_start3A_249, %dma_start3A_250] : memref<4x64x128xf32, #tpu.memory_space<vmem>> -> memref<1x64x128xf32, #tpu.memory_space<vmem>>
      %dma_start3A_252 = tpu.memref_squeeze %dma_start3A_251 : memref<1x64x128xf32, #tpu.memory_space<vmem>> -> memref<64x128xf32, #tpu.memory_space<vmem>>
      tpu.enqueue_dma source(%dma_start3A_252 : memref<64x128xf32, #tpu.memory_space<vmem>>) target(%dma_start3A_248 : memref<64x128xf32, #tpu.memory_space<vmem_shared>>) target_semaphore(%run_scoped3A_240 : memref<!tpu.dma_semaphore, #tpu.memory_space<semaphore_mem>>)
      %dma_wait3A_253 = arith.constant 0 : i32
      %dma_wait3A_254 = arith.constant 0 : i32
      %dma_wait3A_255 = tpu.memref_slice %arg6[%run_scoped3A_56, %dma_wait3A_253, %dma_wait3A_254] : memref<4x64x128xf32, #tpu.memory_space<vmem>> -> memref<1x64x128xf32, #tpu.memory_space<vmem>>
      %dma_wait3A_256 = tpu.memref_squeeze %dma_wait3A_255 : memref<1x64x128xf32, #tpu.memory_space<vmem>> -> memref<64x128xf32, #tpu.memory_space<vmem>>
      %dma_wait3A_257 = arith.constant 0 : i32
      %dma_wait3A_258 = tpu.memref_slice %arg7[%add3A_55, %dma_wait3A_257] : memref<10240x128xf32, #tpu.memory_space<vmem_shared>> -> memref<64x128xf32, #tpu.memory_space<vmem_shared>>
      %dma_wait3A_259 = arith.constant 0 : i32
      %dma_wait3A_260 = tpu.memref_slice %arg7[%add3A_55, %dma_wait3A_259] : memref<10240x128xf32, #tpu.memory_space<vmem_shared>> -> memref<64x128xf32, #tpu.memory_space<vmem_shared>>
      %dma_wait3A_261 = arith.constant 0 : i32
      %dma_wait3A_262 = arith.constant 0 : i32
      %dma_wait3A_263 = tpu.memref_slice %arg6[%run_scoped3A_56, %dma_wait3A_261, %dma_wait3A_262] : memref<4x64x128xf32, #tpu.memory_space<vmem>> -> memref<1x64x128xf32, #tpu.memory_space<vmem>>
      %dma_wait3A_264 = tpu.memref_squeeze %dma_wait3A_263 : memref<1x64x128xf32, #tpu.memory_space<vmem>> -> memref<64x128xf32, #tpu.memory_space<vmem>>
      tpu.wait_dma2 semaphore(%run_scoped3A_240 : memref<!tpu.dma_semaphore, #tpu.memory_space<semaphore_mem>>) src(%dma_wait3A_264 : memref<64x128xf32, #tpu.memory_space<vmem>>) dst(%dma_wait3A_260 : memref<64x128xf32, #tpu.memory_space<vmem_shared>>)
      tpu.yield
    }) : () -> ()
    %barrier3A = arith.constant 0 : index
    tpu.barrier barrier_id(%barrier3A)
    %dma_start3A = arith.constant 0 : i32
    %dma_start3A_57 = arith.constant 0 : i32
    %dma_start3A_58 = arith.constant 0 : i32
    %dma_start3A_59 = tpu.memref_slice %arg5[%dma_start3A, %dma_start3A_57, %dma_start3A_58] : memref<8x2x64xi32, #tpu.memory_space<vmem>> -> memref<1x2x64xi32, #tpu.memory_space<vmem>>
    %dma_start3A_60 = arith.constant 0 : i32
    %dma_start3A_61 = arith.constant 0 : i32
    %dma_start3A_62 = arith.constant 0 : i32
    %dma_start3A_63 = tpu.memref_slice %arg2[%add3A, %dma_start3A_60, %dma_start3A_61, %dma_start3A_62] : memref<32x157x2x64xi32, #tpu.memory_space<hbm>> -> memref<1x1x2x64xi32, #tpu.memory_space<hbm>>
    %dma_start3A_64 = tpu.memref_squeeze %dma_start3A_63 : memref<1x1x2x64xi32, #tpu.memory_space<hbm>> -> memref<1x2x64xi32, #tpu.memory_space<hbm>>
    %dma_start3A_65 = arith.constant 0 : i32
    %dma_start3A_66 = arith.constant 0 : i32
    %dma_start3A_67 = arith.constant 0 : i32
    %dma_start3A_68 = tpu.memref_slice %arg5[%dma_start3A_65, %dma_start3A_66, %dma_start3A_67] : memref<8x2x64xi32, #tpu.memory_space<vmem>> -> memref<1x2x64xi32, #tpu.memory_space<vmem>>
    %dma_start3A_69 = arith.constant 0 : i32
    %dma_start3A_70 = arith.constant 0 : i32
    %dma_start3A_71 = arith.constant 0 : i32
    %dma_start3A_72 = tpu.memref_slice %arg2[%add3A, %dma_start3A_69, %dma_start3A_70, %dma_start3A_71] : memref<32x157x2x64xi32, #tpu.memory_space<hbm>> -> memref<1x1x2x64xi32, #tpu.memory_space<hbm>>
    %dma_start3A_73 = tpu.memref_squeeze %dma_start3A_72 : memref<1x1x2x64xi32, #tpu.memory_space<hbm>> -> memref<1x2x64xi32, #tpu.memory_space<hbm>>
    tpu.enqueue_dma source(%dma_start3A_73 : memref<1x2x64xi32, #tpu.memory_space<hbm>>) target(%dma_start3A_68 : memref<1x2x64xi32, #tpu.memory_space<vmem>>) target_semaphore(%arg8 : memref<!tpu.dma_semaphore, #tpu.memory_space<semaphore_mem>>)
    %dma_start3A_74 = arith.constant 1 : i32
    %dma_start3A_75 = arith.constant 0 : i32
    %dma_start3A_76 = arith.constant 0 : i32
    %dma_start3A_77 = tpu.memref_slice %arg5[%dma_start3A_74, %dma_start3A_75, %dma_start3A_76] : memref<8x2x64xi32, #tpu.memory_space<vmem>> -> memref<1x2x64xi32, #tpu.memory_space<vmem>>
    %dma_start3A_78 = arith.constant 1 : i32
    %dma_start3A_79 = arith.constant 0 : i32
    %dma_start3A_80 = arith.constant 0 : i32
    %dma_start3A_81 = tpu.memref_slice %arg2[%add3A, %dma_start3A_78, %dma_start3A_79, %dma_start3A_80] : memref<32x157x2x64xi32, #tpu.memory_space<hbm>> -> memref<1x1x2x64xi32, #tpu.memory_space<hbm>>
    %dma_start3A_82 = tpu.memref_squeeze %dma_start3A_81 : memref<1x1x2x64xi32, #tpu.memory_space<hbm>> -> memref<1x2x64xi32, #tpu.memory_space<hbm>>
    %dma_start3A_83 = arith.constant 1 : i32
    %dma_start3A_84 = arith.constant 0 : i32
    %dma_start3A_85 = arith.constant 0 : i32
    %dma_start3A_86 = tpu.memref_slice %arg5[%dma_start3A_83, %dma_start3A_84, %dma_start3A_85] : memref<8x2x64xi32, #tpu.memory_space<vmem>> -> memref<1x2x64xi32, #tpu.memory_space<vmem>>
    %dma_start3A_87 = arith.constant 1 : i32
    %dma_start3A_88 = arith.constant 0 : i32
    %dma_start3A_89 = arith.constant 0 : i32
    %dma_start3A_90 = tpu.memref_slice %arg2[%add3A, %dma_start3A_87, %dma_start3A_88, %dma_start3A_89] : memref<32x157x2x64xi32, #tpu.memory_space<hbm>> -> memref<1x1x2x64xi32, #tpu.memory_space<hbm>>
    %dma_start3A_91 = tpu.memref_squeeze %dma_start3A_90 : memref<1x1x2x64xi32, #tpu.memory_space<hbm>> -> memref<1x2x64xi32, #tpu.memory_space<hbm>>
    tpu.enqueue_dma source(%dma_start3A_91 : memref<1x2x64xi32, #tpu.memory_space<hbm>>) target(%dma_start3A_86 : memref<1x2x64xi32, #tpu.memory_space<vmem>>) target_semaphore(%arg9 : memref<!tpu.dma_semaphore, #tpu.memory_space<semaphore_mem>>)
    %dma_start3A_92 = arith.constant 2 : i32
    %dma_start3A_93 = arith.constant 0 : i32
    %dma_start3A_94 = arith.constant 0 : i32
    %dma_start3A_95 = tpu.memref_slice %arg5[%dma_start3A_92, %dma_start3A_93, %dma_start3A_94] : memref<8x2x64xi32, #tpu.memory_space<vmem>> -> memref<1x2x64xi32, #tpu.memory_space<vmem>>
    %dma_start3A_96 = arith.constant 2 : i32
    %dma_start3A_97 = arith.constant 0 : i32
    %dma_start3A_98 = arith.constant 0 : i32
    %dma_start3A_99 = tpu.memref_slice %arg2[%add3A, %dma_start3A_96, %dma_start3A_97, %dma_start3A_98] : memref<32x157x2x64xi32, #tpu.memory_space<hbm>> -> memref<1x1x2x64xi32, #tpu.memory_space<hbm>>
    %dma_start3A_100 = tpu.memref_squeeze %dma_start3A_99 : memref<1x1x2x64xi32, #tpu.memory_space<hbm>> -> memref<1x2x64xi32, #tpu.memory_space<hbm>>
    %dma_start3A_101 = arith.constant 2 : i32
    %dma_start3A_102 = arith.constant 0 : i32
    %dma_start3A_103 = arith.constant 0 : i32
    %dma_start3A_104 = tpu.memref_slice %arg5[%dma_start3A_101, %dma_start3A_102, %dma_start3A_103] : memref<8x2x64xi32, #tpu.memory_space<vmem>> -> memref<1x2x64xi32, #tpu.memory_space<vmem>>
    %dma_start3A_105 = arith.constant 2 : i32
    %dma_start3A_106 = arith.constant 0 : i32
    %dma_start3A_107 = arith.constant 0 : i32
    %dma_start3A_108 = tpu.memref_slice %arg2[%add3A, %dma_start3A_105, %dma_start3A_106, %dma_start3A_107] : memref<32x157x2x64xi32, #tpu.memory_space<hbm>> -> memref<1x1x2x64xi32, #tpu.memory_space<hbm>>
    %dma_start3A_109 = tpu.memref_squeeze %dma_start3A_108 : memref<1x1x2x64xi32, #tpu.memory_space<hbm>> -> memref<1x2x64xi32, #tpu.memory_space<hbm>>
    tpu.enqueue_dma source(%dma_start3A_109 : memref<1x2x64xi32, #tpu.memory_space<hbm>>) target(%dma_start3A_104 : memref<1x2x64xi32, #tpu.memory_space<vmem>>) target_semaphore(%arg10 : memref<!tpu.dma_semaphore, #tpu.memory_space<semaphore_mem>>)
    %dma_start3A_110 = arith.constant 3 : i32
    %dma_start3A_111 = arith.constant 0 : i32
    %dma_start3A_112 = arith.constant 0 : i32
    %dma_start3A_113 = tpu.memref_slice %arg5[%dma_start3A_110, %dma_start3A_111, %dma_start3A_112] : memref<8x2x64xi32, #tpu.memory_space<vmem>> -> memref<1x2x64xi32, #tpu.memory_space<vmem>>
    %dma_start3A_114 = arith.constant 3 : i32
    %dma_start3A_115 = arith.constant 0 : i32
    %dma_start3A_116 = arith.constant 0 : i32
    %dma_start3A_117 = tpu.memref_slice %arg2[%add3A, %dma_start3A_114, %dma_start3A_115, %dma_start3A_116] : memref<32x157x2x64xi32, #tpu.memory_space<hbm>> -> memref<1x1x2x64xi32, #tpu.memory_space<hbm>>
    %dma_start3A_118 = tpu.memref_squeeze %dma_start3A_117 : memref<1x1x2x64xi32, #tpu.memory_space<hbm>> -> memref<1x2x64xi32, #tpu.memory_space<hbm>>
    %dma_start3A_119 = arith.constant 3 : i32
    %dma_start3A_120 = arith.constant 0 : i32
    %dma_start3A_121 = arith.constant 0 : i32
    %dma_start3A_122 = tpu.memref_slice %arg5[%dma_start3A_119, %dma_start3A_120, %dma_start3A_121] : memref<8x2x64xi32, #tpu.memory_space<vmem>> -> memref<1x2x64xi32, #tpu.memory_space<vmem>>
    %dma_start3A_123 = arith.constant 3 : i32
    %dma_start3A_124 = arith.constant 0 : i32
    %dma_start3A_125 = arith.constant 0 : i32
    %dma_start3A_126 = tpu.memref_slice %arg2[%add3A, %dma_start3A_123, %dma_start3A_124, %dma_start3A_125] : memref<32x157x2x64xi32, #tpu.memory_space<hbm>> -> memref<1x1x2x64xi32, #tpu.memory_space<hbm>>
    %dma_start3A_127 = tpu.memref_squeeze %dma_start3A_126 : memref<1x1x2x64xi32, #tpu.memory_space<hbm>> -> memref<1x2x64xi32, #tpu.memory_space<hbm>>
    tpu.enqueue_dma source(%dma_start3A_127 : memref<1x2x64xi32, #tpu.memory_space<hbm>>) target(%dma_start3A_122 : memref<1x2x64xi32, #tpu.memory_space<vmem>>) target_semaphore(%arg11 : memref<!tpu.dma_semaphore, #tpu.memory_space<semaphore_mem>>)
    %dma_start3A_128 = arith.constant 4 : i32
    %dma_start3A_129 = arith.constant 0 : i32
    %dma_start3A_130 = arith.constant 0 : i32
    %dma_start3A_131 = tpu.memref_slice %arg5[%dma_start3A_128, %dma_start3A_129, %dma_start3A_130] : memref<8x2x64xi32, #tpu.memory_space<vmem>> -> memref<1x2x64xi32, #tpu.memory_space<vmem>>
    %dma_start3A_132 = arith.constant 4 : i32
    %dma_start3A_133 = arith.constant 0 : i32
    %dma_start3A_134 = arith.constant 0 : i32
    %dma_start3A_135 = tpu.memref_slice %arg2[%add3A, %dma_start3A_132, %dma_start3A_133, %dma_start3A_134] : memref<32x157x2x64xi32, #tpu.memory_space<hbm>> -> memref<1x1x2x64xi32, #tpu.memory_space<hbm>>
    %dma_start3A_136 = tpu.memref_squeeze %dma_start3A_135 : memref<1x1x2x64xi32, #tpu.memory_space<hbm>> -> memref<1x2x64xi32, #tpu.memory_space<hbm>>
    %dma_start3A_137 = arith.constant 4 : i32
    %dma_start3A_138 = arith.constant 0 : i32
    %dma_start3A_139 = arith.constant 0 : i32
    %dma_start3A_140 = tpu.memref_slice %arg5[%dma_start3A_137, %dma_start3A_138, %dma_start3A_139] : memref<8x2x64xi32, #tpu.memory_space<vmem>> -> memref<1x2x64xi32, #tpu.memory_space<vmem>>
    %dma_start3A_141 = arith.constant 4 : i32
    %dma_start3A_142 = arith.constant 0 : i32
    %dma_start3A_143 = arith.constant 0 : i32
    %dma_start3A_144 = tpu.memref_slice %arg2[%add3A, %dma_start3A_141, %dma_start3A_142, %dma_start3A_143] : memref<32x157x2x64xi32, #tpu.memory_space<hbm>> -> memref<1x1x2x64xi32, #tpu.memory_space<hbm>>
    %dma_start3A_145 = tpu.memref_squeeze %dma_start3A_144 : memref<1x1x2x64xi32, #tpu.memory_space<hbm>> -> memref<1x2x64xi32, #tpu.memory_space<hbm>>
    tpu.enqueue_dma source(%dma_start3A_145 : memref<1x2x64xi32, #tpu.memory_space<hbm>>) target(%dma_start3A_140 : memref<1x2x64xi32, #tpu.memory_space<vmem>>) target_semaphore(%arg12 : memref<!tpu.dma_semaphore, #tpu.memory_space<semaphore_mem>>)
    %dma_wait3A = arith.constant 0 : i32
    %dma_wait3A_146 = arith.constant 0 : i32
    %dma_wait3A_147 = arith.constant 0 : i32
    %dma_wait3A_148 = tpu.memref_slice %arg5[%dma_wait3A, %dma_wait3A_146, %dma_wait3A_147] : memref<8x2x64xi32, #tpu.memory_space<vmem>> -> memref<1x2x64xi32, #tpu.memory_space<vmem>>
    %dma_wait3A_149 = arith.constant 0 : i32
    %dma_wait3A_150 = arith.constant 0 : i32
    %dma_wait3A_151 = arith.constant 0 : i32
    %dma_wait3A_152 = tpu.memref_slice %arg2[%add3A, %dma_wait3A_149, %dma_wait3A_150, %dma_wait3A_151] : memref<32x157x2x64xi32, #tpu.memory_space<hbm>> -> memref<1x1x2x64xi32, #tpu.memory_space<hbm>>
    %dma_wait3A_153 = tpu.memref_squeeze %dma_wait3A_152 : memref<1x1x2x64xi32, #tpu.memory_space<hbm>> -> memref<1x2x64xi32, #tpu.memory_space<hbm>>
    %dma_wait3A_154 = arith.constant 0 : i32
    %dma_wait3A_155 = arith.constant 0 : i32
    %dma_wait3A_156 = arith.constant 0 : i32
    %dma_wait3A_157 = tpu.memref_slice %arg5[%dma_wait3A_154, %dma_wait3A_155, %dma_wait3A_156] : memref<8x2x64xi32, #tpu.memory_space<vmem>> -> memref<1x2x64xi32, #tpu.memory_space<vmem>>
    %dma_wait3A_158 = arith.constant 0 : i32
    %dma_wait3A_159 = arith.constant 0 : i32
    %dma_wait3A_160 = arith.constant 0 : i32
    %dma_wait3A_161 = tpu.memref_slice %arg2[%add3A, %dma_wait3A_158, %dma_wait3A_159, %dma_wait3A_160] : memref<32x157x2x64xi32, #tpu.memory_space<hbm>> -> memref<1x1x2x64xi32, #tpu.memory_space<hbm>>
    %dma_wait3A_162 = tpu.memref_squeeze %dma_wait3A_161 : memref<1x1x2x64xi32, #tpu.memory_space<hbm>> -> memref<1x2x64xi32, #tpu.memory_space<hbm>>
    tpu.wait_dma2 semaphore(%arg8 : memref<!tpu.dma_semaphore, #tpu.memory_space<semaphore_mem>>) src(%dma_wait3A_162 : memref<1x2x64xi32, #tpu.memory_space<hbm>>) dst(%dma_wait3A_157 : memref<1x2x64xi32, #tpu.memory_space<vmem>>)
    %dma_start3A_163 = arith.constant 0 : i32
    %dma_start3A_164 = arith.constant 0 : i32
    %dma_start3A_165 = arith.constant 0 : i32
    %dma_start3A_166 = arith.constant 0 : i32
    %dma_start3A_167 = arith.constant 0 : i32
    %dma_start3A_168 = tpu.memref_slice %arg6[%dma_start3A_165, %dma_start3A_166, %dma_start3A_167] : memref<4x64x128xf32, #tpu.memory_space<vmem>> -> memref<1x64x128xf32, #tpu.memory_space<vmem>>
    %dma_start3A_169 = tpu.memref_squeeze %dma_start3A_168 : memref<1x64x128xf32, #tpu.memory_space<vmem>> -> memref<64x128xf32, #tpu.memory_space<vmem>>
    %dma_start3A_170 = arith.constant 0 : i32
    %dma_start3A_171 = tpu.memref_slice %arg5[%dma_start3A_163, %dma_start3A_164, %dma_start3A_170] : memref<8x2x64xi32, #tpu.memory_space<vmem>> -> memref<1x1x64xi32, #tpu.memory_space<vmem>>
    %dma_start3A_172 = tpu.memref_squeeze %dma_start3A_171 : memref<1x1x64xi32, #tpu.memory_space<vmem>> -> memref<64xi32, #tpu.memory_space<vmem>>
    %dma_start3A_173 = arith.constant 0 : i32
    %dma_start3A_174 = arith.constant 0 : i32
    %dma_start3A_175 = tpu.memref_slice %arg3[%dma_start3A_173, %dma_start3A_174] : memref<10240x128xf32, #tpu.memory_space<hbm>> -> memref<10240x128xf32, #tpu.memory_space<hbm>>
    tpu.enqueue_indirect_dma source(%dma_start3A_175 : memref<10240x128xf32, #tpu.memory_space<hbm>>) target(%dma_start3A_169 : memref<64x128xf32, #tpu.memory_space<vmem>>) offsets(%dma_start3A_172 : memref<64xi32, #tpu.memory_space<vmem>>) semaphore(%arg16 : memref<!tpu.dma_semaphore, #tpu.memory_space<semaphore_mem>>)
    %scan3A_176 = arith.constant 0 : i32
    %scan3A_177 = arith.constant 0 : i32
    %scan3A_178 = arith.constant 157 : i32
    %scan3A_179 = arith.addi %scan3A_177, %scan3A_178 : i32
    %scan3A_180 = arith.constant 1 : i32
    %scan3A_181 = scf.for %scan3A_240 = %scan3A_177 to %scan3A_179 step %scan3A_180 iter_args(%scan3A_241 = %scan3A_176) -> (i32)  : i32 {
      %jit3A = arith.constant 8 : i32
      %eq3A = arith.constant 0 : i32
      %eq3A_242 = arith.cmpi eq, %jit3A, %eq3A : i32
      %jit3A_243 = arith.constant 1 : i32
      %select_n3A = arith.select %eq3A_242, %jit3A_243, %jit3A : i32
      %rem3A = arith.remsi %scan3A_240, %select_n3A : i32
      %ne3A = arith.constant 0 : i32
      %ne3A_244 = arith.cmpi ne, %rem3A, %ne3A : i32
      %lt3A = arith.constant 0 : i32
      %lt3A_245 = arith.cmpi slt, %rem3A, %lt3A : i32
      %lt3A_246 = arith.constant 0 : i32
      %lt3A_247 = arith.cmpi slt, %select_n3A, %lt3A_246 : i32
      %ne3A_248 = arith.xori %lt3A_245, %lt3A_247 : i1
      %and3A = arith.andi %ne3A_248, %ne3A_244 : i1
      %add3A_249 = arith.addi %rem3A, %select_n3A : i32
      %select_n3A_250 = arith.select %and3A, %add3A_249, %rem3A : i32
      %eq3A_251 = arith.constant 0 : i32
      %eq3A_252 = arith.cmpi eq, %select_n3A_250, %eq3A_251 : i32
      %convert_element_type3A = arith.extui %eq3A_252 : i1 to i32
      %cond3A = arith.constant 0 : i32
      %cond3A_253 = arith.cmpi ne, %convert_element_type3A, %cond3A : i32
      scf.if %cond3A_253 {
        %add3A_402 = arith.constant 1 : i32
        %add3A_403 = arith.addi %scan3A_240, %add3A_402 : i32
        %lt3A_404 = arith.constant 157 : i32
        %lt3A_405 = arith.cmpi slt, %add3A_403, %lt3A_404 : i32
        %convert_element_type3A_406 = arith.extui %lt3A_405 : i1 to i32
        %cond3A_407 = arith.constant 0 : i32
        %cond3A_408 = arith.cmpi ne, %convert_element_type3A_406, %cond3A_407 : i32
        scf.if %cond3A_408 {
          %add3A_442 = arith.constant 1 : i32
          %add3A_443 = arith.addi %scan3A_240, %add3A_442 : i32
          %dma_wait3A_444 = arith.constant 1 : i32
          %dma_wait3A_445 = arith.constant 0 : i32
          %dma_wait3A_446 = arith.constant 0 : i32
          %dma_wait3A_447 = tpu.memref_slice %arg5[%dma_wait3A_444, %dma_wait3A_445, %dma_wait3A_446] : memref<8x2x64xi32, #tpu.memory_space<vmem>> -> memref<1x2x64xi32, #tpu.memory_space<vmem>>
          %dma_wait3A_448 = arith.constant 0 : i32
          %dma_wait3A_449 = arith.constant 0 : i32
          %dma_wait3A_450 = tpu.memref_slice %arg2[%add3A, %add3A_443, %dma_wait3A_448, %dma_wait3A_449] : memref<32x157x2x64xi32, #tpu.memory_space<hbm>> -> memref<1x1x2x64xi32, #tpu.memory_space<hbm>>
          %dma_wait3A_451 = tpu.memref_squeeze %dma_wait3A_450 : memref<1x1x2x64xi32, #tpu.memory_space<hbm>> -> memref<1x2x64xi32, #tpu.memory_space<hbm>>
          %dma_wait3A_452 = arith.constant 1 : i32
          %dma_wait3A_453 = arith.constant 0 : i32
          %dma_wait3A_454 = arith.constant 0 : i32
          %dma_wait3A_455 = tpu.memref_slice %arg5[%dma_wait3A_452, %dma_wait3A_453, %dma_wait3A_454] : memref<8x2x64xi32, #tpu.memory_space<vmem>> -> memref<1x2x64xi32, #tpu.memory_space<vmem>>
          %dma_wait3A_456 = arith.constant 0 : i32
          %dma_wait3A_457 = arith.constant 0 : i32
          %dma_wait3A_458 = tpu.memref_slice %arg2[%add3A, %add3A_443, %dma_wait3A_456, %dma_wait3A_457] : memref<32x157x2x64xi32, #tpu.memory_space<hbm>> -> memref<1x1x2x64xi32, #tpu.memory_space<hbm>>
          %dma_wait3A_459 = tpu.memref_squeeze %dma_wait3A_458 : memref<1x1x2x64xi32, #tpu.memory_space<hbm>> -> memref<1x2x64xi32, #tpu.memory_space<hbm>>
          tpu.wait_dma2 semaphore(%arg9 : memref<!tpu.dma_semaphore, #tpu.memory_space<semaphore_mem>>) src(%dma_wait3A_459 : memref<1x2x64xi32, #tpu.memory_space<hbm>>) dst(%dma_wait3A_455 : memref<1x2x64xi32, #tpu.memory_space<vmem>>)
          %ge3A = arith.constant 3 : i32
          %ge3A_460 = arith.cmpi sge, %scan3A_240, %ge3A : i32
          %convert_element_type3A_461 = arith.extui %ge3A_460 : i1 to i32
          %cond3A_462 = arith.constant 0 : i32
          %cond3A_463 = arith.cmpi ne, %convert_element_type3A_461, %cond3A_462 : i32
          scf.if %cond3A_463 {
            %dma_wait3A_477 = arith.constant 1 : i32
            %dma_wait3A_478 = arith.constant 5 : i32
            %dma_wait3A_479 = arith.constant 1 : i32
            %dma_wait3A_480 = arith.constant 0 : i32
            %dma_wait3A_481 = arith.constant 0 : i32
            %dma_wait3A_482 = tpu.memref_slice %arg6[%dma_wait3A_477, %dma_wait3A_480, %dma_wait3A_481] : memref<4x64x128xf32, #tpu.memory_space<vmem>> -> memref<1x64x128xf32, #tpu.memory_space<vmem>>
            %dma_wait3A_483 = tpu.memref_squeeze %dma_wait3A_482 : memref<1x64x128xf32, #tpu.memory_space<vmem>> -> memref<64x128xf32, #tpu.memory_space<vmem>>
            %dma_wait3A_484 = arith.constant 0 : i32
            %dma_wait3A_485 = tpu.memref_slice %arg5[%dma_wait3A_478, %dma_wait3A_479, %dma_wait3A_484] : memref<8x2x64xi32, #tpu.memory_space<vmem>> -> memref<1x1x64xi32, #tpu.memory_space<vmem>>
            %dma_wait3A_486 = tpu.memref_squeeze %dma_wait3A_485 : memref<1x1x64xi32, #tpu.memory_space<vmem>> -> memref<64xi32, #tpu.memory_space<vmem>>
            %dma_wait3A_487 = arith.constant 0 : i32
            %dma_wait3A_488 = arith.constant 0 : i32
            %dma_wait3A_489 = tpu.memref_slice %arg7[%dma_wait3A_487, %dma_wait3A_488] : memref<10240x128xf32, #tpu.memory_space<vmem_shared>> -> memref<10240x128xf32, #tpu.memory_space<vmem_shared>>
            tpu.wait_indirect_dma semaphore(%arg21 : memref<!tpu.dma_semaphore, #tpu.memory_space<semaphore_mem>>) src(%dma_wait3A_483 : memref<64x128xf32, #tpu.memory_space<vmem>>) dst(%dma_wait3A_489 : memref<10240x128xf32, #tpu.memory_space<vmem_shared>>)
          } else {
          }
          %dma_start3A_464 = arith.constant 1 : i32
          %dma_start3A_465 = arith.constant 0 : i32
          %dma_start3A_466 = arith.constant 1 : i32
          %dma_start3A_467 = arith.constant 0 : i32
          %dma_start3A_468 = arith.constant 0 : i32
          %dma_start3A_469 = tpu.memref_slice %arg6[%dma_start3A_466, %dma_start3A_467, %dma_start3A_468] : memref<4x64x128xf32, #tpu.memory_space<vmem>> -> memref<1x64x128xf32, #tpu.memory_space<vmem>>
          %dma_start3A_470 = tpu.memref_squeeze %dma_start3A_469 : memref<1x64x128xf32, #tpu.memory_space<vmem>> -> memref<64x128xf32, #tpu.memory_space<vmem>>
          %dma_start3A_471 = arith.constant 0 : i32
          %dma_start3A_472 = tpu.memref_slice %arg5[%dma_start3A_464, %dma_start3A_465, %dma_start3A_471] : memref<8x2x64xi32, #tpu.memory_space<vmem>> -> memref<1x1x64xi32, #tpu.memory_space<vmem>>
          %dma_start3A_473 = tpu.memref_squeeze %dma_start3A_472 : memref<1x1x64xi32, #tpu.memory_space<vmem>> -> memref<64xi32, #tpu.memory_space<vmem>>
          %dma_start3A_474 = arith.constant 0 : i32
          %dma_start3A_475 = arith.constant 0 : i32
          %dma_start3A_476 = tpu.memref_slice %arg3[%dma_start3A_474, %dma_start3A_475] : memref<10240x128xf32, #tpu.memory_space<hbm>> -> memref<10240x128xf32, #tpu.memory_space<hbm>>
          tpu.enqueue_indirect_dma source(%dma_start3A_476 : memref<10240x128xf32, #tpu.memory_space<hbm>>) target(%dma_start3A_470 : memref<64x128xf32, #tpu.memory_space<vmem>>) offsets(%dma_start3A_473 : memref<64xi32, #tpu.memory_space<vmem>>) semaphore(%arg17 : memref<!tpu.dma_semaphore, #tpu.memory_space<semaphore_mem>>)
        } else {
        }
        %dma_wait3A_409 = arith.constant 0 : i32
        %dma_wait3A_410 = arith.constant 0 : i32
        %dma_wait3A_411 = arith.constant 0 : i32
        %dma_wait3A_412 = arith.constant 0 : i32
        %dma_wait3A_413 = arith.constant 0 : i32
        %dma_wait3A_414 = tpu.memref_slice %arg6[%dma_wait3A_411, %dma_wait3A_412, %dma_wait3A_413] : memref<4x64x128xf32, #tpu.memory_space<vmem>> -> memref<1x64x128xf32, #tpu.memory_space<vmem>>
        %dma_wait3A_415 = tpu.memref_squeeze %dma_wait3A_414 : memref<1x64x128xf32, #tpu.memory_space<vmem>> -> memref<64x128xf32, #tpu.memory_space<vmem>>
        %dma_wait3A_416 = arith.constant 0 : i32
        %dma_wait3A_417 = tpu.memref_slice %arg5[%dma_wait3A_409, %dma_wait3A_410, %dma_wait3A_416] : memref<8x2x64xi32, #tpu.memory_space<vmem>> -> memref<1x1x64xi32, #tpu.memory_space<vmem>>
        %dma_wait3A_418 = tpu.memref_squeeze %dma_wait3A_417 : memref<1x1x64xi32, #tpu.memory_space<vmem>> -> memref<64xi32, #tpu.memory_space<vmem>>
        %dma_wait3A_419 = arith.constant 0 : i32
        %dma_wait3A_420 = arith.constant 0 : i32
        %dma_wait3A_421 = tpu.memref_slice %arg3[%dma_wait3A_419, %dma_wait3A_420] : memref<10240x128xf32, #tpu.memory_space<hbm>> -> memref<10240x128xf32, #tpu.memory_space<hbm>>
        tpu.wait_indirect_dma semaphore(%arg16 : memref<!tpu.dma_semaphore, #tpu.memory_space<semaphore_mem>>) src(%dma_wait3A_421 : memref<10240x128xf32, #tpu.memory_space<hbm>>) dst(%dma_wait3A_415 : memref<64x128xf32, #tpu.memory_space<vmem>>)
        %dma_start3A_422 = arith.constant 0 : i32
        %dma_start3A_423 = arith.constant 0 : i32
        %dma_start3A_424 = arith.constant 1 : i32
        %dma_start3A_425 = arith.constant 0 : i32
        %dma_start3A_426 = arith.constant 0 : i32
        %dma_start3A_427 = tpu.memref_slice %arg6[%dma_start3A_422, %dma_start3A_425, %dma_start3A_426] : memref<4x64x128xf32, #tpu.memory_space<vmem>> -> memref<1x64x128xf32, #tpu.memory_space<vmem>>
        %dma_start3A_428 = tpu.memref_squeeze %dma_start3A_427 : memref<1x64x128xf32, #tpu.memory_space<vmem>> -> memref<64x128xf32, #tpu.memory_space<vmem>>
        %dma_start3A_429 = arith.constant 0 : i32
        %dma_start3A_430 = tpu.memref_slice %arg5[%dma_start3A_423, %dma_start3A_424, %dma_start3A_429] : memref<8x2x64xi32, #tpu.memory_space<vmem>> -> memref<1x1x64xi32, #tpu.memory_space<vmem>>
        %dma_start3A_431 = tpu.memref_squeeze %dma_start3A_430 : memref<1x1x64xi32, #tpu.memory_space<vmem>> -> memref<64xi32, #tpu.memory_space<vmem>>
        %dma_start3A_432 = arith.constant 0 : i32
        %dma_start3A_433 = arith.constant 0 : i32
        %dma_start3A_434 = tpu.memref_slice %arg7[%dma_start3A_432, %dma_start3A_433] : memref<10240x128xf32, #tpu.memory_space<vmem_shared>> -> memref<10240x128xf32, #tpu.memory_space<vmem_shared>>
        tpu.enqueue_indirect_dma source(%dma_start3A_428 : memref<64x128xf32, #tpu.memory_space<vmem>>) target(%dma_start3A_434 : memref<10240x128xf32, #tpu.memory_space<vmem_shared>>) offsets(%dma_start3A_431 : memref<64xi32, #tpu.memory_space<vmem>>) semaphore(%arg20 : memref<!tpu.dma_semaphore, #tpu.memory_space<semaphore_mem>>) {add = true}
        %add3A_435 = arith.constant 5 : i32
        %add3A_436 = arith.addi %scan3A_240, %add3A_435 : i32
        %lt3A_437 = arith.constant 157 : i32
        %lt3A_438 = arith.cmpi slt, %add3A_436, %lt3A_437 : i32
        %convert_element_type3A_439 = arith.extui %lt3A_438 : i1 to i32
        %cond3A_440 = arith.constant 0 : i32
        %cond3A_441 = arith.cmpi ne, %convert_element_type3A_439, %cond3A_440 : i32
        scf.if %cond3A_441 {
          %add3A_442 = arith.constant 5 : i32
          %add3A_443 = arith.addi %scan3A_240, %add3A_442 : i32
          %dma_start3A_444 = arith.constant 5 : i32
          %dma_start3A_445 = arith.constant 0 : i32
          %dma_start3A_446 = arith.constant 0 : i32
          %dma_start3A_447 = tpu.memref_slice %arg5[%dma_start3A_444, %dma_start3A_445, %dma_start3A_446] : memref<8x2x64xi32, #tpu.memory_space<vmem>> -> memref<1x2x64xi32, #tpu.memory_space<vmem>>
          %dma_start3A_448 = arith.constant 0 : i32
          %dma_start3A_449 = arith.constant 0 : i32
          %dma_start3A_450 = tpu.memref_slice %arg2[%add3A, %add3A_443, %dma_start3A_448, %dma_start3A_449] : memref<32x157x2x64xi32, #tpu.memory_space<hbm>> -> memref<1x1x2x64xi32, #tpu.memory_space<hbm>>
          %dma_start3A_451 = tpu.memref_squeeze %dma_start3A_450 : memref<1x1x2x64xi32, #tpu.memory_space<hbm>> -> memref<1x2x64xi32, #tpu.memory_space<hbm>>
          %dma_start3A_452 = arith.constant 5 : i32
          %dma_start3A_453 = arith.constant 0 : i32
          %dma_start3A_454 = arith.constant 0 : i32
          %dma_start3A_455 = tpu.memref_slice %arg5[%dma_start3A_452, %dma_start3A_453, %dma_start3A_454] : memref<8x2x64xi32, #tpu.memory_space<vmem>> -> memref<1x2x64xi32, #tpu.memory_space<vmem>>
          %dma_start3A_456 = arith.constant 0 : i32
          %dma_start3A_457 = arith.constant 0 : i32
          %dma_start3A_458 = tpu.memref_slice %arg2[%add3A, %add3A_443, %dma_start3A_456, %dma_start3A_457] : memref<32x157x2x64xi32, #tpu.memory_space<hbm>> -> memref<1x1x2x64xi32, #tpu.memory_space<hbm>>
          %dma_start3A_459 = tpu.memref_squeeze %dma_start3A_458 : memref<1x1x2x64xi32, #tpu.memory_space<hbm>> -> memref<1x2x64xi32, #tpu.memory_space<hbm>>
          tpu.enqueue_dma source(%dma_start3A_459 : memref<1x2x64xi32, #tpu.memory_space<hbm>>) target(%dma_start3A_455 : memref<1x2x64xi32, #tpu.memory_space<vmem>>) target_semaphore(%arg13 : memref<!tpu.dma_semaphore, #tpu.memory_space<semaphore_mem>>)
        } else {
        }
      } else {
      }
      %jit3A_254 = arith.constant 8 : i32
      %eq3A_255 = arith.constant 0 : i32
      %eq3A_256 = arith.cmpi eq, %jit3A_254, %eq3A_255 : i32
      %jit3A_257 = arith.constant 1 : i32
      %select_n3A_258 = arith.select %eq3A_256, %jit3A_257, %jit3A_254 : i32
      %rem3A_259 = arith.remsi %scan3A_240, %select_n3A_258 : i32
      %ne3A_260 = arith.constant 0 : i32
      %ne3A_261 = arith.cmpi ne, %rem3A_259, %ne3A_260 : i32
      %lt3A_262 = arith.constant 0 : i32
      %lt3A_263 = arith.cmpi slt, %rem3A_259, %lt3A_262 : i32
      %lt3A_264 = arith.constant 0 : i32
      %lt3A_265 = arith.cmpi slt, %select_n3A_258, %lt3A_264 : i32
      %ne3A_266 = arith.xori %lt3A_263, %lt3A_265 : i1
      %and3A_267 = arith.andi %ne3A_266, %ne3A_261 : i1
      %add3A_268 = arith.addi %rem3A_259, %select_n3A_258 : i32
      %select_n3A_269 = arith.select %and3A_267, %add3A_268, %rem3A_259 : i32
      %eq3A_270 = arith.constant 1 : i32
      %eq3A_271 = arith.cmpi eq, %select_n3A_269, %eq3A_270 : i32
      %convert_element_type3A_272 = arith.extui %eq3A_271 : i1 to i32
      %cond3A_273 = arith.constant 0 : i32
      %cond3A_274 = arith.cmpi ne, %convert_element_type3A_272, %cond3A_273 : i32
      scf.if %cond3A_274 {
        %add3A_402 = arith.constant 1 : i32
        %add3A_403 = arith.addi %scan3A_240, %add3A_402 : i32
        %lt3A_404 = arith.constant 157 : i32
        %lt3A_405 = arith.cmpi slt, %add3A_403, %lt3A_404 : i32
        %convert_element_type3A_406 = arith.extui %lt3A_405 : i1 to i32
        %cond3A_407 = arith.constant 0 : i32
        %cond3A_408 = arith.cmpi ne, %convert_element_type3A_406, %cond3A_407 : i32
        scf.if %cond3A_408 {
          %add3A_442 = arith.constant 1 : i32
          %add3A_443 = arith.addi %scan3A_240, %add3A_442 : i32
          %dma_wait3A_444 = arith.constant 2 : i32
          %dma_wait3A_445 = arith.constant 0 : i32
          %dma_wait3A_446 = arith.constant 0 : i32
          %dma_wait3A_447 = tpu.memref_slice %arg5[%dma_wait3A_444, %dma_wait3A_445, %dma_wait3A_446] : memref<8x2x64xi32, #tpu.memory_space<vmem>> -> memref<1x2x64xi32, #tpu.memory_space<vmem>>
          %dma_wait3A_448 = arith.constant 0 : i32
          %dma_wait3A_449 = arith.constant 0 : i32
          %dma_wait3A_450 = tpu.memref_slice %arg2[%add3A, %add3A_443, %dma_wait3A_448, %dma_wait3A_449] : memref<32x157x2x64xi32, #tpu.memory_space<hbm>> -> memref<1x1x2x64xi32, #tpu.memory_space<hbm>>
          %dma_wait3A_451 = tpu.memref_squeeze %dma_wait3A_450 : memref<1x1x2x64xi32, #tpu.memory_space<hbm>> -> memref<1x2x64xi32, #tpu.memory_space<hbm>>
          %dma_wait3A_452 = arith.constant 2 : i32
          %dma_wait3A_453 = arith.constant 0 : i32
          %dma_wait3A_454 = arith.constant 0 : i32
          %dma_wait3A_455 = tpu.memref_slice %arg5[%dma_wait3A_452, %dma_wait3A_453, %dma_wait3A_454] : memref<8x2x64xi32, #tpu.memory_space<vmem>> -> memref<1x2x64xi32, #tpu.memory_space<vmem>>
          %dma_wait3A_456 = arith.constant 0 : i32
          %dma_wait3A_457 = arith.constant 0 : i32
          %dma_wait3A_458 = tpu.memref_slice %arg2[%add3A, %add3A_443, %dma_wait3A_456, %dma_wait3A_457] : memref<32x157x2x64xi32, #tpu.memory_space<hbm>> -> memref<1x1x2x64xi32, #tpu.memory_space<hbm>>
          %dma_wait3A_459 = tpu.memref_squeeze %dma_wait3A_458 : memref<1x1x2x64xi32, #tpu.memory_space<hbm>> -> memref<1x2x64xi32, #tpu.memory_space<hbm>>
          tpu.wait_dma2 semaphore(%arg10 : memref<!tpu.dma_semaphore, #tpu.memory_space<semaphore_mem>>) src(%dma_wait3A_459 : memref<1x2x64xi32, #tpu.memory_space<hbm>>) dst(%dma_wait3A_455 : memref<1x2x64xi32, #tpu.memory_space<vmem>>)
          %ge3A = arith.constant 3 : i32
          %ge3A_460 = arith.cmpi sge, %scan3A_240, %ge3A : i32
          %convert_element_type3A_461 = arith.extui %ge3A_460 : i1 to i32
          %cond3A_462 = arith.constant 0 : i32
          %cond3A_463 = arith.cmpi ne, %convert_element_type3A_461, %cond3A_462 : i32
          scf.if %cond3A_463 {
            %dma_wait3A_477 = arith.constant 2 : i32
            %dma_wait3A_478 = arith.constant 6 : i32
            %dma_wait3A_479 = arith.constant 1 : i32
            %dma_wait3A_480 = arith.constant 0 : i32
            %dma_wait3A_481 = arith.constant 0 : i32
            %dma_wait3A_482 = tpu.memref_slice %arg6[%dma_wait3A_477, %dma_wait3A_480, %dma_wait3A_481] : memref<4x64x128xf32, #tpu.memory_space<vmem>> -> memref<1x64x128xf32, #tpu.memory_space<vmem>>
            %dma_wait3A_483 = tpu.memref_squeeze %dma_wait3A_482 : memref<1x64x128xf32, #tpu.memory_space<vmem>> -> memref<64x128xf32, #tpu.memory_space<vmem>>
            %dma_wait3A_484 = arith.constant 0 : i32
            %dma_wait3A_485 = tpu.memref_slice %arg5[%dma_wait3A_478, %dma_wait3A_479, %dma_wait3A_484] : memref<8x2x64xi32, #tpu.memory_space<vmem>> -> memref<1x1x64xi32, #tpu.memory_space<vmem>>
            %dma_wait3A_486 = tpu.memref_squeeze %dma_wait3A_485 : memref<1x1x64xi32, #tpu.memory_space<vmem>> -> memref<64xi32, #tpu.memory_space<vmem>>
            %dma_wait3A_487 = arith.constant 0 : i32
            %dma_wait3A_488 = arith.constant 0 : i32
            %dma_wait3A_489 = tpu.memref_slice %arg7[%dma_wait3A_487, %dma_wait3A_488] : memref<10240x128xf32, #tpu.memory_space<vmem_shared>> -> memref<10240x128xf32, #tpu.memory_space<vmem_shared>>
            tpu.wait_indirect_dma semaphore(%arg22 : memref<!tpu.dma_semaphore, #tpu.memory_space<semaphore_mem>>) src(%dma_wait3A_483 : memref<64x128xf32, #tpu.memory_space<vmem>>) dst(%dma_wait3A_489 : memref<10240x128xf32, #tpu.memory_space<vmem_shared>>)
          } else {
          }
          %dma_start3A_464 = arith.constant 2 : i32
          %dma_start3A_465 = arith.constant 0 : i32
          %dma_start3A_466 = arith.constant 2 : i32
          %dma_start3A_467 = arith.constant 0 : i32
          %dma_start3A_468 = arith.constant 0 : i32
          %dma_start3A_469 = tpu.memref_slice %arg6[%dma_start3A_466, %dma_start3A_467, %dma_start3A_468] : memref<4x64x128xf32, #tpu.memory_space<vmem>> -> memref<1x64x128xf32, #tpu.memory_space<vmem>>
          %dma_start3A_470 = tpu.memref_squeeze %dma_start3A_469 : memref<1x64x128xf32, #tpu.memory_space<vmem>> -> memref<64x128xf32, #tpu.memory_space<vmem>>
          %dma_start3A_471 = arith.constant 0 : i32
          %dma_start3A_472 = tpu.memref_slice %arg5[%dma_start3A_464, %dma_start3A_465, %dma_start3A_471] : memref<8x2x64xi32, #tpu.memory_space<vmem>> -> memref<1x1x64xi32, #tpu.memory_space<vmem>>
          %dma_start3A_473 = tpu.memref_squeeze %dma_start3A_472 : memref<1x1x64xi32, #tpu.memory_space<vmem>> -> memref<64xi32, #tpu.memory_space<vmem>>
          %dma_start3A_474 = arith.constant 0 : i32
          %dma_start3A_475 = arith.constant 0 : i32
          %dma_start3A_476 = tpu.memref_slice %arg3[%dma_start3A_474, %dma_start3A_475] : memref<10240x128xf32, #tpu.memory_space<hbm>> -> memref<10240x128xf32, #tpu.memory_space<hbm>>
          tpu.enqueue_indirect_dma source(%dma_start3A_476 : memref<10240x128xf32, #tpu.memory_space<hbm>>) target(%dma_start3A_470 : memref<64x128xf32, #tpu.memory_space<vmem>>) offsets(%dma_start3A_473 : memref<64xi32, #tpu.memory_space<vmem>>) semaphore(%arg18 : memref<!tpu.dma_semaphore, #tpu.memory_space<semaphore_mem>>)
        } else {
        }
        %dma_wait3A_409 = arith.constant 1 : i32
        %dma_wait3A_410 = arith.constant 0 : i32
        %dma_wait3A_411 = arith.constant 1 : i32
        %dma_wait3A_412 = arith.constant 0 : i32
        %dma_wait3A_413 = arith.constant 0 : i32
        %dma_wait3A_414 = tpu.memref_slice %arg6[%dma_wait3A_411, %dma_wait3A_412, %dma_wait3A_413] : memref<4x64x128xf32, #tpu.memory_space<vmem>> -> memref<1x64x128xf32, #tpu.memory_space<vmem>>
        %dma_wait3A_415 = tpu.memref_squeeze %dma_wait3A_414 : memref<1x64x128xf32, #tpu.memory_space<vmem>> -> memref<64x128xf32, #tpu.memory_space<vmem>>
        %dma_wait3A_416 = arith.constant 0 : i32
        %dma_wait3A_417 = tpu.memref_slice %arg5[%dma_wait3A_409, %dma_wait3A_410, %dma_wait3A_416] : memref<8x2x64xi32, #tpu.memory_space<vmem>> -> memref<1x1x64xi32, #tpu.memory_space<vmem>>
        %dma_wait3A_418 = tpu.memref_squeeze %dma_wait3A_417 : memref<1x1x64xi32, #tpu.memory_space<vmem>> -> memref<64xi32, #tpu.memory_space<vmem>>
        %dma_wait3A_419 = arith.constant 0 : i32
        %dma_wait3A_420 = arith.constant 0 : i32
        %dma_wait3A_421 = tpu.memref_slice %arg3[%dma_wait3A_419, %dma_wait3A_420] : memref<10240x128xf32, #tpu.memory_space<hbm>> -> memref<10240x128xf32, #tpu.memory_space<hbm>>
        tpu.wait_indirect_dma semaphore(%arg17 : memref<!tpu.dma_semaphore, #tpu.memory_space<semaphore_mem>>) src(%dma_wait3A_421 : memref<10240x128xf32, #tpu.memory_space<hbm>>) dst(%dma_wait3A_415 : memref<64x128xf32, #tpu.memory_space<vmem>>)
        %dma_start3A_422 = arith.constant 1 : i32
        %dma_start3A_423 = arith.constant 1 : i32
        %dma_start3A_424 = arith.constant 1 : i32
        %dma_start3A_425 = arith.constant 0 : i32
        %dma_start3A_426 = arith.constant 0 : i32
        %dma_start3A_427 = tpu.memref_slice %arg6[%dma_start3A_422, %dma_start3A_425, %dma_start3A_426] : memref<4x64x128xf32, #tpu.memory_space<vmem>> -> memref<1x64x128xf32, #tpu.memory_space<vmem>>
        %dma_start3A_428 = tpu.memref_squeeze %dma_start3A_427 : memref<1x64x128xf32, #tpu.memory_space<vmem>> -> memref<64x128xf32, #tpu.memory_space<vmem>>
        %dma_start3A_429 = arith.constant 0 : i32
        %dma_start3A_430 = tpu.memref_slice %arg5[%dma_start3A_423, %dma_start3A_424, %dma_start3A_429] : memref<8x2x64xi32, #tpu.memory_space<vmem>> -> memref<1x1x64xi32, #tpu.memory_space<vmem>>
        %dma_start3A_431 = tpu.memref_squeeze %dma_start3A_430 : memref<1x1x64xi32, #tpu.memory_space<vmem>> -> memref<64xi32, #tpu.memory_space<vmem>>
        %dma_start3A_432 = arith.constant 0 : i32
        %dma_start3A_433 = arith.constant 0 : i32
        %dma_start3A_434 = tpu.memref_slice %arg7[%dma_start3A_432, %dma_start3A_433] : memref<10240x128xf32, #tpu.memory_space<vmem_shared>> -> memref<10240x128xf32, #tpu.memory_space<vmem_shared>>
        tpu.enqueue_indirect_dma source(%dma_start3A_428 : memref<64x128xf32, #tpu.memory_space<vmem>>) target(%dma_start3A_434 : memref<10240x128xf32, #tpu.memory_space<vmem_shared>>) offsets(%dma_start3A_431 : memref<64xi32, #tpu.memory_space<vmem>>) semaphore(%arg21 : memref<!tpu.dma_semaphore, #tpu.memory_space<semaphore_mem>>) {add = true}
        %add3A_435 = arith.constant 5 : i32
        %add3A_436 = arith.addi %scan3A_240, %add3A_435 : i32
        %lt3A_437 = arith.constant 157 : i32
        %lt3A_438 = arith.cmpi slt, %add3A_436, %lt3A_437 : i32
        %convert_element_type3A_439 = arith.extui %lt3A_438 : i1 to i32
        %cond3A_440 = arith.constant 0 : i32
        %cond3A_441 = arith.cmpi ne, %convert_element_type3A_439, %cond3A_440 : i32
        scf.if %cond3A_441 {
          %add3A_442 = arith.constant 5 : i32
          %add3A_443 = arith.addi %scan3A_240, %add3A_442 : i32
          %dma_start3A_444 = arith.constant 6 : i32
          %dma_start3A_445 = arith.constant 0 : i32
          %dma_start3A_446 = arith.constant 0 : i32
          %dma_start3A_447 = tpu.memref_slice %arg5[%dma_start3A_444, %dma_start3A_445, %dma_start3A_446] : memref<8x2x64xi32, #tpu.memory_space<vmem>> -> memref<1x2x64xi32, #tpu.memory_space<vmem>>
          %dma_start3A_448 = arith.constant 0 : i32
          %dma_start3A_449 = arith.constant 0 : i32
          %dma_start3A_450 = tpu.memref_slice %arg2[%add3A, %add3A_443, %dma_start3A_448, %dma_start3A_449] : memref<32x157x2x64xi32, #tpu.memory_space<hbm>> -> memref<1x1x2x64xi32, #tpu.memory_space<hbm>>
          %dma_start3A_451 = tpu.memref_squeeze %dma_start3A_450 : memref<1x1x2x64xi32, #tpu.memory_space<hbm>> -> memref<1x2x64xi32, #tpu.memory_space<hbm>>
          %dma_start3A_452 = arith.constant 6 : i32
          %dma_start3A_453 = arith.constant 0 : i32
          %dma_start3A_454 = arith.constant 0 : i32
          %dma_start3A_455 = tpu.memref_slice %arg5[%dma_start3A_452, %dma_start3A_453, %dma_start3A_454] : memref<8x2x64xi32, #tpu.memory_space<vmem>> -> memref<1x2x64xi32, #tpu.memory_space<vmem>>
          %dma_start3A_456 = arith.constant 0 : i32
          %dma_start3A_457 = arith.constant 0 : i32
          %dma_start3A_458 = tpu.memref_slice %arg2[%add3A, %add3A_443, %dma_start3A_456, %dma_start3A_457] : memref<32x157x2x64xi32, #tpu.memory_space<hbm>> -> memref<1x1x2x64xi32, #tpu.memory_space<hbm>>
          %dma_start3A_459 = tpu.memref_squeeze %dma_start3A_458 : memref<1x1x2x64xi32, #tpu.memory_space<hbm>> -> memref<1x2x64xi32, #tpu.memory_space<hbm>>
          tpu.enqueue_dma source(%dma_start3A_459 : memref<1x2x64xi32, #tpu.memory_space<hbm>>) target(%dma_start3A_455 : memref<1x2x64xi32, #tpu.memory_space<vmem>>) target_semaphore(%arg14 : memref<!tpu.dma_semaphore, #tpu.memory_space<semaphore_mem>>)
        } else {
        }
      } else {
      }
      %jit3A_275 = arith.constant 8 : i32
      %eq3A_276 = arith.constant 0 : i32
      %eq3A_277 = arith.cmpi eq, %jit3A_275, %eq3A_276 : i32
      %jit3A_278 = arith.constant 1 : i32
      %select_n3A_279 = arith.select %eq3A_277, %jit3A_278, %jit3A_275 : i32
      %rem3A_280 = arith.remsi %scan3A_240, %select_n3A_279 : i32
      %ne3A_281 = arith.constant 0 : i32
      %ne3A_282 = arith.cmpi ne, %rem3A_280, %ne3A_281 : i32
      %lt3A_283 = arith.constant 0 : i32
      %lt3A_284 = arith.cmpi slt, %rem3A_280, %lt3A_283 : i32
      %lt3A_285 = arith.constant 0 : i32
      %lt3A_286 = arith.cmpi slt, %select_n3A_279, %lt3A_285 : i32
      %ne3A_287 = arith.xori %lt3A_284, %lt3A_286 : i1
      %and3A_288 = arith.andi %ne3A_287, %ne3A_282 : i1
      %add3A_289 = arith.addi %rem3A_280, %select_n3A_279 : i32
      %select_n3A_290 = arith.select %and3A_288, %add3A_289, %rem3A_280 : i32
      %eq3A_291 = arith.constant 2 : i32
      %eq3A_292 = arith.cmpi eq, %select_n3A_290, %eq3A_291 : i32
      %convert_element_type3A_293 = arith.extui %eq3A_292 : i1 to i32
      %cond3A_294 = arith.constant 0 : i32
      %cond3A_295 = arith.cmpi ne, %convert_element_type3A_293, %cond3A_294 : i32
      scf.if %cond3A_295 {
        %add3A_402 = arith.constant 1 : i32
        %add3A_403 = arith.addi %scan3A_240, %add3A_402 : i32
        %lt3A_404 = arith.constant 157 : i32
        %lt3A_405 = arith.cmpi slt, %add3A_403, %lt3A_404 : i32
        %convert_element_type3A_406 = arith.extui %lt3A_405 : i1 to i32
        %cond3A_407 = arith.constant 0 : i32
        %cond3A_408 = arith.cmpi ne, %convert_element_type3A_406, %cond3A_407 : i32
        scf.if %cond3A_408 {
          %add3A_442 = arith.constant 1 : i32
          %add3A_443 = arith.addi %scan3A_240, %add3A_442 : i32
          %dma_wait3A_444 = arith.constant 3 : i32
          %dma_wait3A_445 = arith.constant 0 : i32
          %dma_wait3A_446 = arith.constant 0 : i32
          %dma_wait3A_447 = tpu.memref_slice %arg5[%dma_wait3A_444, %dma_wait3A_445, %dma_wait3A_446] : memref<8x2x64xi32, #tpu.memory_space<vmem>> -> memref<1x2x64xi32, #tpu.memory_space<vmem>>
          %dma_wait3A_448 = arith.constant 0 : i32
          %dma_wait3A_449 = arith.constant 0 : i32
          %dma_wait3A_450 = tpu.memref_slice %arg2[%add3A, %add3A_443, %dma_wait3A_448, %dma_wait3A_449] : memref<32x157x2x64xi32, #tpu.memory_space<hbm>> -> memref<1x1x2x64xi32, #tpu.memory_space<hbm>>
          %dma_wait3A_451 = tpu.memref_squeeze %dma_wait3A_450 : memref<1x1x2x64xi32, #tpu.memory_space<hbm>> -> memref<1x2x64xi32, #tpu.memory_space<hbm>>
          %dma_wait3A_452 = arith.constant 3 : i32
          %dma_wait3A_453 = arith.constant 0 : i32
          %dma_wait3A_454 = arith.constant 0 : i32
          %dma_wait3A_455 = tpu.memref_slice %arg5[%dma_wait3A_452, %dma_wait3A_453, %dma_wait3A_454] : memref<8x2x64xi32, #tpu.memory_space<vmem>> -> memref<1x2x64xi32, #tpu.memory_space<vmem>>
          %dma_wait3A_456 = arith.constant 0 : i32
          %dma_wait3A_457 = arith.constant 0 : i32
          %dma_wait3A_458 = tpu.memref_slice %arg2[%add3A, %add3A_443, %dma_wait3A_456, %dma_wait3A_457] : memref<32x157x2x64xi32, #tpu.memory_space<hbm>> -> memref<1x1x2x64xi32, #tpu.memory_space<hbm>>
          %dma_wait3A_459 = tpu.memref_squeeze %dma_wait3A_458 : memref<1x1x2x64xi32, #tpu.memory_space<hbm>> -> memref<1x2x64xi32, #tpu.memory_space<hbm>>
          tpu.wait_dma2 semaphore(%arg11 : memref<!tpu.dma_semaphore, #tpu.memory_space<semaphore_mem>>) src(%dma_wait3A_459 : memref<1x2x64xi32, #tpu.memory_space<hbm>>) dst(%dma_wait3A_455 : memref<1x2x64xi32, #tpu.memory_space<vmem>>)
          %ge3A = arith.constant 3 : i32
          %ge3A_460 = arith.cmpi sge, %scan3A_240, %ge3A : i32
          %convert_element_type3A_461 = arith.extui %ge3A_460 : i1 to i32
          %cond3A_462 = arith.constant 0 : i32
          %cond3A_463 = arith.cmpi ne, %convert_element_type3A_461, %cond3A_462 : i32
          scf.if %cond3A_463 {
            %dma_wait3A_477 = arith.constant 3 : i32
            %dma_wait3A_478 = arith.constant 7 : i32
            %dma_wait3A_479 = arith.constant 1 : i32
            %dma_wait3A_480 = arith.constant 0 : i32
            %dma_wait3A_481 = arith.constant 0 : i32
            %dma_wait3A_482 = tpu.memref_slice %arg6[%dma_wait3A_477, %dma_wait3A_480, %dma_wait3A_481] : memref<4x64x128xf32, #tpu.memory_space<vmem>> -> memref<1x64x128xf32, #tpu.memory_space<vmem>>
            %dma_wait3A_483 = tpu.memref_squeeze %dma_wait3A_482 : memref<1x64x128xf32, #tpu.memory_space<vmem>> -> memref<64x128xf32, #tpu.memory_space<vmem>>
            %dma_wait3A_484 = arith.constant 0 : i32
            %dma_wait3A_485 = tpu.memref_slice %arg5[%dma_wait3A_478, %dma_wait3A_479, %dma_wait3A_484] : memref<8x2x64xi32, #tpu.memory_space<vmem>> -> memref<1x1x64xi32, #tpu.memory_space<vmem>>
            %dma_wait3A_486 = tpu.memref_squeeze %dma_wait3A_485 : memref<1x1x64xi32, #tpu.memory_space<vmem>> -> memref<64xi32, #tpu.memory_space<vmem>>
            %dma_wait3A_487 = arith.constant 0 : i32
            %dma_wait3A_488 = arith.constant 0 : i32
            %dma_wait3A_489 = tpu.memref_slice %arg7[%dma_wait3A_487, %dma_wait3A_488] : memref<10240x128xf32, #tpu.memory_space<vmem_shared>> -> memref<10240x128xf32, #tpu.memory_space<vmem_shared>>
            tpu.wait_indirect_dma semaphore(%arg23 : memref<!tpu.dma_semaphore, #tpu.memory_space<semaphore_mem>>) src(%dma_wait3A_483 : memref<64x128xf32, #tpu.memory_space<vmem>>) dst(%dma_wait3A_489 : memref<10240x128xf32, #tpu.memory_space<vmem_shared>>)
          } else {
          }
          %dma_start3A_464 = arith.constant 3 : i32
          %dma_start3A_465 = arith.constant 0 : i32
          %dma_start3A_466 = arith.constant 3 : i32
          %dma_start3A_467 = arith.constant 0 : i32
          %dma_start3A_468 = arith.constant 0 : i32
          %dma_start3A_469 = tpu.memref_slice %arg6[%dma_start3A_466, %dma_start3A_467, %dma_start3A_468] : memref<4x64x128xf32, #tpu.memory_space<vmem>> -> memref<1x64x128xf32, #tpu.memory_space<vmem>>
          %dma_start3A_470 = tpu.memref_squeeze %dma_start3A_469 : memref<1x64x128xf32, #tpu.memory_space<vmem>> -> memref<64x128xf32, #tpu.memory_space<vmem>>
          %dma_start3A_471 = arith.constant 0 : i32
          %dma_start3A_472 = tpu.memref_slice %arg5[%dma_start3A_464, %dma_start3A_465, %dma_start3A_471] : memref<8x2x64xi32, #tpu.memory_space<vmem>> -> memref<1x1x64xi32, #tpu.memory_space<vmem>>
          %dma_start3A_473 = tpu.memref_squeeze %dma_start3A_472 : memref<1x1x64xi32, #tpu.memory_space<vmem>> -> memref<64xi32, #tpu.memory_space<vmem>>
          %dma_start3A_474 = arith.constant 0 : i32
          %dma_start3A_475 = arith.constant 0 : i32
          %dma_start3A_476 = tpu.memref_slice %arg3[%dma_start3A_474, %dma_start3A_475] : memref<10240x128xf32, #tpu.memory_space<hbm>> -> memref<10240x128xf32, #tpu.memory_space<hbm>>
          tpu.enqueue_indirect_dma source(%dma_start3A_476 : memref<10240x128xf32, #tpu.memory_space<hbm>>) target(%dma_start3A_470 : memref<64x128xf32, #tpu.memory_space<vmem>>) offsets(%dma_start3A_473 : memref<64xi32, #tpu.memory_space<vmem>>) semaphore(%arg19 : memref<!tpu.dma_semaphore, #tpu.memory_space<semaphore_mem>>)
        } else {
        }
        %dma_wait3A_409 = arith.constant 2 : i32
        %dma_wait3A_410 = arith.constant 0 : i32
        %dma_wait3A_411 = arith.constant 2 : i32
        %dma_wait3A_412 = arith.constant 0 : i32
        %dma_wait3A_413 = arith.constant 0 : i32
        %dma_wait3A_414 = tpu.memref_slice %arg6[%dma_wait3A_411, %dma_wait3A_412, %dma_wait3A_413] : memref<4x64x128xf32, #tpu.memory_space<vmem>> -> memref<1x64x128xf32, #tpu.memory_space<vmem>>
        %dma_wait3A_415 = tpu.memref_squeeze %dma_wait3A_414 : memref<1x64x128xf32, #tpu.memory_space<vmem>> -> memref<64x128xf32, #tpu.memory_space<vmem>>
        %dma_wait3A_416 = arith.constant 0 : i32
        %dma_wait3A_417 = tpu.memref_slice %arg5[%dma_wait3A_409, %dma_wait3A_410, %dma_wait3A_416] : memref<8x2x64xi32, #tpu.memory_space<vmem>> -> memref<1x1x64xi32, #tpu.memory_space<vmem>>
        %dma_wait3A_418 = tpu.memref_squeeze %dma_wait3A_417 : memref<1x1x64xi32, #tpu.memory_space<vmem>> -> memref<64xi32, #tpu.memory_space<vmem>>
        %dma_wait3A_419 = arith.constant 0 : i32
        %dma_wait3A_420 = arith.constant 0 : i32
        %dma_wait3A_421 = tpu.memref_slice %arg3[%dma_wait3A_419, %dma_wait3A_420] : memref<10240x128xf32, #tpu.memory_space<hbm>> -> memref<10240x128xf32, #tpu.memory_space<hbm>>
        tpu.wait_indirect_dma semaphore(%arg18 : memref<!tpu.dma_semaphore, #tpu.memory_space<semaphore_mem>>) src(%dma_wait3A_421 : memref<10240x128xf32, #tpu.memory_space<hbm>>) dst(%dma_wait3A_415 : memref<64x128xf32, #tpu.memory_space<vmem>>)
        %dma_start3A_422 = arith.constant 2 : i32
        %dma_start3A_423 = arith.constant 2 : i32
        %dma_start3A_424 = arith.constant 1 : i32
        %dma_start3A_425 = arith.constant 0 : i32
        %dma_start3A_426 = arith.constant 0 : i32
        %dma_start3A_427 = tpu.memref_slice %arg6[%dma_start3A_422, %dma_start3A_425, %dma_start3A_426] : memref<4x64x128xf32, #tpu.memory_space<vmem>> -> memref<1x64x128xf32, #tpu.memory_space<vmem>>
        %dma_start3A_428 = tpu.memref_squeeze %dma_start3A_427 : memref<1x64x128xf32, #tpu.memory_space<vmem>> -> memref<64x128xf32, #tpu.memory_space<vmem>>
        %dma_start3A_429 = arith.constant 0 : i32
        %dma_start3A_430 = tpu.memref_slice %arg5[%dma_start3A_423, %dma_start3A_424, %dma_start3A_429] : memref<8x2x64xi32, #tpu.memory_space<vmem>> -> memref<1x1x64xi32, #tpu.memory_space<vmem>>
        %dma_start3A_431 = tpu.memref_squeeze %dma_start3A_430 : memref<1x1x64xi32, #tpu.memory_space<vmem>> -> memref<64xi32, #tpu.memory_space<vmem>>
        %dma_start3A_432 = arith.constant 0 : i32
        %dma_start3A_433 = arith.constant 0 : i32
        %dma_start3A_434 = tpu.memref_slice %arg7[%dma_start3A_432, %dma_start3A_433] : memref<10240x128xf32, #tpu.memory_space<vmem_shared>> -> memref<10240x128xf32, #tpu.memory_space<vmem_shared>>
        tpu.enqueue_indirect_dma source(%dma_start3A_428 : memref<64x128xf32, #tpu.memory_space<vmem>>) target(%dma_start3A_434 : memref<10240x128xf32, #tpu.memory_space<vmem_shared>>) offsets(%dma_start3A_431 : memref<64xi32, #tpu.memory_space<vmem>>) semaphore(%arg22 : memref<!tpu.dma_semaphore, #tpu.memory_space<semaphore_mem>>) {add = true}
        %add3A_435 = arith.constant 5 : i32
        %add3A_436 = arith.addi %scan3A_240, %add3A_435 : i32
        %lt3A_437 = arith.constant 157 : i32
        %lt3A_438 = arith.cmpi slt, %add3A_436, %lt3A_437 : i32
        %convert_element_type3A_439 = arith.extui %lt3A_438 : i1 to i32
        %cond3A_440 = arith.constant 0 : i32
        %cond3A_441 = arith.cmpi ne, %convert_element_type3A_439, %cond3A_440 : i32
        scf.if %cond3A_441 {
          %add3A_442 = arith.constant 5 : i32
          %add3A_443 = arith.addi %scan3A_240, %add3A_442 : i32
          %dma_start3A_444 = arith.constant 7 : i32
          %dma_start3A_445 = arith.constant 0 : i32
          %dma_start3A_446 = arith.constant 0 : i32
          %dma_start3A_447 = tpu.memref_slice %arg5[%dma_start3A_444, %dma_start3A_445, %dma_start3A_446] : memref<8x2x64xi32, #tpu.memory_space<vmem>> -> memref<1x2x64xi32, #tpu.memory_space<vmem>>
          %dma_start3A_448 = arith.constant 0 : i32
          %dma_start3A_449 = arith.constant 0 : i32
          %dma_start3A_450 = tpu.memref_slice %arg2[%add3A, %add3A_443, %dma_start3A_448, %dma_start3A_449] : memref<32x157x2x64xi32, #tpu.memory_space<hbm>> -> memref<1x1x2x64xi32, #tpu.memory_space<hbm>>
          %dma_start3A_451 = tpu.memref_squeeze %dma_start3A_450 : memref<1x1x2x64xi32, #tpu.memory_space<hbm>> -> memref<1x2x64xi32, #tpu.memory_space<hbm>>
          %dma_start3A_452 = arith.constant 7 : i32
          %dma_start3A_453 = arith.constant 0 : i32
          %dma_start3A_454 = arith.constant 0 : i32
          %dma_start3A_455 = tpu.memref_slice %arg5[%dma_start3A_452, %dma_start3A_453, %dma_start3A_454] : memref<8x2x64xi32, #tpu.memory_space<vmem>> -> memref<1x2x64xi32, #tpu.memory_space<vmem>>
          %dma_start3A_456 = arith.constant 0 : i32
          %dma_start3A_457 = arith.constant 0 : i32
          %dma_start3A_458 = tpu.memref_slice %arg2[%add3A, %add3A_443, %dma_start3A_456, %dma_start3A_457] : memref<32x157x2x64xi32, #tpu.memory_space<hbm>> -> memref<1x1x2x64xi32, #tpu.memory_space<hbm>>
          %dma_start3A_459 = tpu.memref_squeeze %dma_start3A_458 : memref<1x1x2x64xi32, #tpu.memory_space<hbm>> -> memref<1x2x64xi32, #tpu.memory_space<hbm>>
          tpu.enqueue_dma source(%dma_start3A_459 : memref<1x2x64xi32, #tpu.memory_space<hbm>>) target(%dma_start3A_455 : memref<1x2x64xi32, #tpu.memory_space<vmem>>) target_semaphore(%arg15 : memref<!tpu.dma_semaphore, #tpu.memory_space<semaphore_mem>>)
        } else {
        }
      } else {
      }
      %jit3A_296 = arith.constant 8 : i32
      %eq3A_297 = arith.constant 0 : i32
      %eq3A_298 = arith.cmpi eq, %jit3A_296, %eq3A_297 : i32
      %jit3A_299 = arith.constant 1 : i32
      %select_n3A_300 = arith.select %eq3A_298, %jit3A_299, %jit3A_296 : i32
      %rem3A_301 = arith.remsi %scan3A_240, %select_n3A_300 : i32
      %ne3A_302 = arith.constant 0 : i32
      %ne3A_303 = arith.cmpi ne, %rem3A_301, %ne3A_302 : i32
      %lt3A_304 = arith.constant 0 : i32
      %lt3A_305 = arith.cmpi slt, %rem3A_301, %lt3A_304 : i32
      %lt3A_306 = arith.constant 0 : i32
      %lt3A_307 = arith.cmpi slt, %select_n3A_300, %lt3A_306 : i32
      %ne3A_308 = arith.xori %lt3A_305, %lt3A_307 : i1
      %and3A_309 = arith.andi %ne3A_308, %ne3A_303 : i1
      %add3A_310 = arith.addi %rem3A_301, %select_n3A_300 : i32
      %select_n3A_311 = arith.select %and3A_309, %add3A_310, %rem3A_301 : i32
      %eq3A_312 = arith.constant 3 : i32
      %eq3A_313 = arith.cmpi eq, %select_n3A_311, %eq3A_312 : i32
      %convert_element_type3A_314 = arith.extui %eq3A_313 : i1 to i32
      %cond3A_315 = arith.constant 0 : i32
      %cond3A_316 = arith.cmpi ne, %convert_element_type3A_314, %cond3A_315 : i32
      scf.if %cond3A_316 {
        %add3A_402 = arith.constant 1 : i32
        %add3A_403 = arith.addi %scan3A_240, %add3A_402 : i32
        %lt3A_404 = arith.constant 157 : i32
        %lt3A_405 = arith.cmpi slt, %add3A_403, %lt3A_404 : i32
        %convert_element_type3A_406 = arith.extui %lt3A_405 : i1 to i32
        %cond3A_407 = arith.constant 0 : i32
        %cond3A_408 = arith.cmpi ne, %convert_element_type3A_406, %cond3A_407 : i32
        scf.if %cond3A_408 {
          %add3A_442 = arith.constant 1 : i32
          %add3A_443 = arith.addi %scan3A_240, %add3A_442 : i32
          %dma_wait3A_444 = arith.constant 4 : i32
          %dma_wait3A_445 = arith.constant 0 : i32
          %dma_wait3A_446 = arith.constant 0 : i32
          %dma_wait3A_447 = tpu.memref_slice %arg5[%dma_wait3A_444, %dma_wait3A_445, %dma_wait3A_446] : memref<8x2x64xi32, #tpu.memory_space<vmem>> -> memref<1x2x64xi32, #tpu.memory_space<vmem>>
          %dma_wait3A_448 = arith.constant 0 : i32
          %dma_wait3A_449 = arith.constant 0 : i32
          %dma_wait3A_450 = tpu.memref_slice %arg2[%add3A, %add3A_443, %dma_wait3A_448, %dma_wait3A_449] : memref<32x157x2x64xi32, #tpu.memory_space<hbm>> -> memref<1x1x2x64xi32, #tpu.memory_space<hbm>>
          %dma_wait3A_451 = tpu.memref_squeeze %dma_wait3A_450 : memref<1x1x2x64xi32, #tpu.memory_space<hbm>> -> memref<1x2x64xi32, #tpu.memory_space<hbm>>
          %dma_wait3A_452 = arith.constant 4 : i32
          %dma_wait3A_453 = arith.constant 0 : i32
          %dma_wait3A_454 = arith.constant 0 : i32
          %dma_wait3A_455 = tpu.memref_slice %arg5[%dma_wait3A_452, %dma_wait3A_453, %dma_wait3A_454] : memref<8x2x64xi32, #tpu.memory_space<vmem>> -> memref<1x2x64xi32, #tpu.memory_space<vmem>>
          %dma_wait3A_456 = arith.constant 0 : i32
          %dma_wait3A_457 = arith.constant 0 : i32
          %dma_wait3A_458 = tpu.memref_slice %arg2[%add3A, %add3A_443, %dma_wait3A_456, %dma_wait3A_457] : memref<32x157x2x64xi32, #tpu.memory_space<hbm>> -> memref<1x1x2x64xi32, #tpu.memory_space<hbm>>
          %dma_wait3A_459 = tpu.memref_squeeze %dma_wait3A_458 : memref<1x1x2x64xi32, #tpu.memory_space<hbm>> -> memref<1x2x64xi32, #tpu.memory_space<hbm>>
          tpu.wait_dma2 semaphore(%arg12 : memref<!tpu.dma_semaphore, #tpu.memory_space<semaphore_mem>>) src(%dma_wait3A_459 : memref<1x2x64xi32, #tpu.memory_space<hbm>>) dst(%dma_wait3A_455 : memref<1x2x64xi32, #tpu.memory_space<vmem>>)
          %ge3A = arith.constant 3 : i32
          %ge3A_460 = arith.cmpi sge, %scan3A_240, %ge3A : i32
          %convert_element_type3A_461 = arith.extui %ge3A_460 : i1 to i32
          %cond3A_462 = arith.constant 0 : i32
          %cond3A_463 = arith.cmpi ne, %convert_element_type3A_461, %cond3A_462 : i32
          scf.if %cond3A_463 {
            %dma_wait3A_477 = arith.constant 0 : i32
            %dma_wait3A_478 = arith.constant 0 : i32
            %dma_wait3A_479 = arith.constant 1 : i32
            %dma_wait3A_480 = arith.constant 0 : i32
            %dma_wait3A_481 = arith.constant 0 : i32
            %dma_wait3A_482 = tpu.memref_slice %arg6[%dma_wait3A_477, %dma_wait3A_480, %dma_wait3A_481] : memref<4x64x128xf32, #tpu.memory_space<vmem>> -> memref<1x64x128xf32, #tpu.memory_space<vmem>>
            %dma_wait3A_483 = tpu.memref_squeeze %dma_wait3A_482 : memref<1x64x128xf32, #tpu.memory_space<vmem>> -> memref<64x128xf32, #tpu.memory_space<vmem>>
            %dma_wait3A_484 = arith.constant 0 : i32
            %dma_wait3A_485 = tpu.memref_slice %arg5[%dma_wait3A_478, %dma_wait3A_479, %dma_wait3A_484] : memref<8x2x64xi32, #tpu.memory_space<vmem>> -> memref<1x1x64xi32, #tpu.memory_space<vmem>>
            %dma_wait3A_486 = tpu.memref_squeeze %dma_wait3A_485 : memref<1x1x64xi32, #tpu.memory_space<vmem>> -> memref<64xi32, #tpu.memory_space<vmem>>
            %dma_wait3A_487 = arith.constant 0 : i32
            %dma_wait3A_488 = arith.constant 0 : i32
            %dma_wait3A_489 = tpu.memref_slice %arg7[%dma_wait3A_487, %dma_wait3A_488] : memref<10240x128xf32, #tpu.memory_space<vmem_shared>> -> memref<10240x128xf32, #tpu.memory_space<vmem_shared>>
            tpu.wait_indirect_dma semaphore(%arg20 : memref<!tpu.dma_semaphore, #tpu.memory_space<semaphore_mem>>) src(%dma_wait3A_483 : memref<64x128xf32, #tpu.memory_space<vmem>>) dst(%dma_wait3A_489 : memref<10240x128xf32, #tpu.memory_space<vmem_shared>>)
          } else {
          }
          %dma_start3A_464 = arith.constant 4 : i32
          %dma_start3A_465 = arith.constant 0 : i32
          %dma_start3A_466 = arith.constant 0 : i32
          %dma_start3A_467 = arith.constant 0 : i32
          %dma_start3A_468 = arith.constant 0 : i32
          %dma_start3A_469 = tpu.memref_slice %arg6[%dma_start3A_466, %dma_start3A_467, %dma_start3A_468] : memref<4x64x128xf32, #tpu.memory_space<vmem>> -> memref<1x64x128xf32, #tpu.memory_space<vmem>>
          %dma_start3A_470 = tpu.memref_squeeze %dma_start3A_469 : memref<1x64x128xf32, #tpu.memory_space<vmem>> -> memref<64x128xf32, #tpu.memory_space<vmem>>
          %dma_start3A_471 = arith.constant 0 : i32
          %dma_start3A_472 = tpu.memref_slice %arg5[%dma_start3A_464, %dma_start3A_465, %dma_start3A_471] : memref<8x2x64xi32, #tpu.memory_space<vmem>> -> memref<1x1x64xi32, #tpu.memory_space<vmem>>
          %dma_start3A_473 = tpu.memref_squeeze %dma_start3A_472 : memref<1x1x64xi32, #tpu.memory_space<vmem>> -> memref<64xi32, #tpu.memory_space<vmem>>
          %dma_start3A_474 = arith.constant 0 : i32
          %dma_start3A_475 = arith.constant 0 : i32
          %dma_start3A_476 = tpu.memref_slice %arg3[%dma_start3A_474, %dma_start3A_475] : memref<10240x128xf32, #tpu.memory_space<hbm>> -> memref<10240x128xf32, #tpu.memory_space<hbm>>
          tpu.enqueue_indirect_dma source(%dma_start3A_476 : memref<10240x128xf32, #tpu.memory_space<hbm>>) target(%dma_start3A_470 : memref<64x128xf32, #tpu.memory_space<vmem>>) offsets(%dma_start3A_473 : memref<64xi32, #tpu.memory_space<vmem>>) semaphore(%arg16 : memref<!tpu.dma_semaphore, #tpu.memory_space<semaphore_mem>>)
        } else {
        }
        %dma_wait3A_409 = arith.constant 3 : i32
        %dma_wait3A_410 = arith.constant 0 : i32
        %dma_wait3A_411 = arith.constant 3 : i32
        %dma_wait3A_412 = arith.constant 0 : i32
        %dma_wait3A_413 = arith.constant 0 : i32
        %dma_wait3A_414 = tpu.memref_slice %arg6[%dma_wait3A_411, %dma_wait3A_412, %dma_wait3A_413] : memref<4x64x128xf32, #tpu.memory_space<vmem>> -> memref<1x64x128xf32, #tpu.memory_space<vmem>>
        %dma_wait3A_415 = tpu.memref_squeeze %dma_wait3A_414 : memref<1x64x128xf32, #tpu.memory_space<vmem>> -> memref<64x128xf32, #tpu.memory_space<vmem>>
        %dma_wait3A_416 = arith.constant 0 : i32
        %dma_wait3A_417 = tpu.memref_slice %arg5[%dma_wait3A_409, %dma_wait3A_410, %dma_wait3A_416] : memref<8x2x64xi32, #tpu.memory_space<vmem>> -> memref<1x1x64xi32, #tpu.memory_space<vmem>>
        %dma_wait3A_418 = tpu.memref_squeeze %dma_wait3A_417 : memref<1x1x64xi32, #tpu.memory_space<vmem>> -> memref<64xi32, #tpu.memory_space<vmem>>
        %dma_wait3A_419 = arith.constant 0 : i32
        %dma_wait3A_420 = arith.constant 0 : i32
        %dma_wait3A_421 = tpu.memref_slice %arg3[%dma_wait3A_419, %dma_wait3A_420] : memref<10240x128xf32, #tpu.memory_space<hbm>> -> memref<10240x128xf32, #tpu.memory_space<hbm>>
        tpu.wait_indirect_dma semaphore(%arg19 : memref<!tpu.dma_semaphore, #tpu.memory_space<semaphore_mem>>) src(%dma_wait3A_421 : memref<10240x128xf32, #tpu.memory_space<hbm>>) dst(%dma_wait3A_415 : memref<64x128xf32, #tpu.memory_space<vmem>>)
        %dma_start3A_422 = arith.constant 3 : i32
        %dma_start3A_423 = arith.constant 3 : i32
        %dma_start3A_424 = arith.constant 1 : i32
        %dma_start3A_425 = arith.constant 0 : i32
        %dma_start3A_426 = arith.constant 0 : i32
        %dma_start3A_427 = tpu.memref_slice %arg6[%dma_start3A_422, %dma_start3A_425, %dma_start3A_426] : memref<4x64x128xf32, #tpu.memory_space<vmem>> -> memref<1x64x128xf32, #tpu.memory_space<vmem>>
        %dma_start3A_428 = tpu.memref_squeeze %dma_start3A_427 : memref<1x64x128xf32, #tpu.memory_space<vmem>> -> memref<64x128xf32, #tpu.memory_space<vmem>>
        %dma_start3A_429 = arith.constant 0 : i32
        %dma_start3A_430 = tpu.memref_slice %arg5[%dma_start3A_423, %dma_start3A_424, %dma_start3A_429] : memref<8x2x64xi32, #tpu.memory_space<vmem>> -> memref<1x1x64xi32, #tpu.memory_space<vmem>>
        %dma_start3A_431 = tpu.memref_squeeze %dma_start3A_430 : memref<1x1x64xi32, #tpu.memory_space<vmem>> -> memref<64xi32, #tpu.memory_space<vmem>>
        %dma_start3A_432 = arith.constant 0 : i32
        %dma_start3A_433 = arith.constant 0 : i32
        %dma_start3A_434 = tpu.memref_slice %arg7[%dma_start3A_432, %dma_start3A_433] : memref<10240x128xf32, #tpu.memory_space<vmem_shared>> -> memref<10240x128xf32, #tpu.memory_space<vmem_shared>>
        tpu.enqueue_indirect_dma source(%dma_start3A_428 : memref<64x128xf32, #tpu.memory_space<vmem>>) target(%dma_start3A_434 : memref<10240x128xf32, #tpu.memory_space<vmem_shared>>) offsets(%dma_start3A_431 : memref<64xi32, #tpu.memory_space<vmem>>) semaphore(%arg23 : memref<!tpu.dma_semaphore, #tpu.memory_space<semaphore_mem>>) {add = true}
        %add3A_435 = arith.constant 5 : i32
        %add3A_436 = arith.addi %scan3A_240, %add3A_435 : i32
        %lt3A_437 = arith.constant 157 : i32
        %lt3A_438 = arith.cmpi slt, %add3A_436, %lt3A_437 : i32
        %convert_element_type3A_439 = arith.extui %lt3A_438 : i1 to i32
        %cond3A_440 = arith.constant 0 : i32
        %cond3A_441 = arith.cmpi ne, %convert_element_type3A_439, %cond3A_440 : i32
        scf.if %cond3A_441 {
          %add3A_442 = arith.constant 5 : i32
          %add3A_443 = arith.addi %scan3A_240, %add3A_442 : i32
          %dma_start3A_444 = arith.constant 0 : i32
          %dma_start3A_445 = arith.constant 0 : i32
          %dma_start3A_446 = arith.constant 0 : i32
          %dma_start3A_447 = tpu.memref_slice %arg5[%dma_start3A_444, %dma_start3A_445, %dma_start3A_446] : memref<8x2x64xi32, #tpu.memory_space<vmem>> -> memref<1x2x64xi32, #tpu.memory_space<vmem>>
          %dma_start3A_448 = arith.constant 0 : i32
          %dma_start3A_449 = arith.constant 0 : i32
          %dma_start3A_450 = tpu.memref_slice %arg2[%add3A, %add3A_443, %dma_start3A_448, %dma_start3A_449] : memref<32x157x2x64xi32, #tpu.memory_space<hbm>> -> memref<1x1x2x64xi32, #tpu.memory_space<hbm>>
          %dma_start3A_451 = tpu.memref_squeeze %dma_start3A_450 : memref<1x1x2x64xi32, #tpu.memory_space<hbm>> -> memref<1x2x64xi32, #tpu.memory_space<hbm>>
          %dma_start3A_452 = arith.constant 0 : i32
          %dma_start3A_453 = arith.constant 0 : i32
          %dma_start3A_454 = arith.constant 0 : i32
          %dma_start3A_455 = tpu.memref_slice %arg5[%dma_start3A_452, %dma_start3A_453, %dma_start3A_454] : memref<8x2x64xi32, #tpu.memory_space<vmem>> -> memref<1x2x64xi32, #tpu.memory_space<vmem>>
          %dma_start3A_456 = arith.constant 0 : i32
          %dma_start3A_457 = arith.constant 0 : i32
          %dma_start3A_458 = tpu.memref_slice %arg2[%add3A, %add3A_443, %dma_start3A_456, %dma_start3A_457] : memref<32x157x2x64xi32, #tpu.memory_space<hbm>> -> memref<1x1x2x64xi32, #tpu.memory_space<hbm>>
          %dma_start3A_459 = tpu.memref_squeeze %dma_start3A_458 : memref<1x1x2x64xi32, #tpu.memory_space<hbm>> -> memref<1x2x64xi32, #tpu.memory_space<hbm>>
          tpu.enqueue_dma source(%dma_start3A_459 : memref<1x2x64xi32, #tpu.memory_space<hbm>>) target(%dma_start3A_455 : memref<1x2x64xi32, #tpu.memory_space<vmem>>) target_semaphore(%arg8 : memref<!tpu.dma_semaphore, #tpu.memory_space<semaphore_mem>>)
        } else {
        }
      } else {
      }
      %jit3A_317 = arith.constant 8 : i32
      %eq3A_318 = arith.constant 0 : i32
      %eq3A_319 = arith.cmpi eq, %jit3A_317, %eq3A_318 : i32
      %jit3A_320 = arith.constant 1 : i32
      %select_n3A_321 = arith.select %eq3A_319, %jit3A_320, %jit3A_317 : i32
      %rem3A_322 = arith.remsi %scan3A_240, %select_n3A_321 : i32
      %ne3A_323 = arith.constant 0 : i32
      %ne3A_324 = arith.cmpi ne, %rem3A_322, %ne3A_323 : i32
      %lt3A_325 = arith.constant 0 : i32
      %lt3A_326 = arith.cmpi slt, %rem3A_322, %lt3A_325 : i32
      %lt3A_327 = arith.constant 0 : i32
      %lt3A_328 = arith.cmpi slt, %select_n3A_321, %lt3A_327 : i32
      %ne3A_329 = arith.xori %lt3A_326, %lt3A_328 : i1
      %and3A_330 = arith.andi %ne3A_329, %ne3A_324 : i1
      %add3A_331 = arith.addi %rem3A_322, %select_n3A_321 : i32
      %select_n3A_332 = arith.select %and3A_330, %add3A_331, %rem3A_322 : i32
      %eq3A_333 = arith.constant 4 : i32
      %eq3A_334 = arith.cmpi eq, %select_n3A_332, %eq3A_333 : i32
      %convert_element_type3A_335 = arith.extui %eq3A_334 : i1 to i32
      %cond3A_336 = arith.constant 0 : i32
      %cond3A_337 = arith.cmpi ne, %convert_element_type3A_335, %cond3A_336 : i32
      scf.if %cond3A_337 {
        %add3A_402 = arith.constant 1 : i32
        %add3A_403 = arith.addi %scan3A_240, %add3A_402 : i32
        %lt3A_404 = arith.constant 157 : i32
        %lt3A_405 = arith.cmpi slt, %add3A_403, %lt3A_404 : i32
        %convert_element_type3A_406 = arith.extui %lt3A_405 : i1 to i32
        %cond3A_407 = arith.constant 0 : i32
        %cond3A_408 = arith.cmpi ne, %convert_element_type3A_406, %cond3A_407 : i32
        scf.if %cond3A_408 {
          %add3A_442 = arith.constant 1 : i32
          %add3A_443 = arith.addi %scan3A_240, %add3A_442 : i32
          %dma_wait3A_444 = arith.constant 5 : i32
          %dma_wait3A_445 = arith.constant 0 : i32
          %dma_wait3A_446 = arith.constant 0 : i32
          %dma_wait3A_447 = tpu.memref_slice %arg5[%dma_wait3A_444, %dma_wait3A_445, %dma_wait3A_446] : memref<8x2x64xi32, #tpu.memory_space<vmem>> -> memref<1x2x64xi32, #tpu.memory_space<vmem>>
          %dma_wait3A_448 = arith.constant 0 : i32
          %dma_wait3A_449 = arith.constant 0 : i32
          %dma_wait3A_450 = tpu.memref_slice %arg2[%add3A, %add3A_443, %dma_wait3A_448, %dma_wait3A_449] : memref<32x157x2x64xi32, #tpu.memory_space<hbm>> -> memref<1x1x2x64xi32, #tpu.memory_space<hbm>>
          %dma_wait3A_451 = tpu.memref_squeeze %dma_wait3A_450 : memref<1x1x2x64xi32, #tpu.memory_space<hbm>> -> memref<1x2x64xi32, #tpu.memory_space<hbm>>
          %dma_wait3A_452 = arith.constant 5 : i32
          %dma_wait3A_453 = arith.constant 0 : i32
          %dma_wait3A_454 = arith.constant 0 : i32
          %dma_wait3A_455 = tpu.memref_slice %arg5[%dma_wait3A_452, %dma_wait3A_453, %dma_wait3A_454] : memref<8x2x64xi32, #tpu.memory_space<vmem>> -> memref<1x2x64xi32, #tpu.memory_space<vmem>>
          %dma_wait3A_456 = arith.constant 0 : i32
          %dma_wait3A_457 = arith.constant 0 : i32
          %dma_wait3A_458 = tpu.memref_slice %arg2[%add3A, %add3A_443, %dma_wait3A_456, %dma_wait3A_457] : memref<32x157x2x64xi32, #tpu.memory_space<hbm>> -> memref<1x1x2x64xi32, #tpu.memory_space<hbm>>
          %dma_wait3A_459 = tpu.memref_squeeze %dma_wait3A_458 : memref<1x1x2x64xi32, #tpu.memory_space<hbm>> -> memref<1x2x64xi32, #tpu.memory_space<hbm>>
          tpu.wait_dma2 semaphore(%arg13 : memref<!tpu.dma_semaphore, #tpu.memory_space<semaphore_mem>>) src(%dma_wait3A_459 : memref<1x2x64xi32, #tpu.memory_space<hbm>>) dst(%dma_wait3A_455 : memref<1x2x64xi32, #tpu.memory_space<vmem>>)
          %ge3A = arith.constant 3 : i32
          %ge3A_460 = arith.cmpi sge, %scan3A_240, %ge3A : i32
          %convert_element_type3A_461 = arith.extui %ge3A_460 : i1 to i32
          %cond3A_462 = arith.constant 0 : i32
          %cond3A_463 = arith.cmpi ne, %convert_element_type3A_461, %cond3A_462 : i32
          scf.if %cond3A_463 {
            %dma_wait3A_477 = arith.constant 1 : i32
            %dma_wait3A_478 = arith.constant 1 : i32
            %dma_wait3A_479 = arith.constant 1 : i32
            %dma_wait3A_480 = arith.constant 0 : i32
            %dma_wait3A_481 = arith.constant 0 : i32
            %dma_wait3A_482 = tpu.memref_slice %arg6[%dma_wait3A_477, %dma_wait3A_480, %dma_wait3A_481] : memref<4x64x128xf32, #tpu.memory_space<vmem>> -> memref<1x64x128xf32, #tpu.memory_space<vmem>>
            %dma_wait3A_483 = tpu.memref_squeeze %dma_wait3A_482 : memref<1x64x128xf32, #tpu.memory_space<vmem>> -> memref<64x128xf32, #tpu.memory_space<vmem>>
            %dma_wait3A_484 = arith.constant 0 : i32
            %dma_wait3A_485 = tpu.memref_slice %arg5[%dma_wait3A_478, %dma_wait3A_479, %dma_wait3A_484] : memref<8x2x64xi32, #tpu.memory_space<vmem>> -> memref<1x1x64xi32, #tpu.memory_space<vmem>>
            %dma_wait3A_486 = tpu.memref_squeeze %dma_wait3A_485 : memref<1x1x64xi32, #tpu.memory_space<vmem>> -> memref<64xi32, #tpu.memory_space<vmem>>
            %dma_wait3A_487 = arith.constant 0 : i32
            %dma_wait3A_488 = arith.constant 0 : i32
            %dma_wait3A_489 = tpu.memref_slice %arg7[%dma_wait3A_487, %dma_wait3A_488] : memref<10240x128xf32, #tpu.memory_space<vmem_shared>> -> memref<10240x128xf32, #tpu.memory_space<vmem_shared>>
            tpu.wait_indirect_dma semaphore(%arg21 : memref<!tpu.dma_semaphore, #tpu.memory_space<semaphore_mem>>) src(%dma_wait3A_483 : memref<64x128xf32, #tpu.memory_space<vmem>>) dst(%dma_wait3A_489 : memref<10240x128xf32, #tpu.memory_space<vmem_shared>>)
          } else {
          }
          %dma_start3A_464 = arith.constant 5 : i32
          %dma_start3A_465 = arith.constant 0 : i32
          %dma_start3A_466 = arith.constant 1 : i32
          %dma_start3A_467 = arith.constant 0 : i32
          %dma_start3A_468 = arith.constant 0 : i32
          %dma_start3A_469 = tpu.memref_slice %arg6[%dma_start3A_466, %dma_start3A_467, %dma_start3A_468] : memref<4x64x128xf32, #tpu.memory_space<vmem>> -> memref<1x64x128xf32, #tpu.memory_space<vmem>>
          %dma_start3A_470 = tpu.memref_squeeze %dma_start3A_469 : memref<1x64x128xf32, #tpu.memory_space<vmem>> -> memref<64x128xf32, #tpu.memory_space<vmem>>
          %dma_start3A_471 = arith.constant 0 : i32
          %dma_start3A_472 = tpu.memref_slice %arg5[%dma_start3A_464, %dma_start3A_465, %dma_start3A_471] : memref<8x2x64xi32, #tpu.memory_space<vmem>> -> memref<1x1x64xi32, #tpu.memory_space<vmem>>
          %dma_start3A_473 = tpu.memref_squeeze %dma_start3A_472 : memref<1x1x64xi32, #tpu.memory_space<vmem>> -> memref<64xi32, #tpu.memory_space<vmem>>
          %dma_start3A_474 = arith.constant 0 : i32
          %dma_start3A_475 = arith.constant 0 : i32
          %dma_start3A_476 = tpu.memref_slice %arg3[%dma_start3A_474, %dma_start3A_475] : memref<10240x128xf32, #tpu.memory_space<hbm>> -> memref<10240x128xf32, #tpu.memory_space<hbm>>
          tpu.enqueue_indirect_dma source(%dma_start3A_476 : memref<10240x128xf32, #tpu.memory_space<hbm>>) target(%dma_start3A_470 : memref<64x128xf32, #tpu.memory_space<vmem>>) offsets(%dma_start3A_473 : memref<64xi32, #tpu.memory_space<vmem>>) semaphore(%arg17 : memref<!tpu.dma_semaphore, #tpu.memory_space<semaphore_mem>>)
        } else {
        }
        %dma_wait3A_409 = arith.constant 4 : i32
        %dma_wait3A_410 = arith.constant 0 : i32
        %dma_wait3A_411 = arith.constant 0 : i32
        %dma_wait3A_412 = arith.constant 0 : i32
        %dma_wait3A_413 = arith.constant 0 : i32
        %dma_wait3A_414 = tpu.memref_slice %arg6[%dma_wait3A_411, %dma_wait3A_412, %dma_wait3A_413] : memref<4x64x128xf32, #tpu.memory_space<vmem>> -> memref<1x64x128xf32, #tpu.memory_space<vmem>>
        %dma_wait3A_415 = tpu.memref_squeeze %dma_wait3A_414 : memref<1x64x128xf32, #tpu.memory_space<vmem>> -> memref<64x128xf32, #tpu.memory_space<vmem>>
        %dma_wait3A_416 = arith.constant 0 : i32
        %dma_wait3A_417 = tpu.memref_slice %arg5[%dma_wait3A_409, %dma_wait3A_410, %dma_wait3A_416] : memref<8x2x64xi32, #tpu.memory_space<vmem>> -> memref<1x1x64xi32, #tpu.memory_space<vmem>>
        %dma_wait3A_418 = tpu.memref_squeeze %dma_wait3A_417 : memref<1x1x64xi32, #tpu.memory_space<vmem>> -> memref<64xi32, #tpu.memory_space<vmem>>
        %dma_wait3A_419 = arith.constant 0 : i32
        %dma_wait3A_420 = arith.constant 0 : i32
        %dma_wait3A_421 = tpu.memref_slice %arg3[%dma_wait3A_419, %dma_wait3A_420] : memref<10240x128xf32, #tpu.memory_space<hbm>> -> memref<10240x128xf32, #tpu.memory_space<hbm>>
        tpu.wait_indirect_dma semaphore(%arg16 : memref<!tpu.dma_semaphore, #tpu.memory_space<semaphore_mem>>) src(%dma_wait3A_421 : memref<10240x128xf32, #tpu.memory_space<hbm>>) dst(%dma_wait3A_415 : memref<64x128xf32, #tpu.memory_space<vmem>>)
        %dma_start3A_422 = arith.constant 0 : i32
        %dma_start3A_423 = arith.constant 4 : i32
        %dma_start3A_424 = arith.constant 1 : i32
        %dma_start3A_425 = arith.constant 0 : i32
        %dma_start3A_426 = arith.constant 0 : i32
        %dma_start3A_427 = tpu.memref_slice %arg6[%dma_start3A_422, %dma_start3A_425, %dma_start3A_426] : memref<4x64x128xf32, #tpu.memory_space<vmem>> -> memref<1x64x128xf32, #tpu.memory_space<vmem>>
        %dma_start3A_428 = tpu.memref_squeeze %dma_start3A_427 : memref<1x64x128xf32, #tpu.memory_space<vmem>> -> memref<64x128xf32, #tpu.memory_space<vmem>>
        %dma_start3A_429 = arith.constant 0 : i32
        %dma_start3A_430 = tpu.memref_slice %arg5[%dma_start3A_423, %dma_start3A_424, %dma_start3A_429] : memref<8x2x64xi32, #tpu.memory_space<vmem>> -> memref<1x1x64xi32, #tpu.memory_space<vmem>>
        %dma_start3A_431 = tpu.memref_squeeze %dma_start3A_430 : memref<1x1x64xi32, #tpu.memory_space<vmem>> -> memref<64xi32, #tpu.memory_space<vmem>>
        %dma_start3A_432 = arith.constant 0 : i32
        %dma_start3A_433 = arith.constant 0 : i32
        %dma_start3A_434 = tpu.memref_slice %arg7[%dma_start3A_432, %dma_start3A_433] : memref<10240x128xf32, #tpu.memory_space<vmem_shared>> -> memref<10240x128xf32, #tpu.memory_space<vmem_shared>>
        tpu.enqueue_indirect_dma source(%dma_start3A_428 : memref<64x128xf32, #tpu.memory_space<vmem>>) target(%dma_start3A_434 : memref<10240x128xf32, #tpu.memory_space<vmem_shared>>) offsets(%dma_start3A_431 : memref<64xi32, #tpu.memory_space<vmem>>) semaphore(%arg20 : memref<!tpu.dma_semaphore, #tpu.memory_space<semaphore_mem>>) {add = true}
        %add3A_435 = arith.constant 5 : i32
        %add3A_436 = arith.addi %scan3A_240, %add3A_435 : i32
        %lt3A_437 = arith.constant 157 : i32
        %lt3A_438 = arith.cmpi slt, %add3A_436, %lt3A_437 : i32
        %convert_element_type3A_439 = arith.extui %lt3A_438 : i1 to i32
        %cond3A_440 = arith.constant 0 : i32
        %cond3A_441 = arith.cmpi ne, %convert_element_type3A_439, %cond3A_440 : i32
        scf.if %cond3A_441 {
          %add3A_442 = arith.constant 5 : i32
          %add3A_443 = arith.addi %scan3A_240, %add3A_442 : i32
          %dma_start3A_444 = arith.constant 1 : i32
          %dma_start3A_445 = arith.constant 0 : i32
          %dma_start3A_446 = arith.constant 0 : i32
          %dma_start3A_447 = tpu.memref_slice %arg5[%dma_start3A_444, %dma_start3A_445, %dma_start3A_446] : memref<8x2x64xi32, #tpu.memory_space<vmem>> -> memref<1x2x64xi32, #tpu.memory_space<vmem>>
          %dma_start3A_448 = arith.constant 0 : i32
          %dma_start3A_449 = arith.constant 0 : i32
          %dma_start3A_450 = tpu.memref_slice %arg2[%add3A, %add3A_443, %dma_start3A_448, %dma_start3A_449] : memref<32x157x2x64xi32, #tpu.memory_space<hbm>> -> memref<1x1x2x64xi32, #tpu.memory_space<hbm>>
          %dma_start3A_451 = tpu.memref_squeeze %dma_start3A_450 : memref<1x1x2x64xi32, #tpu.memory_space<hbm>> -> memref<1x2x64xi32, #tpu.memory_space<hbm>>
          %dma_start3A_452 = arith.constant 1 : i32
          %dma_start3A_453 = arith.constant 0 : i32
          %dma_start3A_454 = arith.constant 0 : i32
          %dma_start3A_455 = tpu.memref_slice %arg5[%dma_start3A_452, %dma_start3A_453, %dma_start3A_454] : memref<8x2x64xi32, #tpu.memory_space<vmem>> -> memref<1x2x64xi32, #tpu.memory_space<vmem>>
          %dma_start3A_456 = arith.constant 0 : i32
          %dma_start3A_457 = arith.constant 0 : i32
          %dma_start3A_458 = tpu.memref_slice %arg2[%add3A, %add3A_443, %dma_start3A_456, %dma_start3A_457] : memref<32x157x2x64xi32, #tpu.memory_space<hbm>> -> memref<1x1x2x64xi32, #tpu.memory_space<hbm>>
          %dma_start3A_459 = tpu.memref_squeeze %dma_start3A_458 : memref<1x1x2x64xi32, #tpu.memory_space<hbm>> -> memref<1x2x64xi32, #tpu.memory_space<hbm>>
          tpu.enqueue_dma source(%dma_start3A_459 : memref<1x2x64xi32, #tpu.memory_space<hbm>>) target(%dma_start3A_455 : memref<1x2x64xi32, #tpu.memory_space<vmem>>) target_semaphore(%arg9 : memref<!tpu.dma_semaphore, #tpu.memory_space<semaphore_mem>>)
        } else {
        }
      } else {
      }
      %jit3A_338 = arith.constant 8 : i32
      %eq3A_339 = arith.constant 0 : i32
      %eq3A_340 = arith.cmpi eq, %jit3A_338, %eq3A_339 : i32
      %jit3A_341 = arith.constant 1 : i32
      %select_n3A_342 = arith.select %eq3A_340, %jit3A_341, %jit3A_338 : i32
      %rem3A_343 = arith.remsi %scan3A_240, %select_n3A_342 : i32
      %ne3A_344 = arith.constant 0 : i32
      %ne3A_345 = arith.cmpi ne, %rem3A_343, %ne3A_344 : i32
      %lt3A_346 = arith.constant 0 : i32
      %lt3A_347 = arith.cmpi slt, %rem3A_343, %lt3A_346 : i32
      %lt3A_348 = arith.constant 0 : i32
      %lt3A_349 = arith.cmpi slt, %select_n3A_342, %lt3A_348 : i32
      %ne3A_350 = arith.xori %lt3A_347, %lt3A_349 : i1
      %and3A_351 = arith.andi %ne3A_350, %ne3A_345 : i1
      %add3A_352 = arith.addi %rem3A_343, %select_n3A_342 : i32
      %select_n3A_353 = arith.select %and3A_351, %add3A_352, %rem3A_343 : i32
      %eq3A_354 = arith.constant 5 : i32
      %eq3A_355 = arith.cmpi eq, %select_n3A_353, %eq3A_354 : i32
      %convert_element_type3A_356 = arith.extui %eq3A_355 : i1 to i32
      %cond3A_357 = arith.constant 0 : i32
      %cond3A_358 = arith.cmpi ne, %convert_element_type3A_356, %cond3A_357 : i32
      scf.if %cond3A_358 {
        %add3A_402 = arith.constant 1 : i32
        %add3A_403 = arith.addi %scan3A_240, %add3A_402 : i32
        %lt3A_404 = arith.constant 157 : i32
        %lt3A_405 = arith.cmpi slt, %add3A_403, %lt3A_404 : i32
        %convert_element_type3A_406 = arith.extui %lt3A_405 : i1 to i32
        %cond3A_407 = arith.constant 0 : i32
        %cond3A_408 = arith.cmpi ne, %convert_element_type3A_406, %cond3A_407 : i32
        scf.if %cond3A_408 {
          %add3A_442 = arith.constant 1 : i32
          %add3A_443 = arith.addi %scan3A_240, %add3A_442 : i32
          %dma_wait3A_444 = arith.constant 6 : i32
          %dma_wait3A_445 = arith.constant 0 : i32
          %dma_wait3A_446 = arith.constant 0 : i32
          %dma_wait3A_447 = tpu.memref_slice %arg5[%dma_wait3A_444, %dma_wait3A_445, %dma_wait3A_446] : memref<8x2x64xi32, #tpu.memory_space<vmem>> -> memref<1x2x64xi32, #tpu.memory_space<vmem>>
          %dma_wait3A_448 = arith.constant 0 : i32
          %dma_wait3A_449 = arith.constant 0 : i32
          %dma_wait3A_450 = tpu.memref_slice %arg2[%add3A, %add3A_443, %dma_wait3A_448, %dma_wait3A_449] : memref<32x157x2x64xi32, #tpu.memory_space<hbm>> -> memref<1x1x2x64xi32, #tpu.memory_space<hbm>>
          %dma_wait3A_451 = tpu.memref_squeeze %dma_wait3A_450 : memref<1x1x2x64xi32, #tpu.memory_space<hbm>> -> memref<1x2x64xi32, #tpu.memory_space<hbm>>
          %dma_wait3A_452 = arith.constant 6 : i32
          %dma_wait3A_453 = arith.constant 0 : i32
          %dma_wait3A_454 = arith.constant 0 : i32
          %dma_wait3A_455 = tpu.memref_slice %arg5[%dma_wait3A_452, %dma_wait3A_453, %dma_wait3A_454] : memref<8x2x64xi32, #tpu.memory_space<vmem>> -> memref<1x2x64xi32, #tpu.memory_space<vmem>>
          %dma_wait3A_456 = arith.constant 0 : i32
          %dma_wait3A_457 = arith.constant 0 : i32
          %dma_wait3A_458 = tpu.memref_slice %arg2[%add3A, %add3A_443, %dma_wait3A_456, %dma_wait3A_457] : memref<32x157x2x64xi32, #tpu.memory_space<hbm>> -> memref<1x1x2x64xi32, #tpu.memory_space<hbm>>
          %dma_wait3A_459 = tpu.memref_squeeze %dma_wait3A_458 : memref<1x1x2x64xi32, #tpu.memory_space<hbm>> -> memref<1x2x64xi32, #tpu.memory_space<hbm>>
          tpu.wait_dma2 semaphore(%arg14 : memref<!tpu.dma_semaphore, #tpu.memory_space<semaphore_mem>>) src(%dma_wait3A_459 : memref<1x2x64xi32, #tpu.memory_space<hbm>>) dst(%dma_wait3A_455 : memref<1x2x64xi32, #tpu.memory_space<vmem>>)
          %ge3A = arith.constant 3 : i32
          %ge3A_460 = arith.cmpi sge, %scan3A_240, %ge3A : i32
          %convert_element_type3A_461 = arith.extui %ge3A_460 : i1 to i32
          %cond3A_462 = arith.constant 0 : i32
          %cond3A_463 = arith.cmpi ne, %convert_element_type3A_461, %cond3A_462 : i32
          scf.if %cond3A_463 {
            %dma_wait3A_477 = arith.constant 2 : i32
            %dma_wait3A_478 = arith.constant 2 : i32
            %dma_wait3A_479 = arith.constant 1 : i32
            %dma_wait3A_480 = arith.constant 0 : i32
            %dma_wait3A_481 = arith.constant 0 : i32
            %dma_wait3A_482 = tpu.memref_slice %arg6[%dma_wait3A_477, %dma_wait3A_480, %dma_wait3A_481] : memref<4x64x128xf32, #tpu.memory_space<vmem>> -> memref<1x64x128xf32, #tpu.memory_space<vmem>>
            %dma_wait3A_483 = tpu.memref_squeeze %dma_wait3A_482 : memref<1x64x128xf32, #tpu.memory_space<vmem>> -> memref<64x128xf32, #tpu.memory_space<vmem>>
            %dma_wait3A_484 = arith.constant 0 : i32
            %dma_wait3A_485 = tpu.memref_slice %arg5[%dma_wait3A_478, %dma_wait3A_479, %dma_wait3A_484] : memref<8x2x64xi32, #tpu.memory_space<vmem>> -> memref<1x1x64xi32, #tpu.memory_space<vmem>>
            %dma_wait3A_486 = tpu.memref_squeeze %dma_wait3A_485 : memref<1x1x64xi32, #tpu.memory_space<vmem>> -> memref<64xi32, #tpu.memory_space<vmem>>
            %dma_wait3A_487 = arith.constant 0 : i32
            %dma_wait3A_488 = arith.constant 0 : i32
            %dma_wait3A_489 = tpu.memref_slice %arg7[%dma_wait3A_487, %dma_wait3A_488] : memref<10240x128xf32, #tpu.memory_space<vmem_shared>> -> memref<10240x128xf32, #tpu.memory_space<vmem_shared>>
            tpu.wait_indirect_dma semaphore(%arg22 : memref<!tpu.dma_semaphore, #tpu.memory_space<semaphore_mem>>) src(%dma_wait3A_483 : memref<64x128xf32, #tpu.memory_space<vmem>>) dst(%dma_wait3A_489 : memref<10240x128xf32, #tpu.memory_space<vmem_shared>>)
          } else {
          }
          %dma_start3A_464 = arith.constant 6 : i32
          %dma_start3A_465 = arith.constant 0 : i32
          %dma_start3A_466 = arith.constant 2 : i32
          %dma_start3A_467 = arith.constant 0 : i32
          %dma_start3A_468 = arith.constant 0 : i32
          %dma_start3A_469 = tpu.memref_slice %arg6[%dma_start3A_466, %dma_start3A_467, %dma_start3A_468] : memref<4x64x128xf32, #tpu.memory_space<vmem>> -> memref<1x64x128xf32, #tpu.memory_space<vmem>>
          %dma_start3A_470 = tpu.memref_squeeze %dma_start3A_469 : memref<1x64x128xf32, #tpu.memory_space<vmem>> -> memref<64x128xf32, #tpu.memory_space<vmem>>
          %dma_start3A_471 = arith.constant 0 : i32
          %dma_start3A_472 = tpu.memref_slice %arg5[%dma_start3A_464, %dma_start3A_465, %dma_start3A_471] : memref<8x2x64xi32, #tpu.memory_space<vmem>> -> memref<1x1x64xi32, #tpu.memory_space<vmem>>
          %dma_start3A_473 = tpu.memref_squeeze %dma_start3A_472 : memref<1x1x64xi32, #tpu.memory_space<vmem>> -> memref<64xi32, #tpu.memory_space<vmem>>
          %dma_start3A_474 = arith.constant 0 : i32
          %dma_start3A_475 = arith.constant 0 : i32
          %dma_start3A_476 = tpu.memref_slice %arg3[%dma_start3A_474, %dma_start3A_475] : memref<10240x128xf32, #tpu.memory_space<hbm>> -> memref<10240x128xf32, #tpu.memory_space<hbm>>
          tpu.enqueue_indirect_dma source(%dma_start3A_476 : memref<10240x128xf32, #tpu.memory_space<hbm>>) target(%dma_start3A_470 : memref<64x128xf32, #tpu.memory_space<vmem>>) offsets(%dma_start3A_473 : memref<64xi32, #tpu.memory_space<vmem>>) semaphore(%arg18 : memref<!tpu.dma_semaphore, #tpu.memory_space<semaphore_mem>>)
        } else {
        }
        %dma_wait3A_409 = arith.constant 5 : i32
        %dma_wait3A_410 = arith.constant 0 : i32
        %dma_wait3A_411 = arith.constant 1 : i32
        %dma_wait3A_412 = arith.constant 0 : i32
        %dma_wait3A_413 = arith.constant 0 : i32
        %dma_wait3A_414 = tpu.memref_slice %arg6[%dma_wait3A_411, %dma_wait3A_412, %dma_wait3A_413] : memref<4x64x128xf32, #tpu.memory_space<vmem>> -> memref<1x64x128xf32, #tpu.memory_space<vmem>>
        %dma_wait3A_415 = tpu.memref_squeeze %dma_wait3A_414 : memref<1x64x128xf32, #tpu.memory_space<vmem>> -> memref<64x128xf32, #tpu.memory_space<vmem>>
        %dma_wait3A_416 = arith.constant 0 : i32
        %dma_wait3A_417 = tpu.memref_slice %arg5[%dma_wait3A_409, %dma_wait3A_410, %dma_wait3A_416] : memref<8x2x64xi32, #tpu.memory_space<vmem>> -> memref<1x1x64xi32, #tpu.memory_space<vmem>>
        %dma_wait3A_418 = tpu.memref_squeeze %dma_wait3A_417 : memref<1x1x64xi32, #tpu.memory_space<vmem>> -> memref<64xi32, #tpu.memory_space<vmem>>
        %dma_wait3A_419 = arith.constant 0 : i32
        %dma_wait3A_420 = arith.constant 0 : i32
        %dma_wait3A_421 = tpu.memref_slice %arg3[%dma_wait3A_419, %dma_wait3A_420] : memref<10240x128xf32, #tpu.memory_space<hbm>> -> memref<10240x128xf32, #tpu.memory_space<hbm>>
        tpu.wait_indirect_dma semaphore(%arg17 : memref<!tpu.dma_semaphore, #tpu.memory_space<semaphore_mem>>) src(%dma_wait3A_421 : memref<10240x128xf32, #tpu.memory_space<hbm>>) dst(%dma_wait3A_415 : memref<64x128xf32, #tpu.memory_space<vmem>>)
        %dma_start3A_422 = arith.constant 1 : i32
        %dma_start3A_423 = arith.constant 5 : i32
        %dma_start3A_424 = arith.constant 1 : i32
        %dma_start3A_425 = arith.constant 0 : i32
        %dma_start3A_426 = arith.constant 0 : i32
        %dma_start3A_427 = tpu.memref_slice %arg6[%dma_start3A_422, %dma_start3A_425, %dma_start3A_426] : memref<4x64x128xf32, #tpu.memory_space<vmem>> -> memref<1x64x128xf32, #tpu.memory_space<vmem>>
        %dma_start3A_428 = tpu.memref_squeeze %dma_start3A_427 : memref<1x64x128xf32, #tpu.memory_space<vmem>> -> memref<64x128xf32, #tpu.memory_space<vmem>>
        %dma_start3A_429 = arith.constant 0 : i32
        %dma_start3A_430 = tpu.memref_slice %arg5[%dma_start3A_423, %dma_start3A_424, %dma_start3A_429] : memref<8x2x64xi32, #tpu.memory_space<vmem>> -> memref<1x1x64xi32, #tpu.memory_space<vmem>>
        %dma_start3A_431 = tpu.memref_squeeze %dma_start3A_430 : memref<1x1x64xi32, #tpu.memory_space<vmem>> -> memref<64xi32, #tpu.memory_space<vmem>>
        %dma_start3A_432 = arith.constant 0 : i32
        %dma_start3A_433 = arith.constant 0 : i32
        %dma_start3A_434 = tpu.memref_slice %arg7[%dma_start3A_432, %dma_start3A_433] : memref<10240x128xf32, #tpu.memory_space<vmem_shared>> -> memref<10240x128xf32, #tpu.memory_space<vmem_shared>>
        tpu.enqueue_indirect_dma source(%dma_start3A_428 : memref<64x128xf32, #tpu.memory_space<vmem>>) target(%dma_start3A_434 : memref<10240x128xf32, #tpu.memory_space<vmem_shared>>) offsets(%dma_start3A_431 : memref<64xi32, #tpu.memory_space<vmem>>) semaphore(%arg21 : memref<!tpu.dma_semaphore, #tpu.memory_space<semaphore_mem>>) {add = true}
        %add3A_435 = arith.constant 5 : i32
        %add3A_436 = arith.addi %scan3A_240, %add3A_435 : i32
        %lt3A_437 = arith.constant 157 : i32
        %lt3A_438 = arith.cmpi slt, %add3A_436, %lt3A_437 : i32
        %convert_element_type3A_439 = arith.extui %lt3A_438 : i1 to i32
        %cond3A_440 = arith.constant 0 : i32
        %cond3A_441 = arith.cmpi ne, %convert_element_type3A_439, %cond3A_440 : i32
        scf.if %cond3A_441 {
          %add3A_442 = arith.constant 5 : i32
          %add3A_443 = arith.addi %scan3A_240, %add3A_442 : i32
          %dma_start3A_444 = arith.constant 2 : i32
          %dma_start3A_445 = arith.constant 0 : i32
          %dma_start3A_446 = arith.constant 0 : i32
          %dma_start3A_447 = tpu.memref_slice %arg5[%dma_start3A_444, %dma_start3A_445, %dma_start3A_446] : memref<8x2x64xi32, #tpu.memory_space<vmem>> -> memref<1x2x64xi32, #tpu.memory_space<vmem>>
          %dma_start3A_448 = arith.constant 0 : i32
          %dma_start3A_449 = arith.constant 0 : i32
          %dma_start3A_450 = tpu.memref_slice %arg2[%add3A, %add3A_443, %dma_start3A_448, %dma_start3A_449] : memref<32x157x2x64xi32, #tpu.memory_space<hbm>> -> memref<1x1x2x64xi32, #tpu.memory_space<hbm>>
          %dma_start3A_451 = tpu.memref_squeeze %dma_start3A_450 : memref<1x1x2x64xi32, #tpu.memory_space<hbm>> -> memref<1x2x64xi32, #tpu.memory_space<hbm>>
          %dma_start3A_452 = arith.constant 2 : i32
          %dma_start3A_453 = arith.constant 0 : i32
          %dma_start3A_454 = arith.constant 0 : i32
          %dma_start3A_455 = tpu.memref_slice %arg5[%dma_start3A_452, %dma_start3A_453, %dma_start3A_454] : memref<8x2x64xi32, #tpu.memory_space<vmem>> -> memref<1x2x64xi32, #tpu.memory_space<vmem>>
          %dma_start3A_456 = arith.constant 0 : i32
          %dma_start3A_457 = arith.constant 0 : i32
          %dma_start3A_458 = tpu.memref_slice %arg2[%add3A, %add3A_443, %dma_start3A_456, %dma_start3A_457] : memref<32x157x2x64xi32, #tpu.memory_space<hbm>> -> memref<1x1x2x64xi32, #tpu.memory_space<hbm>>
          %dma_start3A_459 = tpu.memref_squeeze %dma_start3A_458 : memref<1x1x2x64xi32, #tpu.memory_space<hbm>> -> memref<1x2x64xi32, #tpu.memory_space<hbm>>
          tpu.enqueue_dma source(%dma_start3A_459 : memref<1x2x64xi32, #tpu.memory_space<hbm>>) target(%dma_start3A_455 : memref<1x2x64xi32, #tpu.memory_space<vmem>>) target_semaphore(%arg10 : memref<!tpu.dma_semaphore, #tpu.memory_space<semaphore_mem>>)
        } else {
        }
      } else {
      }
      %jit3A_359 = arith.constant 8 : i32
      %eq3A_360 = arith.constant 0 : i32
      %eq3A_361 = arith.cmpi eq, %jit3A_359, %eq3A_360 : i32
      %jit3A_362 = arith.constant 1 : i32
      %select_n3A_363 = arith.select %eq3A_361, %jit3A_362, %jit3A_359 : i32
      %rem3A_364 = arith.remsi %scan3A_240, %select_n3A_363 : i32
      %ne3A_365 = arith.constant 0 : i32
      %ne3A_366 = arith.cmpi ne, %rem3A_364, %ne3A_365 : i32
      %lt3A_367 = arith.constant 0 : i32
      %lt3A_368 = arith.cmpi slt, %rem3A_364, %lt3A_367 : i32
      %lt3A_369 = arith.constant 0 : i32
      %lt3A_370 = arith.cmpi slt, %select_n3A_363, %lt3A_369 : i32
      %ne3A_371 = arith.xori %lt3A_368, %lt3A_370 : i1
      %and3A_372 = arith.andi %ne3A_371, %ne3A_366 : i1
      %add3A_373 = arith.addi %rem3A_364, %select_n3A_363 : i32
      %select_n3A_374 = arith.select %and3A_372, %add3A_373, %rem3A_364 : i32
      %eq3A_375 = arith.constant 6 : i32
      %eq3A_376 = arith.cmpi eq, %select_n3A_374, %eq3A_375 : i32
      %convert_element_type3A_377 = arith.extui %eq3A_376 : i1 to i32
      %cond3A_378 = arith.constant 0 : i32
      %cond3A_379 = arith.cmpi ne, %convert_element_type3A_377, %cond3A_378 : i32
      scf.if %cond3A_379 {
        %add3A_402 = arith.constant 1 : i32
        %add3A_403 = arith.addi %scan3A_240, %add3A_402 : i32
        %lt3A_404 = arith.constant 157 : i32
        %lt3A_405 = arith.cmpi slt, %add3A_403, %lt3A_404 : i32
        %convert_element_type3A_406 = arith.extui %lt3A_405 : i1 to i32
        %cond3A_407 = arith.constant 0 : i32
        %cond3A_408 = arith.cmpi ne, %convert_element_type3A_406, %cond3A_407 : i32
        scf.if %cond3A_408 {
          %add3A_442 = arith.constant 1 : i32
          %add3A_443 = arith.addi %scan3A_240, %add3A_442 : i32
          %dma_wait3A_444 = arith.constant 7 : i32
          %dma_wait3A_445 = arith.constant 0 : i32
          %dma_wait3A_446 = arith.constant 0 : i32
          %dma_wait3A_447 = tpu.memref_slice %arg5[%dma_wait3A_444, %dma_wait3A_445, %dma_wait3A_446] : memref<8x2x64xi32, #tpu.memory_space<vmem>> -> memref<1x2x64xi32, #tpu.memory_space<vmem>>
          %dma_wait3A_448 = arith.constant 0 : i32
          %dma_wait3A_449 = arith.constant 0 : i32
          %dma_wait3A_450 = tpu.memref_slice %arg2[%add3A, %add3A_443, %dma_wait3A_448, %dma_wait3A_449] : memref<32x157x2x64xi32, #tpu.memory_space<hbm>> -> memref<1x1x2x64xi32, #tpu.memory_space<hbm>>
          %dma_wait3A_451 = tpu.memref_squeeze %dma_wait3A_450 : memref<1x1x2x64xi32, #tpu.memory_space<hbm>> -> memref<1x2x64xi32, #tpu.memory_space<hbm>>
          %dma_wait3A_452 = arith.constant 7 : i32
          %dma_wait3A_453 = arith.constant 0 : i32
          %dma_wait3A_454 = arith.constant 0 : i32
          %dma_wait3A_455 = tpu.memref_slice %arg5[%dma_wait3A_452, %dma_wait3A_453, %dma_wait3A_454] : memref<8x2x64xi32, #tpu.memory_space<vmem>> -> memref<1x2x64xi32, #tpu.memory_space<vmem>>
          %dma_wait3A_456 = arith.constant 0 : i32
          %dma_wait3A_457 = arith.constant 0 : i32
          %dma_wait3A_458 = tpu.memref_slice %arg2[%add3A, %add3A_443, %dma_wait3A_456, %dma_wait3A_457] : memref<32x157x2x64xi32, #tpu.memory_space<hbm>> -> memref<1x1x2x64xi32, #tpu.memory_space<hbm>>
          %dma_wait3A_459 = tpu.memref_squeeze %dma_wait3A_458 : memref<1x1x2x64xi32, #tpu.memory_space<hbm>> -> memref<1x2x64xi32, #tpu.memory_space<hbm>>
          tpu.wait_dma2 semaphore(%arg15 : memref<!tpu.dma_semaphore, #tpu.memory_space<semaphore_mem>>) src(%dma_wait3A_459 : memref<1x2x64xi32, #tpu.memory_space<hbm>>) dst(%dma_wait3A_455 : memref<1x2x64xi32, #tpu.memory_space<vmem>>)
          %ge3A = arith.constant 3 : i32
          %ge3A_460 = arith.cmpi sge, %scan3A_240, %ge3A : i32
          %convert_element_type3A_461 = arith.extui %ge3A_460 : i1 to i32
          %cond3A_462 = arith.constant 0 : i32
          %cond3A_463 = arith.cmpi ne, %convert_element_type3A_461, %cond3A_462 : i32
          scf.if %cond3A_463 {
            %dma_wait3A_477 = arith.constant 3 : i32
            %dma_wait3A_478 = arith.constant 3 : i32
            %dma_wait3A_479 = arith.constant 1 : i32
            %dma_wait3A_480 = arith.constant 0 : i32
            %dma_wait3A_481 = arith.constant 0 : i32
            %dma_wait3A_482 = tpu.memref_slice %arg6[%dma_wait3A_477, %dma_wait3A_480, %dma_wait3A_481] : memref<4x64x128xf32, #tpu.memory_space<vmem>> -> memref<1x64x128xf32, #tpu.memory_space<vmem>>
            %dma_wait3A_483 = tpu.memref_squeeze %dma_wait3A_482 : memref<1x64x128xf32, #tpu.memory_space<vmem>> -> memref<64x128xf32, #tpu.memory_space<vmem>>
            %dma_wait3A_484 = arith.constant 0 : i32
            %dma_wait3A_485 = tpu.memref_slice %arg5[%dma_wait3A_478, %dma_wait3A_479, %dma_wait3A_484] : memref<8x2x64xi32, #tpu.memory_space<vmem>> -> memref<1x1x64xi32, #tpu.memory_space<vmem>>
            %dma_wait3A_486 = tpu.memref_squeeze %dma_wait3A_485 : memref<1x1x64xi32, #tpu.memory_space<vmem>> -> memref<64xi32, #tpu.memory_space<vmem>>
            %dma_wait3A_487 = arith.constant 0 : i32
            %dma_wait3A_488 = arith.constant 0 : i32
            %dma_wait3A_489 = tpu.memref_slice %arg7[%dma_wait3A_487, %dma_wait3A_488] : memref<10240x128xf32, #tpu.memory_space<vmem_shared>> -> memref<10240x128xf32, #tpu.memory_space<vmem_shared>>
            tpu.wait_indirect_dma semaphore(%arg23 : memref<!tpu.dma_semaphore, #tpu.memory_space<semaphore_mem>>) src(%dma_wait3A_483 : memref<64x128xf32, #tpu.memory_space<vmem>>) dst(%dma_wait3A_489 : memref<10240x128xf32, #tpu.memory_space<vmem_shared>>)
          } else {
          }
          %dma_start3A_464 = arith.constant 7 : i32
          %dma_start3A_465 = arith.constant 0 : i32
          %dma_start3A_466 = arith.constant 3 : i32
          %dma_start3A_467 = arith.constant 0 : i32
          %dma_start3A_468 = arith.constant 0 : i32
          %dma_start3A_469 = tpu.memref_slice %arg6[%dma_start3A_466, %dma_start3A_467, %dma_start3A_468] : memref<4x64x128xf32, #tpu.memory_space<vmem>> -> memref<1x64x128xf32, #tpu.memory_space<vmem>>
          %dma_start3A_470 = tpu.memref_squeeze %dma_start3A_469 : memref<1x64x128xf32, #tpu.memory_space<vmem>> -> memref<64x128xf32, #tpu.memory_space<vmem>>
          %dma_start3A_471 = arith.constant 0 : i32
          %dma_start3A_472 = tpu.memref_slice %arg5[%dma_start3A_464, %dma_start3A_465, %dma_start3A_471] : memref<8x2x64xi32, #tpu.memory_space<vmem>> -> memref<1x1x64xi32, #tpu.memory_space<vmem>>
          %dma_start3A_473 = tpu.memref_squeeze %dma_start3A_472 : memref<1x1x64xi32, #tpu.memory_space<vmem>> -> memref<64xi32, #tpu.memory_space<vmem>>
          %dma_start3A_474 = arith.constant 0 : i32
          %dma_start3A_475 = arith.constant 0 : i32
          %dma_start3A_476 = tpu.memref_slice %arg3[%dma_start3A_474, %dma_start3A_475] : memref<10240x128xf32, #tpu.memory_space<hbm>> -> memref<10240x128xf32, #tpu.memory_space<hbm>>
          tpu.enqueue_indirect_dma source(%dma_start3A_476 : memref<10240x128xf32, #tpu.memory_space<hbm>>) target(%dma_start3A_470 : memref<64x128xf32, #tpu.memory_space<vmem>>) offsets(%dma_start3A_473 : memref<64xi32, #tpu.memory_space<vmem>>) semaphore(%arg19 : memref<!tpu.dma_semaphore, #tpu.memory_space<semaphore_mem>>)
        } else {
        }
        %dma_wait3A_409 = arith.constant 6 : i32
        %dma_wait3A_410 = arith.constant 0 : i32
        %dma_wait3A_411 = arith.constant 2 : i32
        %dma_wait3A_412 = arith.constant 0 : i32
        %dma_wait3A_413 = arith.constant 0 : i32
        %dma_wait3A_414 = tpu.memref_slice %arg6[%dma_wait3A_411, %dma_wait3A_412, %dma_wait3A_413] : memref<4x64x128xf32, #tpu.memory_space<vmem>> -> memref<1x64x128xf32, #tpu.memory_space<vmem>>
        %dma_wait3A_415 = tpu.memref_squeeze %dma_wait3A_414 : memref<1x64x128xf32, #tpu.memory_space<vmem>> -> memref<64x128xf32, #tpu.memory_space<vmem>>
        %dma_wait3A_416 = arith.constant 0 : i32
        %dma_wait3A_417 = tpu.memref_slice %arg5[%dma_wait3A_409, %dma_wait3A_410, %dma_wait3A_416] : memref<8x2x64xi32, #tpu.memory_space<vmem>> -> memref<1x1x64xi32, #tpu.memory_space<vmem>>
        %dma_wait3A_418 = tpu.memref_squeeze %dma_wait3A_417 : memref<1x1x64xi32, #tpu.memory_space<vmem>> -> memref<64xi32, #tpu.memory_space<vmem>>
        %dma_wait3A_419 = arith.constant 0 : i32
        %dma_wait3A_420 = arith.constant 0 : i32
        %dma_wait3A_421 = tpu.memref_slice %arg3[%dma_wait3A_419, %dma_wait3A_420] : memref<10240x128xf32, #tpu.memory_space<hbm>> -> memref<10240x128xf32, #tpu.memory_space<hbm>>
        tpu.wait_indirect_dma semaphore(%arg18 : memref<!tpu.dma_semaphore, #tpu.memory_space<semaphore_mem>>) src(%dma_wait3A_421 : memref<10240x128xf32, #tpu.memory_space<hbm>>) dst(%dma_wait3A_415 : memref<64x128xf32, #tpu.memory_space<vmem>>)
        %dma_start3A_422 = arith.constant 2 : i32
        %dma_start3A_423 = arith.constant 6 : i32
        %dma_start3A_424 = arith.constant 1 : i32
        %dma_start3A_425 = arith.constant 0 : i32
        %dma_start3A_426 = arith.constant 0 : i32
        %dma_start3A_427 = tpu.memref_slice %arg6[%dma_start3A_422, %dma_start3A_425, %dma_start3A_426] : memref<4x64x128xf32, #tpu.memory_space<vmem>> -> memref<1x64x128xf32, #tpu.memory_space<vmem>>
        %dma_start3A_428 = tpu.memref_squeeze %dma_start3A_427 : memref<1x64x128xf32, #tpu.memory_space<vmem>> -> memref<64x128xf32, #tpu.memory_space<vmem>>
        %dma_start3A_429 = arith.constant 0 : i32
        %dma_start3A_430 = tpu.memref_slice %arg5[%dma_start3A_423, %dma_start3A_424, %dma_start3A_429] : memref<8x2x64xi32, #tpu.memory_space<vmem>> -> memref<1x1x64xi32, #tpu.memory_space<vmem>>
        %dma_start3A_431 = tpu.memref_squeeze %dma_start3A_430 : memref<1x1x64xi32, #tpu.memory_space<vmem>> -> memref<64xi32, #tpu.memory_space<vmem>>
        %dma_start3A_432 = arith.constant 0 : i32
        %dma_start3A_433 = arith.constant 0 : i32
        %dma_start3A_434 = tpu.memref_slice %arg7[%dma_start3A_432, %dma_start3A_433] : memref<10240x128xf32, #tpu.memory_space<vmem_shared>> -> memref<10240x128xf32, #tpu.memory_space<vmem_shared>>
        tpu.enqueue_indirect_dma source(%dma_start3A_428 : memref<64x128xf32, #tpu.memory_space<vmem>>) target(%dma_start3A_434 : memref<10240x128xf32, #tpu.memory_space<vmem_shared>>) offsets(%dma_start3A_431 : memref<64xi32, #tpu.memory_space<vmem>>) semaphore(%arg22 : memref<!tpu.dma_semaphore, #tpu.memory_space<semaphore_mem>>) {add = true}
        %add3A_435 = arith.constant 5 : i32
        %add3A_436 = arith.addi %scan3A_240, %add3A_435 : i32
        %lt3A_437 = arith.constant 157 : i32
        %lt3A_438 = arith.cmpi slt, %add3A_436, %lt3A_437 : i32
        %convert_element_type3A_439 = arith.extui %lt3A_438 : i1 to i32
        %cond3A_440 = arith.constant 0 : i32
        %cond3A_441 = arith.cmpi ne, %convert_element_type3A_439, %cond3A_440 : i32
        scf.if %cond3A_441 {
          %add3A_442 = arith.constant 5 : i32
          %add3A_443 = arith.addi %scan3A_240, %add3A_442 : i32
          %dma_start3A_444 = arith.constant 3 : i32
          %dma_start3A_445 = arith.constant 0 : i32
          %dma_start3A_446 = arith.constant 0 : i32
          %dma_start3A_447 = tpu.memref_slice %arg5[%dma_start3A_444, %dma_start3A_445, %dma_start3A_446] : memref<8x2x64xi32, #tpu.memory_space<vmem>> -> memref<1x2x64xi32, #tpu.memory_space<vmem>>
          %dma_start3A_448 = arith.constant 0 : i32
          %dma_start3A_449 = arith.constant 0 : i32
          %dma_start3A_450 = tpu.memref_slice %arg2[%add3A, %add3A_443, %dma_start3A_448, %dma_start3A_449] : memref<32x157x2x64xi32, #tpu.memory_space<hbm>> -> memref<1x1x2x64xi32, #tpu.memory_space<hbm>>
          %dma_start3A_451 = tpu.memref_squeeze %dma_start3A_450 : memref<1x1x2x64xi32, #tpu.memory_space<hbm>> -> memref<1x2x64xi32, #tpu.memory_space<hbm>>
          %dma_start3A_452 = arith.constant 3 : i32
          %dma_start3A_453 = arith.constant 0 : i32
          %dma_start3A_454 = arith.constant 0 : i32
          %dma_start3A_455 = tpu.memref_slice %arg5[%dma_start3A_452, %dma_start3A_453, %dma_start3A_454] : memref<8x2x64xi32, #tpu.memory_space<vmem>> -> memref<1x2x64xi32, #tpu.memory_space<vmem>>
          %dma_start3A_456 = arith.constant 0 : i32
          %dma_start3A_457 = arith.constant 0 : i32
          %dma_start3A_458 = tpu.memref_slice %arg2[%add3A, %add3A_443, %dma_start3A_456, %dma_start3A_457] : memref<32x157x2x64xi32, #tpu.memory_space<hbm>> -> memref<1x1x2x64xi32, #tpu.memory_space<hbm>>
          %dma_start3A_459 = tpu.memref_squeeze %dma_start3A_458 : memref<1x1x2x64xi32, #tpu.memory_space<hbm>> -> memref<1x2x64xi32, #tpu.memory_space<hbm>>
          tpu.enqueue_dma source(%dma_start3A_459 : memref<1x2x64xi32, #tpu.memory_space<hbm>>) target(%dma_start3A_455 : memref<1x2x64xi32, #tpu.memory_space<vmem>>) target_semaphore(%arg11 : memref<!tpu.dma_semaphore, #tpu.memory_space<semaphore_mem>>)
        } else {
        }
      } else {
      }
      %jit3A_380 = arith.constant 8 : i32
      %eq3A_381 = arith.constant 0 : i32
      %eq3A_382 = arith.cmpi eq, %jit3A_380, %eq3A_381 : i32
      %jit3A_383 = arith.constant 1 : i32
      %select_n3A_384 = arith.select %eq3A_382, %jit3A_383, %jit3A_380 : i32
      %rem3A_385 = arith.remsi %scan3A_240, %select_n3A_384 : i32
      %ne3A_386 = arith.constant 0 : i32
      %ne3A_387 = arith.cmpi ne, %rem3A_385, %ne3A_386 : i32
      %lt3A_388 = arith.constant 0 : i32
      %lt3A_389 = arith.cmpi slt, %rem3A_385, %lt3A_388 : i32
      %lt3A_390 = arith.constant 0 : i32
      %lt3A_391 = arith.cmpi slt, %select_n3A_384, %lt3A_390 : i32
      %ne3A_392 = arith.xori %lt3A_389, %lt3A_391 : i1
      %and3A_393 = arith.andi %ne3A_392, %ne3A_387 : i1
      %add3A_394 = arith.addi %rem3A_385, %select_n3A_384 : i32
      %select_n3A_395 = arith.select %and3A_393, %add3A_394, %rem3A_385 : i32
      %eq3A_396 = arith.constant 7 : i32
      %eq3A_397 = arith.cmpi eq, %select_n3A_395, %eq3A_396 : i32
      %convert_element_type3A_398 = arith.extui %eq3A_397 : i1 to i32
      %cond3A_399 = arith.constant 0 : i32
      %cond3A_400 = arith.cmpi ne, %convert_element_type3A_398, %cond3A_399 : i32
      scf.if %cond3A_400 {
        %add3A_402 = arith.constant 1 : i32
        %add3A_403 = arith.addi %scan3A_240, %add3A_402 : i32
        %lt3A_404 = arith.constant 157 : i32
        %lt3A_405 = arith.cmpi slt, %add3A_403, %lt3A_404 : i32
        %convert_element_type3A_406 = arith.extui %lt3A_405 : i1 to i32
        %cond3A_407 = arith.constant 0 : i32
        %cond3A_408 = arith.cmpi ne, %convert_element_type3A_406, %cond3A_407 : i32
        scf.if %cond3A_408 {
          %add3A_442 = arith.constant 1 : i32
          %add3A_443 = arith.addi %scan3A_240, %add3A_442 : i32
          %dma_wait3A_444 = arith.constant 0 : i32
          %dma_wait3A_445 = arith.constant 0 : i32
          %dma_wait3A_446 = arith.constant 0 : i32
          %dma_wait3A_447 = tpu.memref_slice %arg5[%dma_wait3A_444, %dma_wait3A_445, %dma_wait3A_446] : memref<8x2x64xi32, #tpu.memory_space<vmem>> -> memref<1x2x64xi32, #tpu.memory_space<vmem>>
          %dma_wait3A_448 = arith.constant 0 : i32
          %dma_wait3A_449 = arith.constant 0 : i32
          %dma_wait3A_450 = tpu.memref_slice %arg2[%add3A, %add3A_443, %dma_wait3A_448, %dma_wait3A_449] : memref<32x157x2x64xi32, #tpu.memory_space<hbm>> -> memref<1x1x2x64xi32, #tpu.memory_space<hbm>>
          %dma_wait3A_451 = tpu.memref_squeeze %dma_wait3A_450 : memref<1x1x2x64xi32, #tpu.memory_space<hbm>> -> memref<1x2x64xi32, #tpu.memory_space<hbm>>
          %dma_wait3A_452 = arith.constant 0 : i32
          %dma_wait3A_453 = arith.constant 0 : i32
          %dma_wait3A_454 = arith.constant 0 : i32
          %dma_wait3A_455 = tpu.memref_slice %arg5[%dma_wait3A_452, %dma_wait3A_453, %dma_wait3A_454] : memref<8x2x64xi32, #tpu.memory_space<vmem>> -> memref<1x2x64xi32, #tpu.memory_space<vmem>>
          %dma_wait3A_456 = arith.constant 0 : i32
          %dma_wait3A_457 = arith.constant 0 : i32
          %dma_wait3A_458 = tpu.memref_slice %arg2[%add3A, %add3A_443, %dma_wait3A_456, %dma_wait3A_457] : memref<32x157x2x64xi32, #tpu.memory_space<hbm>> -> memref<1x1x2x64xi32, #tpu.memory_space<hbm>>
          %dma_wait3A_459 = tpu.memref_squeeze %dma_wait3A_458 : memref<1x1x2x64xi32, #tpu.memory_space<hbm>> -> memref<1x2x64xi32, #tpu.memory_space<hbm>>
          tpu.wait_dma2 semaphore(%arg8 : memref<!tpu.dma_semaphore, #tpu.memory_space<semaphore_mem>>) src(%dma_wait3A_459 : memref<1x2x64xi32, #tpu.memory_space<hbm>>) dst(%dma_wait3A_455 : memref<1x2x64xi32, #tpu.memory_space<vmem>>)
          %ge3A = arith.constant 3 : i32
          %ge3A_460 = arith.cmpi sge, %scan3A_240, %ge3A : i32
          %convert_element_type3A_461 = arith.extui %ge3A_460 : i1 to i32
          %cond3A_462 = arith.constant 0 : i32
          %cond3A_463 = arith.cmpi ne, %convert_element_type3A_461, %cond3A_462 : i32
          scf.if %cond3A_463 {
            %dma_wait3A_477 = arith.constant 0 : i32
            %dma_wait3A_478 = arith.constant 4 : i32
            %dma_wait3A_479 = arith.constant 1 : i32
            %dma_wait3A_480 = arith.constant 0 : i32
            %dma_wait3A_481 = arith.constant 0 : i32
            %dma_wait3A_482 = tpu.memref_slice %arg6[%dma_wait3A_477, %dma_wait3A_480, %dma_wait3A_481] : memref<4x64x128xf32, #tpu.memory_space<vmem>> -> memref<1x64x128xf32, #tpu.memory_space<vmem>>
            %dma_wait3A_483 = tpu.memref_squeeze %dma_wait3A_482 : memref<1x64x128xf32, #tpu.memory_space<vmem>> -> memref<64x128xf32, #tpu.memory_space<vmem>>
            %dma_wait3A_484 = arith.constant 0 : i32
            %dma_wait3A_485 = tpu.memref_slice %arg5[%dma_wait3A_478, %dma_wait3A_479, %dma_wait3A_484] : memref<8x2x64xi32, #tpu.memory_space<vmem>> -> memref<1x1x64xi32, #tpu.memory_space<vmem>>
            %dma_wait3A_486 = tpu.memref_squeeze %dma_wait3A_485 : memref<1x1x64xi32, #tpu.memory_space<vmem>> -> memref<64xi32, #tpu.memory_space<vmem>>
            %dma_wait3A_487 = arith.constant 0 : i32
            %dma_wait3A_488 = arith.constant 0 : i32
            %dma_wait3A_489 = tpu.memref_slice %arg7[%dma_wait3A_487, %dma_wait3A_488] : memref<10240x128xf32, #tpu.memory_space<vmem_shared>> -> memref<10240x128xf32, #tpu.memory_space<vmem_shared>>
            tpu.wait_indirect_dma semaphore(%arg20 : memref<!tpu.dma_semaphore, #tpu.memory_space<semaphore_mem>>) src(%dma_wait3A_483 : memref<64x128xf32, #tpu.memory_space<vmem>>) dst(%dma_wait3A_489 : memref<10240x128xf32, #tpu.memory_space<vmem_shared>>)
          } else {
          }
          %dma_start3A_464 = arith.constant 0 : i32
          %dma_start3A_465 = arith.constant 0 : i32
          %dma_start3A_466 = arith.constant 0 : i32
          %dma_start3A_467 = arith.constant 0 : i32
          %dma_start3A_468 = arith.constant 0 : i32
          %dma_start3A_469 = tpu.memref_slice %arg6[%dma_start3A_466, %dma_start3A_467, %dma_start3A_468] : memref<4x64x128xf32, #tpu.memory_space<vmem>> -> memref<1x64x128xf32, #tpu.memory_space<vmem>>
          %dma_start3A_470 = tpu.memref_squeeze %dma_start3A_469 : memref<1x64x128xf32, #tpu.memory_space<vmem>> -> memref<64x128xf32, #tpu.memory_space<vmem>>
          %dma_start3A_471 = arith.constant 0 : i32
          %dma_start3A_472 = tpu.memref_slice %arg5[%dma_start3A_464, %dma_start3A_465, %dma_start3A_471] : memref<8x2x64xi32, #tpu.memory_space<vmem>> -> memref<1x1x64xi32, #tpu.memory_space<vmem>>
          %dma_start3A_473 = tpu.memref_squeeze %dma_start3A_472 : memref<1x1x64xi32, #tpu.memory_space<vmem>> -> memref<64xi32, #tpu.memory_space<vmem>>
          %dma_start3A_474 = arith.constant 0 : i32
          %dma_start3A_475 = arith.constant 0 : i32
          %dma_start3A_476 = tpu.memref_slice %arg3[%dma_start3A_474, %dma_start3A_475] : memref<10240x128xf32, #tpu.memory_space<hbm>> -> memref<10240x128xf32, #tpu.memory_space<hbm>>
          tpu.enqueue_indirect_dma source(%dma_start3A_476 : memref<10240x128xf32, #tpu.memory_space<hbm>>) target(%dma_start3A_470 : memref<64x128xf32, #tpu.memory_space<vmem>>) offsets(%dma_start3A_473 : memref<64xi32, #tpu.memory_space<vmem>>) semaphore(%arg16 : memref<!tpu.dma_semaphore, #tpu.memory_space<semaphore_mem>>)
        } else {
        }
        %dma_wait3A_409 = arith.constant 7 : i32
        %dma_wait3A_410 = arith.constant 0 : i32
        %dma_wait3A_411 = arith.constant 3 : i32
        %dma_wait3A_412 = arith.constant 0 : i32
        %dma_wait3A_413 = arith.constant 0 : i32
        %dma_wait3A_414 = tpu.memref_slice %arg6[%dma_wait3A_411, %dma_wait3A_412, %dma_wait3A_413] : memref<4x64x128xf32, #tpu.memory_space<vmem>> -> memref<1x64x128xf32, #tpu.memory_space<vmem>>
        %dma_wait3A_415 = tpu.memref_squeeze %dma_wait3A_414 : memref<1x64x128xf32, #tpu.memory_space<vmem>> -> memref<64x128xf32, #tpu.memory_space<vmem>>
        %dma_wait3A_416 = arith.constant 0 : i32
        %dma_wait3A_417 = tpu.memref_slice %arg5[%dma_wait3A_409, %dma_wait3A_410, %dma_wait3A_416] : memref<8x2x64xi32, #tpu.memory_space<vmem>> -> memref<1x1x64xi32, #tpu.memory_space<vmem>>
        %dma_wait3A_418 = tpu.memref_squeeze %dma_wait3A_417 : memref<1x1x64xi32, #tpu.memory_space<vmem>> -> memref<64xi32, #tpu.memory_space<vmem>>
        %dma_wait3A_419 = arith.constant 0 : i32
        %dma_wait3A_420 = arith.constant 0 : i32
        %dma_wait3A_421 = tpu.memref_slice %arg3[%dma_wait3A_419, %dma_wait3A_420] : memref<10240x128xf32, #tpu.memory_space<hbm>> -> memref<10240x128xf32, #tpu.memory_space<hbm>>
        tpu.wait_indirect_dma semaphore(%arg19 : memref<!tpu.dma_semaphore, #tpu.memory_space<semaphore_mem>>) src(%dma_wait3A_421 : memref<10240x128xf32, #tpu.memory_space<hbm>>) dst(%dma_wait3A_415 : memref<64x128xf32, #tpu.memory_space<vmem>>)
        %dma_start3A_422 = arith.constant 3 : i32
        %dma_start3A_423 = arith.constant 7 : i32
        %dma_start3A_424 = arith.constant 1 : i32
        %dma_start3A_425 = arith.constant 0 : i32
        %dma_start3A_426 = arith.constant 0 : i32
        %dma_start3A_427 = tpu.memref_slice %arg6[%dma_start3A_422, %dma_start3A_425, %dma_start3A_426] : memref<4x64x128xf32, #tpu.memory_space<vmem>> -> memref<1x64x128xf32, #tpu.memory_space<vmem>>
        %dma_start3A_428 = tpu.memref_squeeze %dma_start3A_427 : memref<1x64x128xf32, #tpu.memory_space<vmem>> -> memref<64x128xf32, #tpu.memory_space<vmem>>
        %dma_start3A_429 = arith.constant 0 : i32
        %dma_start3A_430 = tpu.memref_slice %arg5[%dma_start3A_423, %dma_start3A_424, %dma_start3A_429] : memref<8x2x64xi32, #tpu.memory_space<vmem>> -> memref<1x1x64xi32, #tpu.memory_space<vmem>>
        %dma_start3A_431 = tpu.memref_squeeze %dma_start3A_430 : memref<1x1x64xi32, #tpu.memory_space<vmem>> -> memref<64xi32, #tpu.memory_space<vmem>>
        %dma_start3A_432 = arith.constant 0 : i32
        %dma_start3A_433 = arith.constant 0 : i32
        %dma_start3A_434 = tpu.memref_slice %arg7[%dma_start3A_432, %dma_start3A_433] : memref<10240x128xf32, #tpu.memory_space<vmem_shared>> -> memref<10240x128xf32, #tpu.memory_space<vmem_shared>>
        tpu.enqueue_indirect_dma source(%dma_start3A_428 : memref<64x128xf32, #tpu.memory_space<vmem>>) target(%dma_start3A_434 : memref<10240x128xf32, #tpu.memory_space<vmem_shared>>) offsets(%dma_start3A_431 : memref<64xi32, #tpu.memory_space<vmem>>) semaphore(%arg23 : memref<!tpu.dma_semaphore, #tpu.memory_space<semaphore_mem>>) {add = true}
        %add3A_435 = arith.constant 5 : i32
        %add3A_436 = arith.addi %scan3A_240, %add3A_435 : i32
        %lt3A_437 = arith.constant 157 : i32
        %lt3A_438 = arith.cmpi slt, %add3A_436, %lt3A_437 : i32
        %convert_element_type3A_439 = arith.extui %lt3A_438 : i1 to i32
        %cond3A_440 = arith.constant 0 : i32
        %cond3A_441 = arith.cmpi ne, %convert_element_type3A_439, %cond3A_440 : i32
        scf.if %cond3A_441 {
          %add3A_442 = arith.constant 5 : i32
          %add3A_443 = arith.addi %scan3A_240, %add3A_442 : i32
          %dma_start3A_444 = arith.constant 4 : i32
          %dma_start3A_445 = arith.constant 0 : i32
          %dma_start3A_446 = arith.constant 0 : i32
          %dma_start3A_447 = tpu.memref_slice %arg5[%dma_start3A_444, %dma_start3A_445, %dma_start3A_446] : memref<8x2x64xi32, #tpu.memory_space<vmem>> -> memref<1x2x64xi32, #tpu.memory_space<vmem>>
          %dma_start3A_448 = arith.constant 0 : i32
          %dma_start3A_449 = arith.constant 0 : i32
          %dma_start3A_450 = tpu.memref_slice %arg2[%add3A, %add3A_443, %dma_start3A_448, %dma_start3A_449] : memref<32x157x2x64xi32, #tpu.memory_space<hbm>> -> memref<1x1x2x64xi32, #tpu.memory_space<hbm>>
          %dma_start3A_451 = tpu.memref_squeeze %dma_start3A_450 : memref<1x1x2x64xi32, #tpu.memory_space<hbm>> -> memref<1x2x64xi32, #tpu.memory_space<hbm>>
          %dma_start3A_452 = arith.constant 4 : i32
          %dma_start3A_453 = arith.constant 0 : i32
          %dma_start3A_454 = arith.constant 0 : i32
          %dma_start3A_455 = tpu.memref_slice %arg5[%dma_start3A_452, %dma_start3A_453, %dma_start3A_454] : memref<8x2x64xi32, #tpu.memory_space<vmem>> -> memref<1x2x64xi32, #tpu.memory_space<vmem>>
          %dma_start3A_456 = arith.constant 0 : i32
          %dma_start3A_457 = arith.constant 0 : i32
          %dma_start3A_458 = tpu.memref_slice %arg2[%add3A, %add3A_443, %dma_start3A_456, %dma_start3A_457] : memref<32x157x2x64xi32, #tpu.memory_space<hbm>> -> memref<1x1x2x64xi32, #tpu.memory_space<hbm>>
          %dma_start3A_459 = tpu.memref_squeeze %dma_start3A_458 : memref<1x1x2x64xi32, #tpu.memory_space<hbm>> -> memref<1x2x64xi32, #tpu.memory_space<hbm>>
          tpu.enqueue_dma source(%dma_start3A_459 : memref<1x2x64xi32, #tpu.memory_space<hbm>>) target(%dma_start3A_455 : memref<1x2x64xi32, #tpu.memory_space<vmem>>) target_semaphore(%arg12 : memref<!tpu.dma_semaphore, #tpu.memory_space<semaphore_mem>>)
        } else {
        }
      } else {
      }
      %scan3A_401 = arith.constant 0 : i32
      scf.yield %scan3A_401 : i32
    }
    %scan3A_182 = arith.constant 157 : i32
    %dma_wait3A_183 = arith.constant 1 : i32
    %dma_wait3A_184 = arith.constant 1 : i32
    %dma_wait3A_185 = arith.constant 1 : i32
    %dma_wait3A_186 = arith.constant 0 : i32
    %dma_wait3A_187 = arith.constant 0 : i32
    %dma_wait3A_188 = tpu.memref_slice %arg6[%dma_wait3A_183, %dma_wait3A_186, %dma_wait3A_187] : memref<4x64x128xf32, #tpu.memory_space<vmem>> -> memref<1x64x128xf32, #tpu.memory_space<vmem>>
    %dma_wait3A_189 = tpu.memref_squeeze %dma_wait3A_188 : memref<1x64x128xf32, #tpu.memory_space<vmem>> -> memref<64x128xf32, #tpu.memory_space<vmem>>
    %dma_wait3A_190 = arith.constant 0 : i32
    %dma_wait3A_191 = tpu.memref_slice %arg5[%dma_wait3A_184, %dma_wait3A_185, %dma_wait3A_190] : memref<8x2x64xi32, #tpu.memory_space<vmem>> -> memref<1x1x64xi32, #tpu.memory_space<vmem>>
    %dma_wait3A_192 = tpu.memref_squeeze %dma_wait3A_191 : memref<1x1x64xi32, #tpu.memory_space<vmem>> -> memref<64xi32, #tpu.memory_space<vmem>>
    %dma_wait3A_193 = arith.constant 0 : i32
    %dma_wait3A_194 = arith.constant 0 : i32
    %dma_wait3A_195 = tpu.memref_slice %arg7[%dma_wait3A_193, %dma_wait3A_194] : memref<10240x128xf32, #tpu.memory_space<vmem_shared>> -> memref<10240x128xf32, #tpu.memory_space<vmem_shared>>
    tpu.wait_indirect_dma semaphore(%arg21 : memref<!tpu.dma_semaphore, #tpu.memory_space<semaphore_mem>>) src(%dma_wait3A_189 : memref<64x128xf32, #tpu.memory_space<vmem>>) dst(%dma_wait3A_195 : memref<10240x128xf32, #tpu.memory_space<vmem_shared>>)
    %dma_wait3A_196 = arith.constant 2 : i32
    %dma_wait3A_197 = arith.constant 2 : i32
    %dma_wait3A_198 = arith.constant 1 : i32
    %dma_wait3A_199 = arith.constant 0 : i32
    %dma_wait3A_200 = arith.constant 0 : i32
    %dma_wait3A_201 = tpu.memref_slice %arg6[%dma_wait3A_196, %dma_wait3A_199, %dma_wait3A_200] : memref<4x64x128xf32, #tpu.memory_space<vmem>> -> memref<1x64x128xf32, #tpu.memory_space<vmem>>
    %dma_wait3A_202 = tpu.memref_squeeze %dma_wait3A_201 : memref<1x64x128xf32, #tpu.memory_space<vmem>> -> memref<64x128xf32, #tpu.memory_space<vmem>>
    %dma_wait3A_203 = arith.constant 0 : i32
    %dma_wait3A_204 = tpu.memref_slice %arg5[%dma_wait3A_197, %dma_wait3A_198, %dma_wait3A_203] : memref<8x2x64xi32, #tpu.memory_space<vmem>> -> memref<1x1x64xi32, #tpu.memory_space<vmem>>
    %dma_wait3A_205 = tpu.memref_squeeze %dma_wait3A_204 : memref<1x1x64xi32, #tpu.memory_space<vmem>> -> memref<64xi32, #tpu.memory_space<vmem>>
    %dma_wait3A_206 = arith.constant 0 : i32
    %dma_wait3A_207 = arith.constant 0 : i32
    %dma_wait3A_208 = tpu.memref_slice %arg7[%dma_wait3A_206, %dma_wait3A_207] : memref<10240x128xf32, #tpu.memory_space<vmem_shared>> -> memref<10240x128xf32, #tpu.memory_space<vmem_shared>>
    tpu.wait_indirect_dma semaphore(%arg22 : memref<!tpu.dma_semaphore, #tpu.memory_space<semaphore_mem>>) src(%dma_wait3A_202 : memref<64x128xf32, #tpu.memory_space<vmem>>) dst(%dma_wait3A_208 : memref<10240x128xf32, #tpu.memory_space<vmem_shared>>)
    %dma_wait3A_209 = arith.constant 3 : i32
    %dma_wait3A_210 = arith.constant 3 : i32
    %dma_wait3A_211 = arith.constant 1 : i32
    %dma_wait3A_212 = arith.constant 0 : i32
    %dma_wait3A_213 = arith.constant 0 : i32
    %dma_wait3A_214 = tpu.memref_slice %arg6[%dma_wait3A_209, %dma_wait3A_212, %dma_wait3A_213] : memref<4x64x128xf32, #tpu.memory_space<vmem>> -> memref<1x64x128xf32, #tpu.memory_space<vmem>>
    %dma_wait3A_215 = tpu.memref_squeeze %dma_wait3A_214 : memref<1x64x128xf32, #tpu.memory_space<vmem>> -> memref<64x128xf32, #tpu.memory_space<vmem>>
    %dma_wait3A_216 = arith.constant 0 : i32
    %dma_wait3A_217 = tpu.memref_slice %arg5[%dma_wait3A_210, %dma_wait3A_211, %dma_wait3A_216] : memref<8x2x64xi32, #tpu.memory_space<vmem>> -> memref<1x1x64xi32, #tpu.memory_space<vmem>>
    %dma_wait3A_218 = tpu.memref_squeeze %dma_wait3A_217 : memref<1x1x64xi32, #tpu.memory_space<vmem>> -> memref<64xi32, #tpu.memory_space<vmem>>
    %dma_wait3A_219 = arith.constant 0 : i32
    %dma_wait3A_220 = arith.constant 0 : i32
    %dma_wait3A_221 = tpu.memref_slice %arg7[%dma_wait3A_219, %dma_wait3A_220] : memref<10240x128xf32, #tpu.memory_space<vmem_shared>> -> memref<10240x128xf32, #tpu.memory_space<vmem_shared>>
    tpu.wait_indirect_dma semaphore(%arg23 : memref<!tpu.dma_semaphore, #tpu.memory_space<semaphore_mem>>) src(%dma_wait3A_215 : memref<64x128xf32, #tpu.memory_space<vmem>>) dst(%dma_wait3A_221 : memref<10240x128xf32, #tpu.memory_space<vmem_shared>>)
    %dma_wait3A_222 = arith.constant 0 : i32
    %dma_wait3A_223 = arith.constant 4 : i32
    %dma_wait3A_224 = arith.constant 1 : i32
    %dma_wait3A_225 = arith.constant 0 : i32
    %dma_wait3A_226 = arith.constant 0 : i32
    %dma_wait3A_227 = tpu.memref_slice %arg6[%dma_wait3A_222, %dma_wait3A_225, %dma_wait3A_226] : memref<4x64x128xf32, #tpu.memory_space<vmem>> -> memref<1x64x128xf32, #tpu.memory_space<vmem>>
    %dma_wait3A_228 = tpu.memref_squeeze %dma_wait3A_227 : memref<1x64x128xf32, #tpu.memory_space<vmem>> -> memref<64x128xf32, #tpu.memory_space<vmem>>
    %dma_wait3A_229 = arith.constant 0 : i32
    %dma_wait3A_230 = tpu.memref_slice %arg5[%dma_wait3A_223, %dma_wait3A_224, %dma_wait3A_229] : memref<8x2x64xi32, #tpu.memory_space<vmem>> -> memref<1x1x64xi32, #tpu.memory_space<vmem>>
    %dma_wait3A_231 = tpu.memref_squeeze %dma_wait3A_230 : memref<1x1x64xi32, #tpu.memory_space<vmem>> -> memref<64xi32, #tpu.memory_space<vmem>>
    %dma_wait3A_232 = arith.constant 0 : i32
    %dma_wait3A_233 = arith.constant 0 : i32
    %dma_wait3A_234 = tpu.memref_slice %arg7[%dma_wait3A_232, %dma_wait3A_233] : memref<10240x128xf32, #tpu.memory_space<vmem_shared>> -> memref<10240x128xf32, #tpu.memory_space<vmem_shared>>
    tpu.wait_indirect_dma semaphore(%arg20 : memref<!tpu.dma_semaphore, #tpu.memory_space<semaphore_mem>>) src(%dma_wait3A_228 : memref<64x128xf32, #tpu.memory_space<vmem>>) dst(%dma_wait3A_234 : memref<10240x128xf32, #tpu.memory_space<vmem_shared>>)
    %barrier3A_235 = arith.constant 0 : index
    tpu.barrier barrier_id(%barrier3A_235)
    %mul3A_236 = arith.constant 640 : i32
    %mul3A_237 = arith.muli %arg1, %mul3A_236 : i32
    %mul3A_238 = arith.constant 640 : i32
    %mul3A_239 = arith.muli %arg1, %mul3A_238 : i32
    "tpu.region"() ({
      %run_scoped3A_240 = tpu.sem_alloc : memref<!tpu.dma_semaphore, #tpu.memory_space<semaphore_mem>>
      %dma_start3A_241 = arith.constant 0 : i32
      %dma_start3A_242 = tpu.memref_slice %arg4[%arg0, %mul3A_239, %dma_start3A_241] : memref<2x10240x128xf32, #tpu.memory_space<hbm>> -> memref<1x640x128xf32, #tpu.memory_space<hbm>>
      %dma_start3A_243 = tpu.memref_squeeze %dma_start3A_242 : memref<1x640x128xf32, #tpu.memory_space<hbm>> -> memref<640x128xf32, #tpu.memory_space<hbm>>
      %dma_start3A_244 = arith.constant 0 : i32
      %dma_start3A_245 = tpu.memref_slice %arg7[%mul3A_237, %dma_start3A_244] : memref<10240x128xf32, #tpu.memory_space<vmem_shared>> -> memref<640x128xf32, #tpu.memory_space<vmem_shared>>
      tpu.enqueue_dma source(%dma_start3A_245 : memref<640x128xf32, #tpu.memory_space<vmem_shared>>) target(%dma_start3A_243 : memref<640x128xf32, #tpu.memory_space<hbm>>) target_semaphore(%run_scoped3A_240 : memref<!tpu.dma_semaphore, #tpu.memory_space<semaphore_mem>>)
      %dma_wait3A_246 = arith.constant 0 : i32
      %dma_wait3A_247 = tpu.memref_slice %arg4[%arg0, %mul3A_239, %dma_wait3A_246] : memref<2x10240x128xf32, #tpu.memory_space<hbm>> -> memref<1x640x128xf32, #tpu.memory_space<hbm>>
      %dma_wait3A_248 = tpu.memref_squeeze %dma_wait3A_247 : memref<1x640x128xf32, #tpu.memory_space<hbm>> -> memref<640x128xf32, #tpu.memory_space<hbm>>
      %dma_wait3A_249 = arith.constant 0 : i32
      %dma_wait3A_250 = tpu.memref_slice %arg7[%mul3A_237, %dma_wait3A_249] : memref<10240x128xf32, #tpu.memory_space<vmem_shared>> -> memref<640x128xf32, #tpu.memory_space<vmem_shared>>
      tpu.wait_dma2 semaphore(%run_scoped3A_240 : memref<!tpu.dma_semaphore, #tpu.memory_space<semaphore_mem>>) src(%dma_wait3A_250 : memref<640x128xf32, #tpu.memory_space<vmem_shared>>) dst(%dma_wait3A_248 : memref<640x128xf32, #tpu.memory_space<hbm>>)
      tpu.yield
    }) : () -> ()
    return
  }
}

module attributes {stable_mosaic.version = 14 : i64} {
  func.func @_y_body(%arg0: i32, %arg1: memref<2048x128xf32, #tpu.memory_space<vmem>>, %arg2: memref<128x128xf32, #tpu.memory_space<vmem>>, %arg3: memref<2x2048xf32, #tpu.memory_space<vmem>>, %arg4: memref<2048x128xf32, #tpu.memory_space<vmem>>) attributes {dimension_semantics = [#tpu.dimension_semantics<arbitrary>], iteration_bounds = array<i64: 5>, scalar_prefetch = 0 : i64, scratch_operands = 0 : i64, tpu.core_type = #tpu.core_type<tc>, window_params = [{transform_indices = @transform_0, window_bounds = array<i64: 2048, 128>}, {pipeline_mode = #tpu.pipeline_mode<synchronous>, transform_indices = @transform_1, window_bounds = array<i64: 128, 128>}, {transform_indices = @transform_2, window_bounds = array<i64: 2, 2048>}, {transform_indices = @transform_3, window_bounds = array<i64: 2048, 128>}]} {
    %get3A = arith.constant 0 : index
    %get3A_0 = arith.constant 0 : index
    %get3A_1 = vector.load %arg1[%get3A, %get3A_0] : memref<2048x128xf32, #tpu.memory_space<vmem>>, vector<2048x128xf32>
    %get3A_2 = arith.constant 0 : index
    %get3A_3 = arith.constant 0 : index
    %get3A_4 = vector.load %arg2[%get3A_2, %get3A_3] : memref<128x128xf32, #tpu.memory_space<vmem>>, vector<128x128xf32>
    %dot_general3A = arith.constant dense<0.000000e+00> : vector<2048x128xf32>
    %dot_general3A_5 = tpu.matmul %get3A_1, %get3A_4, %dot_general3A {dimension_numbers = #tpu.dot_dimension_numbers<[1], [1], [0], [0], [0, 0, 1, 0], [], []>, transpose_lhs_hint = false} : vector<2048x128xf32>, vector<128x128xf32>, vector<2048x128xf32> -> vector<2048x128xf32>
    %get3A_6 = arith.constant 0 : index
    %get3A_7 = arith.constant 0 : index
    %get3A_8 = vector.load %arg3[%get3A_6, %get3A_7] : memref<2x2048xf32, #tpu.memory_space<vmem>>, vector<1x2048xf32>
    %get3A_9 = vector.shape_cast %get3A_8 : vector<1x2048xf32> to vector<2048xf32>
    %get3A_10 = arith.constant 1 : index
    %get3A_11 = arith.constant 0 : index
    %get3A_12 = vector.load %arg3[%get3A_10, %get3A_11] : memref<2x2048xf32, #tpu.memory_space<vmem>>, vector<1x2048xf32>
    %get3A_13 = vector.shape_cast %get3A_12 : vector<1x2048xf32> to vector<2048xf32>
    %add3A = arith.addf %get3A_9, %get3A_13 : vector<2048xf32>
    %add3A_14 = arith.constant 1.000000e+00 : f32
    %add3A_15 = vector.broadcast %add3A_14 : f32 to vector<2048xf32>
    %add3A_16 = arith.addf %add3A, %add3A_15 : vector<2048xf32>
    %rsqrt3A = math.rsqrt %add3A_16 : vector<2048xf32>
    %broadcast_in_dim3A = vector.shape_cast %rsqrt3A : vector<2048xf32> to vector<2048x1xf32>
    %mul3A = vector.broadcast %broadcast_in_dim3A : vector<2048x1xf32> to vector<2048x128xf32>
    %mul3A_17 = arith.mulf %dot_general3A_5, %mul3A : vector<2048x128xf32>
    %swap3A = arith.constant 0 : index
    %swap3A_18 = arith.constant 0 : index
    %swap3A_19 = vector.load %arg4[%swap3A, %swap3A_18] : memref<2048x128xf32, #tpu.memory_space<vmem>>, vector<2048x128xf32>
    tpu.vector_store %arg4[%swap3A, %swap3A_18], %mul3A_17 {strides = array<i32>} : memref<2048x128xf32, #tpu.memory_space<vmem>>, vector<2048x128xf32>,
    return
  }
  func.func @transform_0(%arg0: i32) -> (i32, i32) {
    %c0_i32 = arith.constant 0 : i32
    %c0_i32_0 = arith.constant 0 : i32
    return %arg0, %c0_i32 : i32, i32
  }
  func.func @transform_1(%arg0: i32) -> (i32, i32) {
    %c0_i32 = arith.constant 0 : i32
    %c0_i32_0 = arith.constant 0 : i32
    %c0_i32_1 = arith.constant 0 : i32
    return %c0_i32, %c0_i32_0 : i32, i32
  }
  func.func @transform_2(%arg0: i32) -> (i32, i32) {
    %c0_i32 = arith.constant 0 : i32
    %c0_i32_0 = arith.constant 0 : i32
    return %c0_i32, %arg0 : i32, i32
  }
  func.func @transform_3(%arg0: i32) -> (i32, i32) {
    %c0_i32 = arith.constant 0 : i32
    %c0_i32_0 = arith.constant 0 : i32
    return %arg0, %c0_i32 : i32, i32
  }
}

module attributes {stable_mosaic.version = 14 : i64} {
  func.func @_final_body(%arg0: i32, %arg1: memref<2x2000x128xf32, #tpu.memory_space<vmem>>, %arg2: memref<2000x128xf32, #tpu.memory_space<vmem>>, %arg3: memref<2000x2xf32, #tpu.memory_space<vmem>>, %arg4: memref<1x128xf32, #tpu.memory_space<vmem>>, %arg5: memref<2000x128xf32, #tpu.memory_space<vmem>>) attributes {dimension_semantics = [#tpu.dimension_semantics<arbitrary>], iteration_bounds = array<i64: 5>, scalar_prefetch = 0 : i64, scratch_operands = 0 : i64, tpu.core_type = #tpu.core_type<tc>, window_params = [{transform_indices = @transform_0, window_bounds = array<i64: 2, 2000, 128>}, {transform_indices = @transform_1, window_bounds = array<i64: 2000, 128>}, {transform_indices = @transform_2, window_bounds = array<i64: 2000, 2>}, {pipeline_mode = #tpu.pipeline_mode<synchronous>, transform_indices = @transform_3, window_bounds = array<i64: 1, 128>}, {transform_indices = @transform_4, window_bounds = array<i64: 2000, 128>}]} {
    %get3A = arith.constant 0 : index
    %get3A_0 = arith.constant 0 : index
    %get3A_1 = vector.load %arg3[%get3A, %get3A_0] : memref<2000x2xf32, #tpu.memory_space<vmem>>, vector<2000x1xf32>
    %get3A_2 = vector.shape_cast %get3A_1 : vector<2000x1xf32> to vector<2000xf32>
    %get3A_3 = arith.constant 0 : index
    %get3A_4 = arith.constant 1 : index
    %get3A_5 = vector.load %arg3[%get3A_3, %get3A_4] : memref<2000x2xf32, #tpu.memory_space<vmem>>, vector<2000x1xf32>
    %get3A_6 = vector.shape_cast %get3A_5 : vector<2000x1xf32> to vector<2000xf32>
    %add3A = arith.addf %get3A_2, %get3A_6 : vector<2000xf32>
    %add3A_7 = arith.constant 1.000000e+00 : f32
    %add3A_8 = vector.broadcast %add3A_7 : f32 to vector<2000xf32>
    %add3A_9 = arith.addf %add3A, %add3A_8 : vector<2000xf32>
    %rsqrt3A = math.rsqrt %add3A_9 : vector<2000xf32>
    %broadcast_in_dim3A = vector.shape_cast %rsqrt3A : vector<2000xf32> to vector<2000x1xf32>
    %get3A_10 = arith.constant 0 : index
    %get3A_11 = arith.constant 0 : index
    %get3A_12 = arith.constant 0 : index
    %get3A_13 = vector.load %arg1[%get3A_10, %get3A_11, %get3A_12] : memref<2x2000x128xf32, #tpu.memory_space<vmem>>, vector<1x2000x128xf32>
    %get3A_14 = vector.shape_cast %get3A_13 : vector<1x2000x128xf32> to vector<2000x128xf32>
    %get3A_15 = arith.constant 1 : index
    %get3A_16 = arith.constant 0 : index
    %get3A_17 = arith.constant 0 : index
    %get3A_18 = vector.load %arg1[%get3A_15, %get3A_16, %get3A_17] : memref<2x2000x128xf32, #tpu.memory_space<vmem>>, vector<1x2000x128xf32>
    %get3A_19 = vector.shape_cast %get3A_18 : vector<1x2000x128xf32> to vector<2000x128xf32>
    %add3A_20 = arith.addf %get3A_14, %get3A_19 : vector<2000x128xf32>
    %get3A_21 = arith.constant 0 : index
    %get3A_22 = arith.constant 0 : index
    %get3A_23 = vector.load %arg2[%get3A_21, %get3A_22] : memref<2000x128xf32, #tpu.memory_space<vmem>>, vector<2000x128xf32>
    %add3A_24 = arith.addf %add3A_20, %get3A_23 : vector<2000x128xf32>
    %mul3A = vector.broadcast %broadcast_in_dim3A : vector<2000x1xf32> to vector<2000x128xf32>
    %mul3A_25 = arith.mulf %mul3A, %add3A_24 : vector<2000x128xf32>
    %get3A_26 = arith.constant 0 : index
    %get3A_27 = arith.constant 0 : index
    %get3A_28 = vector.load %arg4[%get3A_26, %get3A_27] : memref<1x128xf32, #tpu.memory_space<vmem>>, vector<1x128xf32>
    %add3A_29 = vector.broadcast %get3A_28 : vector<1x128xf32> to vector<2000x128xf32>
    %add3A_30 = arith.addf %mul3A_25, %add3A_29 : vector<2000x128xf32>
    %swap3A = arith.constant 0 : index
    %swap3A_31 = arith.constant 0 : index
    %swap3A_32 = vector.load %arg5[%swap3A, %swap3A_31] : memref<2000x128xf32, #tpu.memory_space<vmem>>, vector<2000x128xf32>
    tpu.vector_store %arg5[%swap3A, %swap3A_31], %add3A_30 {strides = array<i32>} : memref<2000x128xf32, #tpu.memory_space<vmem>>, vector<2000x128xf32>,
    return
  }
  func.func @transform_0(%arg0: i32) -> (i32, i32, i32) {
    %c0_i32 = arith.constant 0 : i32
    %c0_i32_0 = arith.constant 0 : i32
    %c0_i32_1 = arith.constant 0 : i32
    return %c0_i32, %arg0, %c0_i32_0 : i32, i32, i32
  }
  func.func @transform_1(%arg0: i32) -> (i32, i32) {
    %c0_i32 = arith.constant 0 : i32
    %c0_i32_0 = arith.constant 0 : i32
    return %arg0, %c0_i32 : i32, i32
  }
  func.func @transform_2(%arg0: i32) -> (i32, i32) {
    %c0_i32 = arith.constant 0 : i32
    %c0_i32_0 = arith.constant 0 : i32
    return %arg0, %c0_i32 : i32, i32
  }
  func.func @transform_3(%arg0: i32) -> (i32, i32) {
    %c0_i32 = arith.constant 0 : i32
    %c0_i32_0 = arith.constant 0 : i32
    %c0_i32_1 = arith.constant 0 : i32
    return %c0_i32, %c0_i32_0 : i32, i32
  }
  func.func @transform_4(%arg0: i32) -> (i32, i32) {
    %c0_i32 = arith.constant 0 : i32
    %c0_i32_0 = arith.constant 0 : i32
    return %arg0, %c0_i32 : i32, i32
  }
}

</mosaic_0001>

<sc_bundles>
// kernel: kernel.6.cloned.1.call-start
scs
__scs_entry_jumppad:
0x0: {  	(pc) =	sbr.rel $0x88, $3  }
0x1: {  	(tag) =	ssettag $0x0;
	lr =	simm.s32 $0x1  }
0x2: {  	[smem:$0x3F9D] =	sst lr;
	_ =	strace $0xD0000000  }
0x3: {  	_ = 	snop  }
0x4: {  	_ = 	snop  }
0x5: {  	_ = 	snop  }
0x6: {  	_ = 	snop  }
0x7: {  	_ = 	snop  }
__scs_overlays_trampoline_lowered:
0x8: {  	[smem:$0x3FAC] =	sst s0  }
0x9: {  	[smem:$0x3FAD] =	sst s1  }
0xa: {  	[smem:$0x3FAE] =	sst s2  }
0xb: {  	[smem:$0x3FAF] =	sst s3  }
0xc: {  	[smem:$0x3FB0] =	sst s4  }
0xd: {  	[smem:$0x3FB1] =	sst s5  }
0xe: {  	[smem:$0x3FB2] =	sst s6  }
0xf: {  	[smem:$0x3FB3] =	sst s7  }
0x10: {  	[smem:$0x3FB4] =	sst s8  }
0x11: {  	[smem:$0x3FB5] =	sst s9;
	s0 =	simm.s32 @!p0 $0x0  }
0x12: {  	s1 =	sld [smem:$0x3F9B];
	s0 =	simm.s32 @p0 $0x1  }
0x13: {  	[smem:$0x3FB6] =	sst s0;
	s0 =	simm.s32 @!p1 $0x0  }
0x14: {  	s2 =	sld [smem:$0x3F9A];
	s0 =	simm.s32 @p1 $0x1  }
0x15: {  	[smem:$0x3FB7] =	sst s0;
	s0 =	simm.s32 @!p2 $0x0  }
0x16: {  	s3 =	sld [smem:$0x3FDB];
	s0 =	simm.s32 @p2 $0x1  }
0x17: {  	s4 =	simm.s32 $0x1BF5;
	[smem:$0x3FB9] =	sst s0  }
0x18: {  	s0 =	sld [smem:$0x3F9C];
	_ =	swait.ge [sflag:s4], $0x0  }
0x19: {  	s7 =	sld [smem:$0x3F9D]  }
0x1a: {  	s8 =	sadd.s32 $0xFFFFE003, lr  }
0x1b: {  	s9 =	sadd.s32 $0xFFFFFEF7, lr;
	s5 =	simm.s32 $0xFFFFFFFF;
	p2 =	slt.u32 s8, $0xFFFFF086  }
0x1c: {  	p1 =	slt.u32 s9, $0xF7A;
	s5 =	simm.s32 @!p2 $0x0  }
0x1d: {  	s5 =	simm.s32 @p1 $0x1;
	p0 =	seq.s32 s7, s2  }
0x1e: {  	s7 =	smul.u32 @!p0 $0xF7A, s2;
	p2 =	seq.s32 @!p0 s5, $0x0  }
0x1f: {  	s9 =	smul.u32 $0xF7A, s1;
	s8 =	simm.s32 @!p0 $0x1BF5;
	p2 =	por !p2, p0  }
0x20: {  	[sflag:s8] =	ssyncset.s32 @!p0 $0xFFFFF086;
	s6 =	sadd.s32 @!p0 s3, s7;
	s7 =	simm.s32 @!p0 $0x108  }
0x21: {  	s3 =	sadd.s32 s3, s9;
	s6 =	sadd.s32 @!p0 $0x88, s6;
	s7 =	simm.s32 @p2 $0x1082  }
0x22: {  	[simem:s7], [sflag:s8] =	dma.local @!p0 [hbm:s6], $0xF7A  }
0x23: {  	s9 =	sor.u32 $0xD0000000, s2;
	s6 =	simm.s32 $0x108;
	_ =	swait.ge @!p0 [sflag:s8], $0x0  }
0x24: {  	s3 =	sadd.s32 $0x88, s3;
	s6 =	simm.s32 @!p1 $0x1082;
	[sflag:s4] =	ssyncset.s32 $0xFFFFF086  }
0x25: {  	[simem:s6], [sflag:s4] =	dma.local [hbm:s3], $0xF7A  }
0x26: {  	[smem:$0x3F9D] =	sst s1;
	(tag) =	ssettag s2;
	_ =	strace s9  }
0x27: {  	s1 =	sld [smem:$0x3FAD]  }
0x28: {  	s2 =	sld [smem:$0x3FAE]  }
0x29: {  	s4 =	sld [smem:$0x3FB0]  }
0x2a: {  	p0 =	seq.s32 s5, $0x0;
	s5 =	sld [smem:$0x3FB1]  }
0x2b: {  	s6 =	sld [smem:$0x3FB2]  }
0x2c: {  	s7 =	sld [smem:$0x3FB3]  }
0x2d: {  	s3 =	simm.s32 $0x108;
	s8 =	sld [smem:$0x3FB4]  }
0x2e: {  	s3 =	simm.s32 @!p0 $0x1082;
	s9 =	sld [smem:$0x3FB5]  }
0x2f: {  	lr =	sadd.s32 s0, s3;
	s0 =	sld [smem:$0x3FAC]  }
0x30: {  	s3 =	sld [smem:$0x3FAF]  }
0x31: {  	[smem:$0x3FB8] =	sst s10  }
0x32: {  	s10 =	sld [smem:$0x3FB6];
	_ =	sdelay $0x3  }
0x33: {  	p0 =	seq.s32 s10, $0x1;
	s10 =	sld [smem:$0x3FB8];
	_ =	sdelay $0x3  }
0x34: {  	[smem:$0x3FB8] =	sst s10  }
0x35: {  	s10 =	sld [smem:$0x3FB7];
	_ =	sdelay $0x3  }
0x36: {  	p1 =	seq.s32 s10, $0x1;
	s10 =	sld [smem:$0x3FB8];
	_ =	sdelay $0x3  }
0x37: {  	[smem:$0x3FB8] =	sst s10  }
0x38: {  	s10 =	sld [smem:$0x3FB9]  }
0x39: {  	_ = 	snop;
	(pc) =	sbr.ind lr, $3  }
0x3a: {  	_ = 	snop  }
0x3b: {  	_ = 	snop  }
0x3c: {  	p2 =	seq.s32 s10, $0x1;
	s10 =	sld [smem:$0x3FB8]  }
0x3d: {  	_ =	shalt  }
0x3e: {  	_ =	shalt  }
0x3f: {  	_ =	shalt  }
0x40: {  	_ =	shalt  }
0x41: {  	_ =	shalt  }
0x42: {  	_ =	shalt  }
0x43: {  	_ =	shalt  }
0x44: {  	_ =	shalt  }
0x45: {  	_ =	shalt  }
0x46: {  	_ =	shalt  }
0x47: {  	_ =	shalt  }
0x48: {  	_ =	shalt  }
0x49: {  	_ =	shalt  }
0x4a: {  	_ =	shalt  }
0x4b: {  	_ =	shalt  }
0x4c: {  	_ =	shalt  }
0x4d: {  	_ =	shalt  }
0x4e: {  	_ =	shalt  }
0x4f: {  	_ =	shalt  }
0x50: {  	_ =	shalt  }
0x51: {  	_ =	shalt  }
0x52: {  	_ =	shalt  }
0x53: {  	_ =	shalt  }
0x54: {  	_ =	shalt  }
0x55: {  	_ =	shalt  }
0x56: {  	_ =	shalt  }
0x57: {  	_ =	shalt  }
0x58: {  	_ =	shalt  }
0x59: {  	_ =	shalt  }
0x5a: {  	_ =	shalt  }
0x5b: {  	_ =	shalt  }
0x5c: {  	_ =	shalt  }
0x5d: {  	_ =	shalt  }
0x5e: {  	_ =	shalt  }
0x5f: {  	_ =	shalt  }
0x60: {  	_ =	shalt  }
0x61: {  	_ =	shalt  }
0x62: {  	_ =	shalt  }
0x63: {  	_ =	shalt  }
0x64: {  	_ =	shalt  }
0x65: {  	_ =	shalt  }
0x66: {  	_ =	shalt  }
0x67: {  	_ =	shalt  }
0x68: {  	_ =	shalt  }
0x69: {  	_ =	shalt  }
0x6a: {  	_ =	shalt  }
0x6b: {  	_ =	shalt  }
0x6c: {  	_ =	shalt  }
0x6d: {  	_ =	shalt  }
0x6e: {  	_ =	shalt  }
0x6f: {  	_ =	shalt  }
0x70: {  	_ =	shalt  }
0x71: {  	_ =	shalt  }
0x72: {  	_ =	shalt  }
0x73: {  	_ =	shalt  }
0x74: {  	_ =	shalt  }
0x75: {  	_ =	shalt  }
0x76: {  	_ =	shalt  }
0x77: {  	_ =	shalt  }
0x78: {  	_ =	shalt  }
0x79: {  	_ =	shalt  }
0x7a: {  	_ =	shalt  }
0x7b: {  	_ =	shalt  }
0x7c: {  	_ =	shalt  }
0x7d: {  	_ =	shalt  }
0x7e: {  	_ =	shalt  }
0x7f: {  	_ =	shalt  }
0x80: {  	_ =	shalt  }
0x81: {  	_ =	shalt  }
0x82: {  	_ =	shalt  }
0x83: {  	_ =	shalt  }
0x84: {  	_ =	shalt  }
0x85: {  	_ =	shalt  }
0x86: {  	_ =	shalt  }
0x87: {  	_ =	shalt  }
.Lfunc_end0:
.L_simem_size_0:
called_computation_lowered:
.L_overlay_start_0:
0x88: {  	s2 =	sld [smem:$0x3FD9]  }
0x89: {  	s3 =	sld [smem:$0x3FFE];
	_ =	sdelay $0x1  }
0x8a: {  	s1 =	srdreg.scid  }
0x8b: {  	s0 =	sand.u32 $0x1, s1  }
0x8c: {  	s17 =	sshll.u32 s0, $0xA;
	s2 =	sadd.s32 s3, s2  }
0x8d: {  	s2 =	sadd.s32 s2, s17  }
0x8e: {  	[smem:$0x3FC4] =	sst s2  }
0x8f: {  	_ = 	snop  }
0x90: {  	s2 =	sld [smem:$0x3FD0];
	(tm) =	ssettm $0x1  }
0x91: {  	s18 =	sld [smem:$0x3FFB];
	_ =	sdelay $0x3  }
0x92: {  	_ =	strace s18  }
0x93: {  	s3 =	sld [smem:$0x3FFC];
	_ =	sdelay $0x3  }
0x94: {  	_ =	strace s3  }
0x95: {  	s3 =	sld [smem:$0x3FFD];
	_ =	sdelay $0x3  }
0x96: {  	_ =	strace s3  }
0x97: {  	_ =	strace $0x8FFFFFFF  }
0x98: {  	s19 =	sld [smem:$0x3FDB];
	_ =	sdelay $0x1  }
0x99: {  	s4 =	simm.s32 $_scs_section_size  }
0x9a: {  	s5 =	simm.s32 $_size__tile_overlayer_lowered;
	s6 =	simm.s32 $_tile_overlayer_lowered  }
0x9b: {  	s22 =	simm.s32 $0x1BFF;
	s21 =	sshll.u32 s6, $0x1;
	s3 =	sadd.s32 s4, s19  }
0x9c: {  	s7 =	simm.s32 $0x0;
	s20 =	sshll.u32 s5, $0x1;
	s5 =	sadd.s32 s21, s3  }
0x9d: {  	[timem:s7], [sflag:s22] =	dma.local [hbm:s5], s20  }
0x9e: {  	_ =	swait.ge [sflag:s22], s20  }
0x9f: {  	s4 =	ssub.s32 $0x0, s20;
	[sflag:s22] =	ssyncset.done $0x0  }
0xa0: {  	[sflag:s22] =	ssyncadd.s32 s4;
	_ =	sdelay $0x1  }
0xa1: {  	s23 =	simm.s32 $0x1B8B  }
0xa2: {  	_ =	swait.ge [sflag:s23], $0x1  }
0xa3: {  	[sflag:s23] =	ssyncset.done $0x0  }
0xa4: {  	s25 =	simm.s32 $0x1B8E;
	s24 =	sld [smem:$0x3FFE];
	[sflag:s23] =	ssyncadd.s32 $0xFFFFFFFF  }
0xa5: {  	s26 =	simm.s32 $execute0_lowered;
	[smem:$0x3FD2] =	sst s25  }
0xa6: {  	s5 =	sshll.u32 s26, $0x1;
	_ =	strace $0x80000046;
	[dreg:$0x1] =	wrdreg $0xFFFFFFFF  }
0xa7: {  	s28 =	simm.s32 $_size_execute0_lowered;
	s3 =	sadd.s32 s3, s5;
	[dreg:$0x0] =	wrdreg $0x0  }
0xa8: {  	s5 =	sshll.u32 s28, $0x1;
	[dreg:$0x2] =	wrdreg s3  }
0xa9: {  	[dreg:$0x3] =	wrdreg s5  }
0xaa: {  	[dreg:$0x4] =	wrdreg $0xC0  }
0xab: {  	_ =	task [dreg:s7], $0x5FFFF  }
0xac: {  	[dreg:$0x1] =	wrdreg $0xFFFFFFFF  }
0xad: {  	[dreg:$0x0] =	wrdreg $0x60  }
0xae: {  	[dreg:$0x2] =	wrdreg s2  }
0xaf: {  	[dreg:$0x3] =	wrdreg s24  }
0xb0: {  	[dreg:$0x4] =	wrdreg $0x53000  }
0xb1: {  	[dreg:$0x5] =	wrdreg $0x9  }
0xb2: {  	_ =	task.clear_ibuf [dreg:s7], $0x6FFFF;
	_ =	strace $0x90000046  }
0xb3: {  	s29 =	simm.s32 $0x9;
	_ =	strace $0x80000048  }
0xb4: {  	_ =	swait.ge [sflag:s29], $0x1  }
0xb5: {  	[sflag:s29] =	ssyncadd.s32 $0xFFFFFFFF  }
0xb6: {  	_ =	strace $0x90000048  }
0xb7: {  	_ =	sfence  }
0xb8: {  	s30 =	sld [smem:$0x0];
	_ =	sdelay $0x2  }
0xb9: {  	s31 =	sshll.u32 s1, $0xD;
	s1 =	sshrl.u32 s1, $0x2  }
0xba: {  	s3 =	sand.u32 $0x4000, s31;
	s1 =	sadd.s32 s1, s30  }
0xbb: {  	s0 =	sor.u32 s3, s0;
	s1 =	sshll.u32 s1, $0x11  }
0xbc: {  	s0 =	sor.u32 s1, s0  }
0xbd: {  	s0 =	sadd.s32 $0x8F2B, s0  }
0xbe: {  	[sflag:s0] =	ssyncadd.remote.s32 $0x1  }
0xbf: {  	_ =	sfence.sel $0xFFFF  }
0xc0: {  	[dreg:$0x0] =	wrdreg $0xFFFFFFFF;
	(pc) =	sbr.abs _section_cstart, $3  }
0xc1: {  	[dreg:$0x1] =	wrdreg $0xFFFFFFFF  }
0xc2: {  	_ =	task.clear_ibuf [dreg:s7], $0x2FFFF;
	_ =	strace $0x9FFFFFFF  }
0xc3: {  	(tm) =	ssettm $0x7FFFFFFF  }
tec
execute0_lowered:
.L_overlay_start_1:
0x0: {  	(tag) =	ssettag $0x1  }
0x1: {  	s5 =	rddreg [dreg:$0x0]  }
0x2: {  	s4 =	rddreg [dreg:$0x1]  }
0x3: {  	s2 =	rddreg [dreg:$0x2]  }
0x4: {  	s0 =	rddreg [dreg:$0x3];
	s6 =	srdreg.scid  }
0x5: {  	s1 =	stileid.u32;
	s3 =	simm.s32 $0x0;
	s11 =	simm.s32 $0x5000  }
0x6: {  	s12 =	simm.s32 $0x80;
	s13 =	simm.s32 $0x100;
	s14 =	simm.s32 $0x180  }
0x7: {  	s15 =	simm.s32 $0x1;
	s16 =	simm.s32 $0x2;
	s17 =	simm.s32 $0x3  }
0x8: {  	s18 =	simm.s32 $0x4;
	s21 =	simm.s32 $0x20;
	s22 =	simm.s32 $0x10  }
0x9: {  	s23 =	simm.s32 $0x0;
	s6 =	sand.u32 $0x1, s6;
	s7 =	smul.u32 $0x500, s1  }
0xa: {  	[smem:$0x7FF] =	sst s3;
	s9 =	smul.u32 $0xA00, s1;
	s19 =	sshll.u32 s1, $0x6  }
0xb: {  	s8 =	sshll.u32 s6, $0x7;
	_ =	strace $0x80000047;
	s30 =	sshll.u32 s6, $0x4  }
0xc: {  	s6 =	ssub.s32 $0x2, s6;
	s19 =	sor.u32 $0x1C05, s19;
	s7 =	sor.u32 s8, s7  }
0xd: {  	s8 =	sor.u32 s1, s30;
	s10 =	sshrl.u32 s6, $0x1;
	s31 =	sshrl.u32 s9, $0x2  }
0xe: {  	s9 =	simm.s32 $0x5;
	s7 =	sshrl.u32 s7, $0x3;
	s8 =	smul.u32 $0xA00, s8  }
0xf: {  	s10 =	ssub.s32 s6, s10;
	s7 =	sadd.s32 s7, s4;
	s4 =	sadd.s32 s31, s2  }
0x10: {  	s5 =	sadd.s32 s5, s8;
	s6 =	sadd.s32 $0x1600, s7;
	s7 =	smax.u32 s10, $0x1  }
0x11: {  	v0 =	vimm.f32 $1.000000000e+00;
	v1 =	vimm.f32 $0.0e+00;
	s8 =	simm.s32 $0x5080;
	s10 =	simm.s32 $0x40;
	s20 =	sshrl.u32 s4, $0x3  }
.LBB2_1:
0x12: {  	[tilespmem:$0x5000] =	vst v0  }
0x13: {  	[tilespmem:$0x5010] =	vst v0  }
0x14: {  	[tilespmem:$0x5020] =	vst v0  }
0x15: {  	[tilespmem:$0x5030] =	vst v0  }
0x16: {  	[tilespmem:$0x5080] =	vst v1  }
0x17: {  	[tilespmem:$0x5090] =	vst v1  }
0x18: {  	[tilespmem:$0x50A0] =	vst v1  }
0x19: {  	[tilespmem:$0x50B0] =	vst v1  }
0x1a: {  	[tilespmem:$0x50C0] =	vst v1  }
0x1b: {  	[tilespmem:$0x50D0] =	vst v1  }
0x1c: {  	[tilespmem:$0x50E0] =	vst v1  }
0x1d: {  	[tilespmem:$0x50F0] =	vst v1  }
0x1e: {  	[tilespmem:$0x5100] =	vst v1  }
0x1f: {  	[tilespmem:$0x5110] =	vst v1  }
0x20: {  	[tilespmem:$0x5120] =	vst v1  }
0x21: {  	[tilespmem:$0x5130] =	vst v1  }
0x22: {  	[tilespmem:$0x5140] =	vst v1  }
0x23: {  	[tilespmem:$0x5150] =	vst v1  }
0x24: {  	[tilespmem:$0x5160] =	vst v1  }
0x25: {  	[tilespmem:$0x5170] =	vst v1  }
0x26: {  	[tilespmem:$0x5180] =	vst v1  }
0x27: {  	[tilespmem:$0x5190] =	vst v1  }
0x28: {  	[tilespmem:$0x51A0] =	vst v1  }
0x29: {  	[tilespmem:$0x51B0] =	vst v1  }
0x2a: {  	[tilespmem:$0x51C0] =	vst v1  }
0x2b: {  	[tilespmem:$0x51D0] =	vst v1  }
0x2c: {  	[tilespmem:$0x51E0] =	vst v1  }
0x2d: {  	[tilespmem:$0x51F0] =	vst v1  }
0x2e: {  	[tilespmem:$0x5200] =	vst v1  }
0x2f: {  	[tilespmem:$0x5210] =	vst v1  }
0x30: {  	[tilespmem:$0x5220] =	vst v1  }
0x31: {  	[tilespmem:$0x5230] =	vst v1  }
0x32: {  	[tilespmem:$0x5240] =	vst v1  }
0x33: {  	[tilespmem:$0x5250] =	vst v1  }
0x34: {  	[tilespmem:$0x5260] =	vst v1  }
0x35: {  	[tilespmem:$0x5270] =	vst v1  }
0x36: {  	[tilespmem:$0x5280] =	vst v1  }
0x37: {  	[tilespmem:$0x5290] =	vst v1  }
0x38: {  	[tilespmem:$0x52A0] =	vst v1  }
0x39: {  	[tilespmem:$0x52B0] =	vst v1  }
0x3a: {  	[tilespmem:$0x52C0] =	vst v1  }
0x3b: {  	[tilespmem:$0x52D0] =	vst v1  }
0x3c: {  	[tilespmem:$0x52E0] =	vst v1  }
0x3d: {  	[tilespmem:$0x52F0] =	vst v1  }
0x3e: {  	[spmem:s4] =	stream.linear.scatter [tilespmem:s8], [sflag:$0x5], $0x280, $0x38;
	[tilespmem:$0x5580] =	vst v63  }
0x3f: {  	_ =	swait.ge [sflag:s9], $0x280  }
0x40: {  	[sflag:s9] =	ssyncset.done $0x0  }
0x41: {  	[sflag:s9] =	ssyncadd.s32 $0xFFFFFD80  }
0x42: {  	[bflag:$0x0] =	sbarrier.arrive $0xFFFF  }
0x43: {  	[tilespmem:s3], [sflag:$0x5] =	stream.linear.gather [hbm4b:s5+s3], $0x4E80, $0x38;
	[tilespmem:$0x5580] =	vst v63  }
0x44: {  	_ =	swait.ge [sflag:s9], $0x4E80  }
0x45: {  	[sflag:s9] =	ssyncset.done $0x0  }
0x46: {  	[sflag:s9] =	ssyncadd.s32 $0xFFFFB180  }
0x47: {  	[spmem:s2] =	stream.indirect.scatter.add.f32 [tilespmem:s11], [sflag:$0x1], $0x1, s3, s10, $0xb8;
	[tilespmem:$0x5580] =	vst v63  }
0x48: {  	_ = 	snop  }
0x49: {  	[spmem:s2] =	stream.indirect.scatter.add.f32 [tilespmem:s11], [sflag:$0x2], $0x1, s12, s10, $0xb8;
	[tilespmem:$0x5580] =	vst v63  }
0x4a: {  	_ = 	snop  }
0x4b: {  	[spmem:s2] =	stream.indirect.scatter.add.f32 [tilespmem:s11], [sflag:$0x3], $0x1, s13, s10, $0xb8;
	[tilespmem:$0x5580] =	vst v63  }
0x4c: {  	s24 =	simm.s32 $0x200;
	s25 =	simm.s32 $0x4  }
0x4d: {  	[spmem:s2] =	stream.indirect.scatter.add.f32 [tilespmem:s11], [sflag:$0x4], $0x1, s14, s10, $0xb8;
	[tilespmem:$0x5580] =	vst v63  }
.LBB2_2:
0x4e: {  	s26 =	sand.u32 $0x3, s25  }
0x4f: {  	p0 =	sgt.s32 s26, $0x1  }
0x50: {  	p1 =	seq.s32 @p0 s26, $0x2  }
0x51: {  	p2 =	seq.s32 @!p0 s26, $0x0;
	p1 =	por !p1, !p0  }
0x52: {  	s26 =	simm.s32 $0x1;
	p2 =	por !p2, p0;
	s28 =	simm.s32 @!p1 $0x3  }
0x53: {  	s25 =	sadd.s32 $0x1, s25;
	s26 =	simm.s32 @p2 $0x2;
	s28 =	simm.s32 @p1 $0x4  }
0x54: {  	s26 =	smov.u32 @p0 s28;
	p0 =	sne.s32 s25, $0x9D  }
.Ltmp0:
0x55: {  	_ =	swait.ge [sflag:s26], $0x40;
	(pc) =	sbr.rel @p0 .LBB2_2-.Ltmp0, $4  }
0x56: {  	[sflag:s26] =	ssyncset.done $0x0  }
0x57: {  	[sflag:s26] =	ssyncadd.s32 $0xFFFFFFC0  }
0x58: {  	[spmem:s2] =	stream.indirect.scatter.add.f32 [tilespmem:s11], [sflag:s26], $0x1, s24, s10, $0xb8;
	[tilespmem:$0x5580] =	vst v63  }
0x59: {  	s24 =	sadd.s32 $0x80, s24  }
0x5a: {  	_ =	swait.ge [sflag:s16], $0x40  }
0x5b: {  	[sflag:s16] =	ssyncset.done $0x0  }
0x5c: {  	[sflag:s16] =	ssyncadd.s32 $0xFFFFFFC0  }
0x5d: {  	_ =	swait.ge [sflag:s17], $0x40  }
0x5e: {  	[sflag:s17] =	ssyncset.done $0x0  }
0x5f: {  	[sflag:s17] =	ssyncadd.s32 $0xFFFFFFC0  }
0x60: {  	_ =	swait.ge [sflag:s18], $0x40  }
0x61: {  	[sflag:s18] =	ssyncset.done $0x0  }
0x62: {  	[sflag:s18] =	ssyncadd.s32 $0xFFFFFFC0  }
0x63: {  	_ =	swait.ge [sflag:s15], $0x40  }
0x64: {  	s23 =	sadd.s32 $0x1, s23;
	[sflag:s15] =	ssyncset.done $0x0  }
0x65: {  	p0 =	sne.s32 s23, s7;
	[sflag:s15] =	ssyncadd.s32 $0xFFFFFFC0  }
.Ltmp1:
0x66: {  	[bflag:$0x0] =	sbarrier.arrive $0xFFFF;
	(pc) =	sbr.rel @p0 .LBB2_1-.Ltmp1, $4  }
0x67: {  	[hbm:s6@s21], [sflag:s19] =	dma.strided [spmem:s20@s22], $0x50, s15, $0x10   }
0x68: {  	_ =	swait.ge [sflag:s9], $0x50  }
0x69: {  	[sflag:s9] =	ssyncset.done $0x0  }
0x6a: {  	[sflag:s9] =	ssyncadd.s32 $0xFFFFFFB0  }
0x6b: {  	_ =	sfence.sel $0x180000  }
0x6c: {  	[bflag:$0x0] =	sbarrier.arrive $0xFFFF  }
0x6d: {  	p0 =	sne.s32 s1, $0x0;
	_ =	strace $0x90000047  }
0x6e: {  	s0 =	sadd.s32 @!p0 $0x100000, s0;
	[bflag:$0x2] =	sbarrier.arrive $0xFFFF  }
0x6f: {  	[sflag:s0] =	ssyncadd.tile.s32 @!p0 $0x1;
	_ =	shalt  }
.Lfunc_end2:
_tile_overlayer_lowered:
.L_overlay_start_2:
0x70: {  	(tag) =	ssettag $0x2  }
0x71: {  	s0 =	rddreg [dreg:$0x0];
	s2 =	stileid.u32  }
0x72: {  	s1 =	rddreg [dreg:$0x1];
	p0 =	sne.s32 s2, $0x0  }
0x73: {  	s3 =	rddreg [dreg:$0x2];
	[bflag:$0x3] =	sbarrier.arrive $0xFFFF;
	s2 =	simm.s32 @!p0 $0x1C05  }
0x74: {  	[timem:s3], [sflag:s2] =	dma.local @!p0 [hbm:s0], s1  }
0x75: {  	s0 =	simm.s32 @!p0 $0x5  }
0x76: {  	_ =	swait.ge @!p0 [sflag:s0], s1  }
0x77: {  	s1 =	ssub.s32 @!p0 $0x0, s1;
	[sflag:s0] =	ssyncset.done @!p0 $0x0  }
0x78: {  	[sflag:s0] =	ssyncadd.s32 @!p0 s1  }
0x79: {  	[bflag:$0x3] =	sbarrier.arrive $0xFFFF  }
0x7a: {  	_ =	shalt  }

// kernel: kernel.9.cloned.1.call-start
scs
__scs_entry_jumppad:
0x0: {  	(pc) =	sbr.rel $0x88, $3  }
0x1: {  	(tag) =	ssettag $0x0;
	lr =	simm.s32 $0x1  }
0x2: {  	[smem:$0x3F9D] =	sst lr;
	_ =	strace $0xD0000000  }
0x3: {  	_ = 	snop  }
0x4: {  	_ = 	snop  }
0x5: {  	_ = 	snop  }
0x6: {  	_ = 	snop  }
0x7: {  	_ = 	snop  }
__scs_overlays_trampoline_lowered:
0x8: {  	[smem:$0x3FAC] =	sst s0  }
0x9: {  	[smem:$0x3FAD] =	sst s1  }
0xa: {  	[smem:$0x3FAE] =	sst s2  }
0xb: {  	[smem:$0x3FAF] =	sst s3  }
0xc: {  	[smem:$0x3FB0] =	sst s4  }
0xd: {  	[smem:$0x3FB1] =	sst s5  }
0xe: {  	[smem:$0x3FB2] =	sst s6  }
0xf: {  	[smem:$0x3FB3] =	sst s7  }
0x10: {  	[smem:$0x3FB4] =	sst s8  }
0x11: {  	[smem:$0x3FB5] =	sst s9;
	s0 =	simm.s32 @!p0 $0x0  }
0x12: {  	s1 =	sld [smem:$0x3F9B];
	s0 =	simm.s32 @p0 $0x1  }
0x13: {  	[smem:$0x3FB6] =	sst s0;
	s0 =	simm.s32 @!p1 $0x0  }
0x14: {  	s2 =	sld [smem:$0x3F9A];
	s0 =	simm.s32 @p1 $0x1  }
0x15: {  	[smem:$0x3FB7] =	sst s0;
	s0 =	simm.s32 @!p2 $0x0  }
0x16: {  	s3 =	sld [smem:$0x3FDB];
	s0 =	simm.s32 @p2 $0x1  }
0x17: {  	s4 =	simm.s32 $0x1BF5;
	[smem:$0x3FB9] =	sst s0  }
0x18: {  	s0 =	sld [smem:$0x3F9C];
	_ =	swait.ge [sflag:s4], $0x0  }
0x19: {  	s7 =	sld [smem:$0x3F9D]  }
0x1a: {  	s8 =	sadd.s32 $0xFFFFE003, lr  }
0x1b: {  	s9 =	sadd.s32 $0xFFFFFEF7, lr;
	s5 =	simm.s32 $0xFFFFFFFF;
	p2 =	slt.u32 s8, $0xFFFFF086  }
0x1c: {  	p1 =	slt.u32 s9, $0xF7A;
	s5 =	simm.s32 @!p2 $0x0  }
0x1d: {  	s5 =	simm.s32 @p1 $0x1;
	p0 =	seq.s32 s7, s2  }
0x1e: {  	s7 =	smul.u32 @!p0 $0xF7A, s2;
	p2 =	seq.s32 @!p0 s5, $0x0  }
0x1f: {  	s9 =	smul.u32 $0xF7A, s1;
	s8 =	simm.s32 @!p0 $0x1BF5;
	p2 =	por !p2, p0  }
0x20: {  	[sflag:s8] =	ssyncset.s32 @!p0 $0xFFFFF086;
	s6 =	sadd.s32 @!p0 s3, s7;
	s7 =	simm.s32 @!p0 $0x108  }
0x21: {  	s3 =	sadd.s32 s3, s9;
	s6 =	sadd.s32 @!p0 $0x88, s6;
	s7 =	simm.s32 @p2 $0x1082  }
0x22: {  	[simem:s7], [sflag:s8] =	dma.local @!p0 [hbm:s6], $0xF7A  }
0x23: {  	s9 =	sor.u32 $0xD0000000, s2;
	s6 =	simm.s32 $0x108;
	_ =	swait.ge @!p0 [sflag:s8], $0x0  }
0x24: {  	s3 =	sadd.s32 $0x88, s3;
	s6 =	simm.s32 @!p1 $0x1082;
	[sflag:s4] =	ssyncset.s32 $0xFFFFF086  }
0x25: {  	[simem:s6], [sflag:s4] =	dma.local [hbm:s3], $0xF7A  }
0x26: {  	[smem:$0x3F9D] =	sst s1;
	(tag) =	ssettag s2;
	_ =	strace s9  }
0x27: {  	s1 =	sld [smem:$0x3FAD]  }
0x28: {  	s2 =	sld [smem:$0x3FAE]  }
0x29: {  	s4 =	sld [smem:$0x3FB0]  }
0x2a: {  	p0 =	seq.s32 s5, $0x0;
	s5 =	sld [smem:$0x3FB1]  }
0x2b: {  	s6 =	sld [smem:$0x3FB2]  }
0x2c: {  	s7 =	sld [smem:$0x3FB3]  }
0x2d: {  	s3 =	simm.s32 $0x108;
	s8 =	sld [smem:$0x3FB4]  }
0x2e: {  	s3 =	simm.s32 @!p0 $0x1082;
	s9 =	sld [smem:$0x3FB5]  }
0x2f: {  	lr =	sadd.s32 s0, s3;
	s0 =	sld [smem:$0x3FAC]  }
0x30: {  	s3 =	sld [smem:$0x3FAF]  }
0x31: {  	[smem:$0x3FB8] =	sst s10  }
0x32: {  	s10 =	sld [smem:$0x3FB6];
	_ =	sdelay $0x3  }
0x33: {  	p0 =	seq.s32 s10, $0x1;
	s10 =	sld [smem:$0x3FB8];
	_ =	sdelay $0x3  }
0x34: {  	[smem:$0x3FB8] =	sst s10  }
0x35: {  	s10 =	sld [smem:$0x3FB7];
	_ =	sdelay $0x3  }
0x36: {  	p1 =	seq.s32 s10, $0x1;
	s10 =	sld [smem:$0x3FB8];
	_ =	sdelay $0x3  }
0x37: {  	[smem:$0x3FB8] =	sst s10  }
0x38: {  	s10 =	sld [smem:$0x3FB9]  }
0x39: {  	_ = 	snop;
	(pc) =	sbr.ind lr, $3  }
0x3a: {  	_ = 	snop  }
0x3b: {  	_ = 	snop  }
0x3c: {  	p2 =	seq.s32 s10, $0x1;
	s10 =	sld [smem:$0x3FB8]  }
0x3d: {  	_ =	shalt  }
0x3e: {  	_ =	shalt  }
0x3f: {  	_ =	shalt  }
0x40: {  	_ =	shalt  }
0x41: {  	_ =	shalt  }
0x42: {  	_ =	shalt  }
0x43: {  	_ =	shalt  }
0x44: {  	_ =	shalt  }
0x45: {  	_ =	shalt  }
0x46: {  	_ =	shalt  }
0x47: {  	_ =	shalt  }
0x48: {  	_ =	shalt  }
0x49: {  	_ =	shalt  }
0x4a: {  	_ =	shalt  }
0x4b: {  	_ =	shalt  }
0x4c: {  	_ =	shalt  }
0x4d: {  	_ =	shalt  }
0x4e: {  	_ =	shalt  }
0x4f: {  	_ =	shalt  }
0x50: {  	_ =	shalt  }
0x51: {  	_ =	shalt  }
0x52: {  	_ =	shalt  }
0x53: {  	_ =	shalt  }
0x54: {  	_ =	shalt  }
0x55: {  	_ =	shalt  }
0x56: {  	_ =	shalt  }
0x57: {  	_ =	shalt  }
0x58: {  	_ =	shalt  }
0x59: {  	_ =	shalt  }
0x5a: {  	_ =	shalt  }
0x5b: {  	_ =	shalt  }
0x5c: {  	_ =	shalt  }
0x5d: {  	_ =	shalt  }
0x5e: {  	_ =	shalt  }
0x5f: {  	_ =	shalt  }
0x60: {  	_ =	shalt  }
0x61: {  	_ =	shalt  }
0x62: {  	_ =	shalt  }
0x63: {  	_ =	shalt  }
0x64: {  	_ =	shalt  }
0x65: {  	_ =	shalt  }
0x66: {  	_ =	shalt  }
0x67: {  	_ =	shalt  }
0x68: {  	_ =	shalt  }
0x69: {  	_ =	shalt  }
0x6a: {  	_ =	shalt  }
0x6b: {  	_ =	shalt  }
0x6c: {  	_ =	shalt  }
0x6d: {  	_ =	shalt  }
0x6e: {  	_ =	shalt  }
0x6f: {  	_ =	shalt  }
0x70: {  	_ =	shalt  }
0x71: {  	_ =	shalt  }
0x72: {  	_ =	shalt  }
0x73: {  	_ =	shalt  }
0x74: {  	_ =	shalt  }
0x75: {  	_ =	shalt  }
0x76: {  	_ =	shalt  }
0x77: {  	_ =	shalt  }
0x78: {  	_ =	shalt  }
0x79: {  	_ =	shalt  }
0x7a: {  	_ =	shalt  }
0x7b: {  	_ =	shalt  }
0x7c: {  	_ =	shalt  }
0x7d: {  	_ =	shalt  }
0x7e: {  	_ =	shalt  }
0x7f: {  	_ =	shalt  }
0x80: {  	_ =	shalt  }
0x81: {  	_ =	shalt  }
0x82: {  	_ =	shalt  }
0x83: {  	_ =	shalt  }
0x84: {  	_ =	shalt  }
0x85: {  	_ =	shalt  }
0x86: {  	_ =	shalt  }
0x87: {  	_ =	shalt  }
.Lfunc_end0:
.L_simem_size_0:
called_computation.1_lowered:
.L_overlay_start_0:
0x88: {  	s2 =	sld [smem:$0x3FD9]  }
0x89: {  	s3 =	sld [smem:$0x3FFE];
	_ =	sdelay $0x1  }
0x8a: {  	s1 =	srdreg.scid  }
0x8b: {  	s0 =	sand.u32 $0x1, s1  }
0x8c: {  	s16 =	sshll.u32 s0, $0xA;
	s2 =	sadd.s32 s3, s2  }
0x8d: {  	s2 =	sadd.s32 s2, s16  }
0x8e: {  	[smem:$0x3FC4] =	sst s2  }
0x8f: {  	_ = 	snop  }
0x90: {  	(tm) =	ssettm $0x1  }
0x91: {  	s17 =	sld [smem:$0x3FFB];
	_ =	sdelay $0x3  }
0x92: {  	_ =	strace s17  }
0x93: {  	s2 =	sld [smem:$0x3FFC];
	_ =	sdelay $0x3  }
0x94: {  	_ =	strace s2  }
0x95: {  	s2 =	sld [smem:$0x3FFD];
	_ =	sdelay $0x3  }
0x96: {  	_ =	strace s2  }
0x97: {  	_ =	strace $0x8FFFFFFF  }
0x98: {  	s18 =	sld [smem:$0x3FDB];
	_ =	sdelay $0x1  }
0x99: {  	s19 =	simm.s32 $_scs_section_size  }
0x9a: {  	s4 =	simm.s32 $_size__tile_overlayer_lowered;
	s5 =	simm.s32 $_tile_overlayer_lowered  }
0x9b: {  	s22 =	simm.s32 $0x1BFF;
	s21 =	sshll.u32 s5, $0x1;
	s2 =	sadd.s32 s19, s18  }
0x9c: {  	s6 =	simm.s32 $0x0;
	s20 =	sshll.u32 s4, $0x1;
	s4 =	sadd.s32 s21, s2  }
0x9d: {  	[timem:s6], [sflag:s22] =	dma.local [hbm:s4], s20  }
0x9e: {  	_ =	swait.ge [sflag:s22], s20  }
0x9f: {  	s3 =	ssub.s32 $0x0, s20;
	[sflag:s22] =	ssyncset.done $0x0  }
0xa0: {  	[sflag:s22] =	ssyncadd.s32 s3;
	_ =	sdelay $0x1  }
0xa1: {  	s23 =	simm.s32 $0x1B8B  }
0xa2: {  	_ =	swait.ge [sflag:s23], $0x1  }
0xa3: {  	[sflag:s23] =	ssyncset.done $0x0  }
0xa4: {  	s25 =	simm.s32 $0x1B8E;
	s24 =	sld [smem:$0x3FFE];
	[sflag:s23] =	ssyncadd.s32 $0xFFFFFFFF  }
0xa5: {  	s26 =	simm.s32 $execute0_lowered;
	[smem:$0x3FD2] =	sst s25  }
0xa6: {  	s4 =	sshll.u32 s26, $0x1;
	_ =	strace $0x80000049;
	[dreg:$0x1] =	wrdreg $0xFFFFFFFF  }
0xa7: {  	s28 =	simm.s32 $_size_execute0_lowered;
	s2 =	sadd.s32 s2, s4;
	[dreg:$0x0] =	wrdreg $0x0  }
0xa8: {  	s4 =	sshll.u32 s28, $0x1;
	[dreg:$0x2] =	wrdreg s2  }
0xa9: {  	[dreg:$0x3] =	wrdreg s4  }
0xaa: {  	[dreg:$0x4] =	wrdreg $0xC0  }
0xab: {  	_ =	task [dreg:s6], $0x5FFFF  }
0xac: {  	[dreg:$0x1] =	wrdreg $0xFFFFFFFF  }
0xad: {  	[dreg:$0x0] =	wrdreg $0x60  }
0xae: {  	[dreg:$0x2] =	wrdreg s24  }
0xaf: {  	[dreg:$0x3] =	wrdreg $0x88000  }
0xb0: {  	[dreg:$0x4] =	wrdreg $0x9  }
0xb1: {  	_ =	task.clear_ibuf [dreg:s6], $0x5FFFF;
	_ =	strace $0x90000049  }
0xb2: {  	s29 =	simm.s32 $0x9;
	_ =	strace $0x8000004B  }
0xb3: {  	_ =	swait.ge [sflag:s29], $0x1  }
0xb4: {  	[sflag:s29] =	ssyncadd.s32 $0xFFFFFFFF  }
0xb5: {  	_ =	strace $0x9000004B  }
0xb6: {  	_ =	sfence  }
0xb7: {  	s30 =	sld [smem:$0x0];
	_ =	sdelay $0x2  }
0xb8: {  	s31 =	sshll.u32 s1, $0xD;
	s1 =	sshrl.u32 s1, $0x2  }
0xb9: {  	s3 =	sand.u32 $0x4000, s31;
	s1 =	sadd.s32 s1, s30  }
0xba: {  	s0 =	sor.u32 s3, s0;
	s1 =	sshll.u32 s1, $0x11  }
0xbb: {  	s0 =	sor.u32 s1, s0  }
0xbc: {  	s0 =	sadd.s32 $0x8F2B, s0  }
0xbd: {  	[sflag:s0] =	ssyncadd.remote.s32 $0x1  }
0xbe: {  	_ =	sfence.sel $0xFFFF  }
0xbf: {  	[dreg:$0x0] =	wrdreg $0xFFFFFFFF;
	(pc) =	sbr.abs _section_cstart, $3  }
0xc0: {  	[dreg:$0x1] =	wrdreg $0xFFFFFFFF  }
0xc1: {  	_ =	task.clear_ibuf [dreg:s6], $0x2FFFF;
	_ =	strace $0x9FFFFFFF  }
0xc2: {  	(tm) =	ssettm $0x7FFFFFFF  }
0xc3: {  	_ =	shalt  }
tec
execute0_lowered:
.L_overlay_start_1:
0x0: {  	(tag) =	ssettag $0x1  }
0x1: {  	s0 =	rddreg [dreg:$0x0];
	s1 =	srdreg.scid  }
0x2: {  	s2 =	rddreg [dreg:$0x1];
	s9 =	stileid.u32;
	s5 =	simm.s32 $0x0  }
0x3: {  	s30 =	simm.s32 $0x1;
	s31 =	simm.s32 $0x40;
	s4 =	smul.u32 $0x14000, s9  }
0x4: {  	s28 =	simm.s32 $0xC;
	s29 =	simm.s32 $0x380;
	s10 =	smul.u32 $0x50000, s9  }
0x5: {  	s1 =	sand.u32 $0x1, s1;
	[smem:$0x7FF] =	sst s5;
	s19 =	smul.u32 $0x9D00, s9  }
0x6: {  	s6 =	sadd.s32 $0x2000, s0;
	s3 =	smul.u32 $0x140000, s1;
	_ =	strace $0x8000004A  }
0x7: {  	s11 =	ssub.s32 $0x2, s1;
	s8 =	sshll.u32 s1, $0x4;
	s5 =	sshrl.u32 s10, $0x2  }
0x8: {  	s1 =	smul.u32 $0x9D000, s1;
	s7 =	sshrl.u32 s11, $0x1;
	s5 =	sadd.s32 s5, s2  }
0x9: {  	s12 =	sor.u32 s9, s8;
	s8 =	simm.s32 $0xD;
	s13 =	sadd.s32 $0x2000, s5  }
0xa: {  	s9 =	simm.s32 $0x9;
	s14 =	sadd.s32 $0x4000, s5;
	[dreg:$0x3] =	wrdreg s13  }
0xb: {  	s10 =	simm.s32 $0x480;
	s15 =	sadd.s32 $0x6000, s5;
	[dreg:$0x4] =	wrdreg s14  }
0xc: {  	s3 =	sadd.s32 s4, s3;
	s16 =	sadd.s32 $0x8000, s5;
	[dreg:$0x5] =	wrdreg s15  }
0xd: {  	s4 =	sadd.s32 $0x29400, s0;
	s17 =	sadd.s32 $0xA000, s5;
	[dreg:$0x6] =	wrdreg s16  }
0xe: {  	s1 =	sadd.s32 s19, s1;
	s18 =	sadd.s32 $0xC000, s5;
	[dreg:$0x7] =	wrdreg s17  }
0xf: {  	s3 =	sshrl.u32 s3, $0x3;
	s20 =	sadd.s32 $0xE000, s5;
	[dreg:$0x8] =	wrdreg s18  }
0x10: {  	s21 =	sadd.s32 $0x10000, s5;
	s22 =	sadd.s32 $0x12000, s5;
	[dreg:$0x9] =	wrdreg s20  }
0x11: {  	s1 =	sadd.s32 $0x500, s1;
	s0 =	sadd.s32 s3, s0;
	[dreg:$0xa] =	wrdreg s21  }
0x12: {  	s3 =	ssub.s32 s11, s7;
	s7 =	smul.u32 $0x9D00, s12;
	[dreg:$0xb] =	wrdreg s22  }
0x13: {  	s1 =	sshrl.u32 s1, $0x3;
	s11 =	simm.s32 $0xA;
	s12 =	simm.s32 $0x580  }
0x14: {  	s13 =	simm.s32 $0x2800;
	s14 =	simm.s32 $0x0;
	s0 =	sadd.s32 $0x51400, s0  }
0x15: {  	s26 =	smax.u32 s3, $0x1;
	s17 =	sadd.s32 s1, s6;
	s7 =	sshrl.u32 s7, $0x3  }
0x16: {  	s1 =	simm.s32 $0x6800;
	[dreg:$0x10] =	wrdreg s0;
	s15 =	sadd.s32 s6, s7  }
0x17: {  	s3 =	simm.s32 $0xE;
	[dreg:$0x11] =	wrdreg s26;
	s7 =	sadd.s32 $0x20, s15  }
.Ltmp0:
0x18: {  	s23 =	sadd.s32 $0x40, s15;
	[dreg:$0xc] =	wrdreg s7;
	(pc) =	sbr.rel .LBB2_1-.Ltmp0, $4  }
0x19: {  	s0 =	simm.s32 $0xB;
	s24 =	sadd.s32 $0x60, s15;
	[dreg:$0xd] =	wrdreg s23  }
0x1a: {  	s26 =	simm.s32 $0x4800;
	s25 =	sadd.s32 $0x80, s15;
	[dreg:$0xe] =	wrdreg s24  }
0x1b: {  	s6 =	simm.s32 $0xF;
	[dreg:$0xf] =	wrdreg s25;
	s23 =	simm.s32 $0x800  }
0x1c: {  	v0 =	vimm.f32 $0.0e+00;
	s24 =	simm.s32 $0x11;
	s25 =	simm.s32 $0x280;
	s7 =	simm.s32 $0x10  }
.LBB2_17:
0x1d: {  	_ =	swait.ge [sflag:s3], $0x2000  }
0x1e: {  	[sflag:s3] =	ssyncset.done $0x0  }
0x1f: {  	[sflag:s3] =	ssyncadd.s32 $0xFFFFE000  }
0x20: {  	_ =	swait.ge [sflag:s6], $0x2000  }
0x21: {  	[sflag:s6] =	ssyncset.done $0x0  }
0x22: {  	[sflag:s6] =	ssyncadd.s32 $0xFFFFE000  }
0x23: {  	_ =	swait.ge [sflag:s7], $0x2000  }
0x24: {  	[sflag:s7] =	ssyncset.done $0x0  }
0x25: {  	[sflag:s7] =	ssyncadd.s32 $0xFFFFE000  }
0x26: {  	_ =	swait.ge [sflag:s8], $0x2000  }
0x27: {  	[sflag:s8] =	ssyncset.done $0x0  }
0x28: {  	s16 =	stileid.u32;
	[sflag:s8] =	ssyncadd.s32 $0xFFFFE000  }
0x29: {  	s16 =	sshll.u32 s16, $0x6;
	[bflag:$0x0] =	sbarrier.arrive $0xFFFF  }
0x2a: {  	s18 =	sshrl.u32 s5, $0x3;
	s16 =	sor.u32 $0x1C11, s16;
	s19 =	rddreg [dreg:$0x10]  }
0x2b: {  	[hbm:s19], [sflag:s16] =	dma.local [spmem:s18], $0x2800  }
0x2c: {  	_ =	swait.ge [sflag:s24], $0x2800  }
0x2d: {  	s14 =	sadd.s32 $0x1, s14;
	s22 =	rddreg [dreg:$0x11]  }
0x2e: {  	p0 =	sne.s32 s14, s22  }
.Ltmp1:
0x2f: {  	_ = 	snop;
	(pc) =	sbr.rel @!p0 .LBB2_18-.Ltmp1, $3  }
0x30: {  	_ =	sdelay $0x1  }
0x31: {  	[sflag:s24] =	ssyncset.done $0x0  }
0x32: {  	[sflag:s24] =	ssyncadd.s32 $0xFFFFD800  }
.LBB2_1:
0x33: {  	s18 =	simm.s32 $0x0  }
0x34: {  	s16 =	sand.u32 $0x7E00, s18  }
0x35: {  	s18 =	sand.u32 $0x70, s18;
	s22 =	sshrl.u32 s16, $0x2  }
0x36: {  	s16 =	simm.s32 $0x40;
	s22 =	sor.u32 s18, s22;
	s18 =	simm.s32 $0x0  }
.LBB2_2:
0x37: {  	p0 =	sne.s32 s16, $0x7FC0  }
0x38: {  	[tilespmem:s22+$0x800] =	vst v0;
	s18 =	sadd.s32 $0x10, s18;
	s22 =	smov.u32 s16;
	s16 =	sadd.s32 $0x40, s16  }
.Ltmp2:
0x39: {  	(pc) =	sbr.rel @p0 .LBB2_2-.Ltmp2, $4  }
0x3a: {  	_ = 	snop  }
0x3b: {  	s22 =	sand.u32 $0x7E00, s22  }
0x3c: {  	s19 =	sand.u32 $0x70, s18;
	s22 =	sshrl.u32 s22, $0x2  }
0x3d: {  	s22 =	sor.u32 s19, s22  }
0x3e: {  	[tilespmem:s22+$0x800] =	vst v0  }
0x3f: {  	[spmem:s5] =	stream.linear.scatter [tilespmem:s23], [sflag:$0x11], $0x2000, $0x38;
	[tilespmem:$0x1C800] =	vst v63  }
0x40: {  	_ =	swait.ge [sflag:s24], $0x2000  }
0x41: {  	[sflag:s24] =	ssyncset.done $0x0  }
0x42: {  	s16 =	rddreg [dreg:$0x3];
	[sflag:s24] =	ssyncadd.s32 $0xFFFFE000  }
0x43: {  	[spmem:s16] =	stream.linear.scatter [tilespmem:s23], [sflag:$0x11], $0x2000, $0x38;
	[tilespmem:$0x1C800] =	vst v63  }
0x44: {  	_ =	swait.ge [sflag:s24], $0x2000  }
0x45: {  	[sflag:s24] =	ssyncset.done $0x0  }
0x46: {  	s18 =	rddreg [dreg:$0x4];
	[sflag:s24] =	ssyncadd.s32 $0xFFFFE000  }
0x47: {  	[spmem:s18] =	stream.linear.scatter [tilespmem:s23], [sflag:$0x11], $0x2000, $0x38;
	[tilespmem:$0x1C800] =	vst v63  }
0x48: {  	_ =	swait.ge [sflag:s24], $0x2000  }
0x49: {  	[sflag:s24] =	ssyncset.done $0x0  }
0x4a: {  	s19 =	rddreg [dreg:$0x5];
	[sflag:s24] =	ssyncadd.s32 $0xFFFFE000  }
0x4b: {  	[spmem:s19] =	stream.linear.scatter [tilespmem:s23], [sflag:$0x11], $0x2000, $0x38;
	[tilespmem:$0x1C800] =	vst v63  }
0x4c: {  	_ =	swait.ge [sflag:s24], $0x2000  }
0x4d: {  	[sflag:s24] =	ssyncset.done $0x0  }
0x4e: {  	s20 =	rddreg [dreg:$0x6];
	[sflag:s24] =	ssyncadd.s32 $0xFFFFE000  }
0x4f: {  	[spmem:s20] =	stream.linear.scatter [tilespmem:s23], [sflag:$0x11], $0x2000, $0x38;
	[tilespmem:$0x1C800] =	vst v63  }
0x50: {  	_ =	swait.ge [sflag:s24], $0x2000  }
0x51: {  	[sflag:s24] =	ssyncset.done $0x0  }
0x52: {  	s21 =	rddreg [dreg:$0x7];
	[sflag:s24] =	ssyncadd.s32 $0xFFFFE000  }
0x53: {  	[spmem:s21] =	stream.linear.scatter [tilespmem:s23], [sflag:$0x11], $0x2000, $0x38;
	[tilespmem:$0x1C800] =	vst v63  }
0x54: {  	_ =	swait.ge [sflag:s24], $0x2000  }
0x55: {  	[sflag:s24] =	ssyncset.done $0x0  }
0x56: {  	s22 =	rddreg [dreg:$0x8];
	[sflag:s24] =	ssyncadd.s32 $0xFFFFE000  }
0x57: {  	[spmem:s22] =	stream.linear.scatter [tilespmem:s23], [sflag:$0x11], $0x2000, $0x38;
	[tilespmem:$0x1C800] =	vst v63  }
0x58: {  	_ =	swait.ge [sflag:s24], $0x2000  }
0x59: {  	[sflag:s24] =	ssyncset.done $0x0  }
0x5a: {  	s18 =	rddreg [dreg:$0x9];
	[sflag:s24] =	ssyncadd.s32 $0xFFFFE000  }
0x5b: {  	[spmem:s18] =	stream.linear.scatter [tilespmem:s23], [sflag:$0x11], $0x2000, $0x38;
	[tilespmem:$0x1C800] =	vst v63  }
0x5c: {  	_ =	swait.ge [sflag:s24], $0x2000  }
0x5d: {  	[sflag:s24] =	ssyncset.done $0x0  }
0x5e: {  	s19 =	rddreg [dreg:$0xa];
	[sflag:s24] =	ssyncadd.s32 $0xFFFFE000  }
0x5f: {  	[spmem:s19] =	stream.linear.scatter [tilespmem:s23], [sflag:$0x11], $0x2000, $0x38;
	[tilespmem:$0x1C800] =	vst v63  }
0x60: {  	_ =	swait.ge [sflag:s24], $0x2000  }
0x61: {  	[sflag:s24] =	ssyncset.done $0x0  }
0x62: {  	s20 =	rddreg [dreg:$0xb];
	[sflag:s24] =	ssyncadd.s32 $0xFFFFE000  }
0x63: {  	[spmem:s20] =	stream.linear.scatter [tilespmem:s23], [sflag:$0x11], $0x2000, $0x38;
	[tilespmem:$0x1C800] =	vst v63  }
0x64: {  	_ =	swait.ge [sflag:s24], $0x2000  }
0x65: {  	[sflag:s24] =	ssyncset.done $0x0  }
0x66: {  	[sflag:s24] =	ssyncadd.s32 $0xFFFFE000  }
0x67: {  	s16 =	simm.s32 $0x0;
	[bflag:$0x0] =	sbarrier.arrive $0xFFFF  }
0x68: {  	[tilespmem:s16], [sflag:$0x1] =	stream.linear.gather [hbm4b:s15+s16], $0x100, $0x38;
	[tilespmem:$0x1C800] =	vst v63  }
0x69: {  	s19 =	simm.s32 $0x100;
	s18 =	rddreg [dreg:$0xc]  }
0x6a: {  	[tilespmem:s19], [sflag:$0x2] =	stream.linear.gather [hbm4b:s18+s16], $0x100, $0x38;
	[tilespmem:$0x1C800] =	vst v63  }
0x6b: {  	s22 =	simm.s32 $0x200;
	s21 =	rddreg [dreg:$0xd]  }
0x6c: {  	[tilespmem:s22], [sflag:$0x3] =	stream.linear.gather [hbm4b:s21+s16], $0x100, $0x38;
	[tilespmem:$0x1C800] =	vst v63  }
0x6d: {  	s20 =	simm.s32 $0x300;
	s19 =	rddreg [dreg:$0xe]  }
0x6e: {  	[tilespmem:s20], [sflag:$0x4] =	stream.linear.gather [hbm4b:s19+s16], $0x100, $0x38;
	[tilespmem:$0x1C800] =	vst v63  }
0x6f: {  	s21 =	rddreg [dreg:$0xf];
	s22 =	simm.s32 $0x400  }
0x70: {  	[tilespmem:s22], [sflag:$0x5] =	stream.linear.gather [hbm4b:s21+s16], $0x100, $0x38;
	[tilespmem:$0x1C800] =	vst v63  }
.Ltmp3:
0x71: {  	_ = 	snop;
	(pc) =	sbr.rel .LBB2_4-.Ltmp3, $4  }
0x72: {  	_ =	swait.ge [sflag:s30], $0x100  }
0x73: {  	[sflag:s30] =	ssyncset.done $0x0  }
0x74: {  	s22 =	smov.u32 s17;
	[sflag:s30] =	ssyncadd.s32 $0xFFFFFF00  }
0x75: {  	[tilespmem:s23], [sflag:$0x9] =	stream.indirect.gather [hbm4b:s4+s31], $0x80, s16, s31, $0xb8;
	[tilespmem:$0x1C800] =	vst v63  }
.LBB2_15:
0x76: {  	p0 =	seq.s32 s16, $0x9C  }
0x77: {  	s18 =	simm.s32 @!p0 $0x6  }
0x78: {  	p1 =	slt.u32 @!p0 s16, $0x3;
	_ =	swait.ge @!p0 [sflag:s18], $0x100  }
0x79: {  	p1 =	por p1, p0;
	[sflag:s18] =	ssyncset.done @!p0 $0x0  }
0x7a: {  	[sflag:s18] =	ssyncadd.s32 @!p0 $0xFFFFFF00;
	s18 =	simm.s32 @!p1 $0xE  }
0x7b: {  	_ =	swait.ge @!p1 [sflag:s18], $0x2000  }
0x7c: {  	s19 =	simm.s32 @!p0 $0x500;
	[sflag:s18] =	ssyncset.done @!p1 $0x0  }
0x7d: {  	s20 =	simm.s32 @!p0 $0x2800;
	[sflag:s18] =	ssyncadd.s32 @!p1 $0xFFFFE000;
	s18 =	simm.s32 @!p0 $0x40  }
0x7e: {  	[tilespmem:s20], [sflag:$0xA] =	stream.indirect.gather @!p0 [hbm4b:s4+s18], $0x80, s19, s18, $0xb8;
	[tilespmem:$0x1C800] =	vst v63  }
0x7f: {  	_ =	swait.ge [sflag:s9], $0x2000  }
0x80: {  	[sflag:s9] =	ssyncset.done $0x0  }
0x81: {  	p0 =	sgt.u32 s16, $0x97;
	[sflag:s9] =	ssyncadd.s32 $0xFFFFE000  }
0x82: {  	[spmem:s2] =	stream.indirect.scatter.add.f32 [tilespmem:s23], [sflag:$0xD], $0x80, s10, s31, $0xb8;
	[tilespmem:$0x1C800] =	vst v63  }
0x83: {  	s18 =	simm.s32 @!p0 $0x0;
	s19 =	simm.s32 @!p0 $0x100  }
0x84: {  	[tilespmem:s19], [sflag:$0x2] =	stream.linear.gather @!p0 [hbm4b:s22+s18], $0x100, $0x38;
	[tilespmem:$0x1C800] =	vst v63  }
.LBB2_16:
0x85: {  	s16 =	sadd.s32 $0x1, s16  }
0x86: {  	p0 =	sne.s32 s16, $0x9D  }
.Ltmp4:
0x87: {  	_ = 	snop;
	(pc) =	sbr.rel @!p0 .LBB2_17-.Ltmp4, $2  }
0x88: {  	_ =	sdelay $0x2  }
0x89: {  	s22 =	sadd.s32 $0x20, s22  }
.LBB2_4:
0x8a: {  	s18 =	sand.u32 $0x7, s16  }
0x8b: {  	p0 =	sgt.s32 s18, $0x3  }
.Ltmp5:
0x8c: {  	_ = 	snop;
	(pc) =	sbr.rel @p0 .LBB2_7-.Ltmp5, $1  }
0x8d: {  	_ =	sdelay $0x3  }
0x8e: {  	p0 =	sgt.s32 s18, $0x1  }
.Ltmp6:
0x8f: {  	_ = 	snop;
	(pc) =	sbr.rel @p0 .LBB2_11-.Ltmp6, $1  }
0x90: {  	_ =	sdelay $0x3  }
0x91: {  	p0 =	seq.s32 s18, $0x0  }
0x92: {  	p2 =	seq.s32 @p0 s16, $0x9C  }
0x93: {  	p1 =	por p2, !p0  }
0x94: {  	s18 =	simm.s32 @!p1 $0x2;
	p3 =	slt.u32 @!p1 s16, $0x3  }
0x95: {  	_ =	swait.ge @!p1 [sflag:s18], $0x100;
	p2 =	por @p0 p3, p2  }
0x96: {  	[sflag:s18] =	ssyncset.done @!p1 $0x0;
	p2 =	por p2, !p0  }
0x97: {  	[sflag:s18] =	ssyncadd.s32 @!p1 $0xFFFFFF00;
	s18 =	simm.s32 @!p2 $0xE  }
0x98: {  	_ =	swait.ge @!p2 [sflag:s18], $0x2000  }
0x99: {  	s19 =	simm.s32 @!p1 $0x100;
	[sflag:s18] =	ssyncset.done @!p2 $0x0  }
0x9a: {  	s20 =	simm.s32 @!p1 $0x2800;
	[sflag:s18] =	ssyncadd.s32 @!p2 $0xFFFFE000;
	s18 =	simm.s32 @!p1 $0x40  }
0x9b: {  	[tilespmem:s20], [sflag:$0xA] =	stream.indirect.gather @!p1 [hbm4b:s4+s18], $0x80, s19, s18, $0xb8;
	[tilespmem:$0x1C800] =	vst v63  }
0x9c: {  	s18 =	simm.s32 @p0 $0x9  }
0x9d: {  	s19 =	simm.s32 @p0 $0x80;
	_ =	swait.ge @p0 [sflag:s18], $0x2000  }
0x9e: {  	s20 =	simm.s32 @p0 $0x800;
	p1 =	sgt.u32 @p0 s16, $0x97;
	[sflag:s18] =	ssyncset.done @p0 $0x0  }
0x9f: {  	p1 =	por p1, !p0;
	[sflag:s18] =	ssyncadd.s32 @p0 $0xFFFFE000;
	s18 =	simm.s32 @p0 $0x40  }
0xa0: {  	[spmem:s2] =	stream.indirect.scatter.add.f32 @p0 [tilespmem:s20], [sflag:$0xD], $0x80, s19, s18, $0xb8;
	[tilespmem:$0x1C800] =	vst v63  }
0xa1: {  	p2 =	seq.s32 @!p0 s16, $0x9C;
	s18 =	simm.s32 @!p1 $0x0;
	s19 =	simm.s32 @!p1 $0x500  }
0xa2: {  	[tilespmem:s19], [sflag:$0x6] =	stream.linear.gather @!p1 [hbm4b:s22+s18], $0x100, $0x38;
	[tilespmem:$0x1C800] =	vst v63  }
0xa3: {  	p1 =	por p2, p0  }
0xa4: {  	s18 =	simm.s32 @!p1 $0x3;
	p3 =	slt.u32 @!p1 s16, $0x3  }
0xa5: {  	_ =	swait.ge @!p1 [sflag:s18], $0x100;
	p2 =	por @!p0 p3, p2  }
0xa6: {  	[sflag:s18] =	ssyncset.done @!p1 $0x0;
	p2 =	por p2, p0  }
0xa7: {  	[sflag:s18] =	ssyncadd.s32 @!p1 $0xFFFFFF00;
	s18 =	simm.s32 @!p2 $0xF  }
0xa8: {  	_ =	swait.ge @!p2 [sflag:s18], $0x2000  }
0xa9: {  	s19 =	simm.s32 @!p1 $0x200;
	[sflag:s18] =	ssyncset.done @!p2 $0x0  }
0xaa: {  	s20 =	simm.s32 @!p1 $0x4800;
	[sflag:s18] =	ssyncadd.s32 @!p2 $0xFFFFE000;
	s18 =	simm.s32 @!p1 $0x40  }
0xab: {  	[tilespmem:s20], [sflag:$0xB] =	stream.indirect.gather @!p1 [hbm4b:s4+s18], $0x80, s19, s18, $0xb8;
	[tilespmem:$0x1C800] =	vst v63  }
0xac: {  	s18 =	simm.s32 @!p0 $0xA  }
0xad: {  	s19 =	simm.s32 @!p0 $0x180;
	_ =	swait.ge @!p0 [sflag:s18], $0x2000  }
0xae: {  	s20 =	simm.s32 @!p0 $0x2800;
	p1 =	sgt.u32 @!p0 s16, $0x97;
	[sflag:s18] =	ssyncset.done @!p0 $0x0  }
.Ltmp7:
0xaf: {  	[sflag:s18] =	ssyncadd.s32 @!p0 $0xFFFFE000;
	s18 =	simm.s32 @!p0 $0x40;
	(pc) =	sbr.rel .LBB2_16-.Ltmp7, $4  }
0xb0: {  	[spmem:s2] =	stream.indirect.scatter.add.f32 @!p0 [tilespmem:s20], [sflag:$0xE], $0x80, s19, s18, $0xb8;
	[tilespmem:$0x1C800] =	vst v63  }
0xb1: {  	p0 =	por p1, p0  }
0xb2: {  	s18 =	simm.s32 @!p0 $0x0;
	s19 =	simm.s32 @!p0 $0x600  }
0xb3: {  	[tilespmem:s19], [sflag:$0x7] =	stream.linear.gather @!p0 [hbm4b:s22+s18], $0x100, $0x38;
	[tilespmem:$0x1C800] =	vst v63  }
.LBB2_7:
0xb4: {  	p0 =	sgt.s32 s18, $0x5  }
.Ltmp8:
0xb5: {  	_ = 	snop;
	(pc) =	sbr.rel @p0 .LBB2_10-.Ltmp8, $1  }
0xb6: {  	_ =	sdelay $0x3  }
0xb7: {  	p0 =	seq.s32 s18, $0x4  }
.Ltmp9:
0xb8: {  	_ = 	snop;
	(pc) =	sbr.rel @p0 .LBB2_15-.Ltmp9, $1  }
0xb9: {  	_ =	sdelay $0x3  }
0xba: {  	p0 =	seq.s32 s16, $0x9C  }
0xbb: {  	s18 =	simm.s32 @!p0 $0x7  }
0xbc: {  	p1 =	slt.u32 @!p0 s16, $0x3;
	_ =	swait.ge @!p0 [sflag:s18], $0x100  }
0xbd: {  	p1 =	por p1, p0;
	[sflag:s18] =	ssyncset.done @!p0 $0x0  }
0xbe: {  	[sflag:s18] =	ssyncadd.s32 @!p0 $0xFFFFFF00;
	s18 =	simm.s32 @!p1 $0xF  }
0xbf: {  	_ =	swait.ge @!p1 [sflag:s18], $0x2000  }
0xc0: {  	s19 =	simm.s32 @!p0 $0x600;
	[sflag:s18] =	ssyncset.done @!p1 $0x0  }
0xc1: {  	s20 =	simm.s32 @!p0 $0x4800;
	[sflag:s18] =	ssyncadd.s32 @!p1 $0xFFFFE000;
	s18 =	simm.s32 @!p0 $0x40  }
0xc2: {  	[tilespmem:s20], [sflag:$0xB] =	stream.indirect.gather @!p0 [hbm4b:s4+s18], $0x80, s19, s18, $0xb8;
	[tilespmem:$0x1C800] =	vst v63  }
0xc3: {  	_ =	swait.ge [sflag:s11], $0x2000  }
.Ltmp10:
0xc4: {  	[sflag:s11] =	ssyncset.done $0x0;
	(pc) =	sbr.rel .LBB2_16-.Ltmp10, $4  }
0xc5: {  	p0 =	sgt.u32 s16, $0x97;
	[sflag:s11] =	ssyncadd.s32 $0xFFFFE000  }
0xc6: {  	[spmem:s2] =	stream.indirect.scatter.add.f32 [tilespmem:s13], [sflag:$0xE], $0x80, s12, s31, $0xb8;
	[tilespmem:$0x1C800] =	vst v63  }
0xc7: {  	s18 =	simm.s32 @!p0 $0x0;
	s19 =	simm.s32 @!p0 $0x200  }
0xc8: {  	[tilespmem:s19], [sflag:$0x3] =	stream.linear.gather @!p0 [hbm4b:s22+s18], $0x100, $0x38;
	[tilespmem:$0x1C800] =	vst v63  }
.LBB2_11:
0xc9: {  	p0 =	seq.s32 s18, $0x2  }
.Ltmp11:
0xca: {  	_ = 	snop;
	(pc) =	sbr.rel @!p0 .LBB2_14-.Ltmp11, $1  }
0xcb: {  	_ =	sdelay $0x3  }
0xcc: {  	p0 =	seq.s32 s16, $0x9C  }
0xcd: {  	s19 =	simm.s32 @!p0 $0x4  }
0xce: {  	p1 =	slt.u32 @!p0 s16, $0x3;
	_ =	swait.ge @!p0 [sflag:s19], $0x100  }
0xcf: {  	p1 =	por p1, p0;
	[sflag:s19] =	ssyncset.done @!p0 $0x0  }
0xd0: {  	[sflag:s19] =	ssyncadd.s32 @!p0 $0xFFFFFF00;
	s19 =	simm.s32 @!p1 $0x10  }
0xd1: {  	_ =	swait.ge @!p1 [sflag:s19], $0x2000  }
0xd2: {  	s20 =	simm.s32 @!p0 $0x300;
	[sflag:s19] =	ssyncset.done @!p1 $0x0  }
0xd3: {  	s21 =	simm.s32 @!p0 $0x6800;
	[sflag:s19] =	ssyncadd.s32 @!p1 $0xFFFFE000;
	s19 =	simm.s32 @!p0 $0x40  }
0xd4: {  	[tilespmem:s21], [sflag:$0xC] =	stream.indirect.gather @!p0 [hbm4b:s4+s19], $0x80, s20, s19, $0xb8;
	[tilespmem:$0x1C800] =	vst v63  }
0xd5: {  	_ =	swait.ge [sflag:s0], $0x2000  }
0xd6: {  	[sflag:s0] =	ssyncset.done $0x0  }
0xd7: {  	p0 =	sgt.u32 s16, $0x97;
	[sflag:s0] =	ssyncadd.s32 $0xFFFFE000  }
0xd8: {  	[spmem:s2] =	stream.indirect.scatter.add.f32 [tilespmem:s26], [sflag:$0xF], $0x80, s25, s31, $0xb8;
	[tilespmem:$0x1C800] =	vst v63  }
0xd9: {  	s19 =	simm.s32 @!p0 $0x0;
	s20 =	simm.s32 @!p0 $0x700  }
0xda: {  	[tilespmem:s20], [sflag:$0x8] =	stream.linear.gather @!p0 [hbm4b:s22+s19], $0x100, $0x38;
	[tilespmem:$0x1C800] =	vst v63  }
0xdb: {  	p0 =	seq.s32 s18, $0x4  }
.Ltmp12:
0xdc: {  	_ = 	snop;
	(pc) =	sbr.rel @p0 .LBB2_15-.Ltmp12, $1  }
0xdd: {  	_ =	sdelay $0x3  }
0xde: {  	p0 =	sne.s32 s18, $0x3  }
.Ltmp13:
0xdf: {  	_ = 	snop;
	(pc) =	sbr.rel @p0 .LBB2_16-.Ltmp13, $1  }
0xe0: {  	_ =	sdelay $0x3  }
.LBB2_14:
0xe1: {  	p0 =	seq.s32 s16, $0x9C  }
0xe2: {  	s19 =	simm.s32 @!p0 $0x5  }
0xe3: {  	p1 =	slt.u32 @!p0 s16, $0x3;
	_ =	swait.ge @!p0 [sflag:s19], $0x100  }
0xe4: {  	p1 =	por p1, p0;
	[sflag:s19] =	ssyncset.done @!p0 $0x0  }
0xe5: {  	[sflag:s19] =	ssyncadd.s32 @!p0 $0xFFFFFF00;
	s19 =	simm.s32 @!p1 $0xD  }
0xe6: {  	_ =	swait.ge @!p1 [sflag:s19], $0x2000  }
0xe7: {  	s20 =	simm.s32 @!p0 $0x400;
	[sflag:s19] =	ssyncset.done @!p1 $0x0  }
0xe8: {  	s21 =	simm.s32 @!p0 $0x800;
	[sflag:s19] =	ssyncadd.s32 @!p1 $0xFFFFE000;
	s19 =	simm.s32 @!p0 $0x40  }
0xe9: {  	[tilespmem:s21], [sflag:$0x9] =	stream.indirect.gather @!p0 [hbm4b:s4+s19], $0x80, s20, s19, $0xb8;
	[tilespmem:$0x1C800] =	vst v63  }
0xea: {  	_ =	swait.ge [sflag:s28], $0x2000  }
0xeb: {  	[sflag:s28] =	ssyncset.done $0x0  }
0xec: {  	p0 =	sgt.u32 s16, $0x97;
	[sflag:s28] =	ssyncadd.s32 $0xFFFFE000  }
0xed: {  	[spmem:s2] =	stream.indirect.scatter.add.f32 [tilespmem:s1], [sflag:$0x10], $0x80, s29, s31, $0xb8;
	[tilespmem:$0x1C800] =	vst v63  }
0xee: {  	s19 =	simm.s32 @!p0 $0x0  }
0xef: {  	[tilespmem:s19], [sflag:$0x1] =	stream.linear.gather @!p0 [hbm4b:s22+s19], $0x100, $0x38;
	[tilespmem:$0x1C800] =	vst v63  }
0xf0: {  	p0 =	sne.s32 s18, $0x4  }
.Ltmp14:
0xf1: {  	_ = 	snop;
	(pc) =	sbr.rel @p0 .LBB2_16-.Ltmp14, $4  }
.Ltmp15:
0xf2: {  	_ = 	snop;
	(pc) =	sbr.rel @!p0 .LBB2_15-.Ltmp15, $4  }
0xf3: {  	_ = 	snop  }
0xf4: {  	_ = 	snop  }
0xf5: {  	_ = 	snop  }
0xf6: {  	_ = 	snop  }
.LBB2_10:
0xf7: {  	p0 =	seq.s32 s18, $0x6  }
0xf8: {  	p2 =	seq.s32 @p0 s16, $0x9C  }
0xf9: {  	p1 =	por p2, !p0  }
0xfa: {  	s18 =	simm.s32 @!p1 $0x8;
	p3 =	slt.u32 @!p1 s16, $0x3  }
0xfb: {  	_ =	swait.ge @!p1 [sflag:s18], $0x100;
	p2 =	por @p0 p3, p2  }
0xfc: {  	[sflag:s18] =	ssyncset.done @!p1 $0x0;
	p2 =	por p2, !p0  }
0xfd: {  	[sflag:s18] =	ssyncadd.s32 @!p1 $0xFFFFFF00;
	s18 =	simm.s32 @!p2 $0x10  }
0xfe: {  	_ =	swait.ge @!p2 [sflag:s18], $0x2000  }
0xff: {  	s19 =	simm.s32 @!p1 $0x700;
	[sflag:s18] =	ssyncset.done @!p2 $0x0  }
0x100: {  	s20 =	simm.s32 @!p1 $0x6800;
	[sflag:s18] =	ssyncadd.s32 @!p2 $0xFFFFE000;
	s18 =	simm.s32 @!p1 $0x40  }
0x101: {  	[tilespmem:s20], [sflag:$0xC] =	stream.indirect.gather @!p1 [hbm4b:s4+s18], $0x80, s19, s18, $0xb8;
	[tilespmem:$0x1C800] =	vst v63  }
0x102: {  	s18 =	simm.s32 @p0 $0xB  }
0x103: {  	s19 =	simm.s32 @p0 $0x680;
	_ =	swait.ge @p0 [sflag:s18], $0x2000  }
0x104: {  	s20 =	simm.s32 @p0 $0x4800;
	p1 =	sgt.u32 @p0 s16, $0x97;
	[sflag:s18] =	ssyncset.done @p0 $0x0  }
0x105: {  	p1 =	por p1, !p0;
	[sflag:s18] =	ssyncadd.s32 @p0 $0xFFFFE000;
	s18 =	simm.s32 @p0 $0x40  }
0x106: {  	[spmem:s2] =	stream.indirect.scatter.add.f32 @p0 [tilespmem:s20], [sflag:$0xF], $0x80, s19, s18, $0xb8;
	[tilespmem:$0x1C800] =	vst v63  }
0x107: {  	p2 =	seq.s32 @!p0 s16, $0x9C;
	s18 =	simm.s32 @!p1 $0x0;
	s19 =	simm.s32 @!p1 $0x300  }
0x108: {  	[tilespmem:s19], [sflag:$0x4] =	stream.linear.gather @!p1 [hbm4b:s22+s18], $0x100, $0x38;
	[tilespmem:$0x1C800] =	vst v63  }
0x109: {  	p1 =	por p2, p0  }
0x10a: {  	s18 =	simm.s32 @!p1 $0x1;
	p3 =	slt.u32 @!p1 s16, $0x3  }
0x10b: {  	_ =	swait.ge @!p1 [sflag:s18], $0x100;
	p2 =	por @!p0 p3, p2  }
0x10c: {  	[sflag:s18] =	ssyncset.done @!p1 $0x0;
	p2 =	por p2, p0  }
0x10d: {  	[sflag:s18] =	ssyncadd.s32 @!p1 $0xFFFFFF00;
	s18 =	simm.s32 @!p2 $0xD  }
0x10e: {  	_ =	swait.ge @!p2 [sflag:s18], $0x2000  }
0x10f: {  	s19 =	simm.s32 @!p1 $0x0;
	[sflag:s18] =	ssyncset.done @!p2 $0x0  }
0x110: {  	s20 =	simm.s32 @!p1 $0x800;
	[sflag:s18] =	ssyncadd.s32 @!p2 $0xFFFFE000;
	s18 =	simm.s32 @!p1 $0x40  }
0x111: {  	[tilespmem:s20], [sflag:$0x9] =	stream.indirect.gather @!p1 [hbm4b:s4+s18], $0x80, s19, s18, $0xb8;
	[tilespmem:$0x1C800] =	vst v63  }
0x112: {  	s18 =	simm.s32 @!p0 $0xC  }
0x113: {  	s19 =	simm.s32 @!p0 $0x780;
	_ =	swait.ge @!p0 [sflag:s18], $0x2000  }
0x114: {  	s20 =	simm.s32 @!p0 $0x6800;
	p1 =	sgt.u32 @!p0 s16, $0x97;
	[sflag:s18] =	ssyncset.done @!p0 $0x0  }
.Ltmp16:
0x115: {  	[sflag:s18] =	ssyncadd.s32 @!p0 $0xFFFFE000;
	s18 =	simm.s32 @!p0 $0x40;
	(pc) =	sbr.rel .LBB2_16-.Ltmp16, $4  }
0x116: {  	[spmem:s2] =	stream.indirect.scatter.add.f32 @!p0 [tilespmem:s20], [sflag:$0x10], $0x80, s19, s18, $0xb8;
	[tilespmem:$0x1C800] =	vst v63  }
0x117: {  	p0 =	por p1, p0  }
0x118: {  	s18 =	simm.s32 @!p0 $0x0;
	s19 =	simm.s32 @!p0 $0x400  }
0x119: {  	[tilespmem:s19], [sflag:$0x5] =	stream.linear.gather @!p0 [hbm4b:s22+s18], $0x100, $0x38;
	[tilespmem:$0x1C800] =	vst v63  }
.LBB2_18:
0x11a: {  	_ =	sfence.sel $0x180000  }
0x11b: {  	[bflag:$0x0] =	sbarrier.arrive $0xFFFF  }
0x11c: {  	_ =	strace $0x9000004A  }
0x11d: {  	s0 =	stileid.u32;
	[bflag:$0x2] =	sbarrier.arrive $0xFFFF  }
0x11e: {  	p0 =	sne.s32 s0, $0x0;
	s0 =	rddreg [dreg:$0x2]  }
0x11f: {  	s0 =	sadd.s32 @!p0 $0x100000, s0  }
0x120: {  	[sflag:s0] =	ssyncadd.tile.s32 @!p0 $0x1;
	_ =	shalt  }
.Lfunc_end2:
_tile_overlayer_lowered:
.L_overlay_start_2:
0x121: {  	(tag) =	ssettag $0x2  }
0x122: {  	s0 =	rddreg [dreg:$0x0];
	s2 =	stileid.u32  }
0x123: {  	s1 =	rddreg [dreg:$0x1];
	p0 =	sne.s32 s2, $0x0  }
0x124: {  	s3 =	rddreg [dreg:$0x2];
	[bflag:$0x3] =	sbarrier.arrive $0xFFFF;
	s2 =	simm.s32 @!p0 $0x1C11  }
0x125: {  	[timem:s3], [sflag:s2] =	dma.local @!p0 [hbm:s0], s1  }
0x126: {  	s0 =	simm.s32 @!p0 $0x11  }
0x127: {  	_ =	swait.ge @!p0 [sflag:s0], s1  }
0x128: {  	s1 =	ssub.s32 @!p0 $0x0, s1;
	[sflag:s0] =	ssyncset.done @!p0 $0x0  }
0x129: {  	[sflag:s0] =	ssyncadd.s32 @!p0 s1  }
0x12a: {  	[bflag:$0x3] =	sbarrier.arrive $0xFFFF  }
0x12b: {  	_ =	shalt  }

</sc_bundles>
